<compile_context>
chip_gen: v7x
topology: tpu7x:2x2x1
jax: 0.10.2.dev20260603
libtpu: 0.0.44.dev20260713+nightly
codegen_flags: <defaults>
</compile_context>

<pallas_src>
import functools

import jax
import jax.numpy as jnp
from jax import lax
from jax.experimental import pallas as pl
from jax.experimental.pallas import tpu as pltpu
from jax.experimental.pallas import tpu_sc as plsc

F32 = jnp.float32
I32 = jnp.int32

N_NODES = 10000
N_EDGES = 160000
E2 = 2 * N_EDGES
NG = 256
HD = 128
ED = 64
NB = 1000
EB = 1000
NNB = N_NODES // NB
NEB = E2 // EB

NW = 32
PER_T = E2 // 16
CH = 80
NCHS = PER_T // CH
N_PAD = 10240
HALF = N_PAD // 2
ACC_ROWS = HALF + 128
OUTR = HALF // 16


def _bcast(shape):
    return pl.BlockSpec(shape, lambda *_: tuple(0 for _ in shape))



def _dot(a, b):
    return jnp.dot(a, b, preferred_element_type=F32)


def _onehot(idx, num):
    return (idx[:, None] ==
            lax.broadcasted_iota(I32, (idx.shape[0], num), 1)).astype(F32)


def _embed_h_body(h_ref, hjc_ref, tbl_ref, out_ref):
    hv = h_ref[0, 0]
    jv = hjc_ref[0, 0]
    h1 = _dot(_onehot(hv, 300), tbl_ref[...])
    h2 = _dot(_onehot(jv, 300), tbl_ref[...])
    out_ref[...] = jnp.concatenate([h1, h2], axis=1)


def _embed_h(h3, hjc3, tbl):
    return pl.pallas_call(
        _embed_h_body,
        grid=(NNB,),
        in_specs=[
            pl.BlockSpec((1, 1, NB), lambda i: (i, 0, 0)),
            pl.BlockSpec((1, 1, NB), lambda i: (i, 0, 0)),
            _bcast((300, 64)),
        ],
        out_specs=pl.BlockSpec((NB, HD), lambda i: (i, 0)),
        out_shape=jax.ShapeDtypeStruct((N_NODES, HD), F32),
    )(h3, hjc3, tbl)


def _embed_e_body(e_ref, tbl_ref, out_ref):
    ev = e_ref[0, 0]
    out_ref[...] = _dot(_onehot(ev, 5), tbl_ref[...])


def _embed_e(e3, tbl):
    return pl.pallas_call(
        _embed_e_body,
        grid=(NEB,),
        in_specs=[
            pl.BlockSpec((1, 1, EB), lambda i: (i, 0, 0)),
            _bcast((5, ED)),
        ],
        out_specs=pl.BlockSpec((EB, ED), lambda i: (i, 0)),
        out_shape=jax.ShapeDtypeStruct((E2, ED), F32),
    )(e3, tbl)


def _embed_g_body(g_ref, w_ref, b_ref, out_ref):
    out_ref[...] = _dot(g_ref[...], w_ref[...]) + b_ref[...]


def _embed_g(g, w, b):
    return pl.pallas_call(
        _embed_g_body,
        in_specs=[_bcast((NG, 64)), _bcast((64, HD)), _bcast((1, HD))],
        out_specs=_bcast((NG, HD)),
        out_shape=jax.ShapeDtypeStruct((NG, HD), F32),
    )(g, w, b.reshape(1, HD))


def _proj_body(h_ref, b_ref, g_ref, whs_ref, whd_ref, wg_ref, eb1_ref,
               asrc_ref, bdst_ref):
    h = h_ref[...]
    oh = _onehot(b_ref[0, 0], NG)
    gproj = _dot(g_ref[...], wg_ref[...])
    asrc_ref[...] = _dot(h, whs_ref[...])
    bdst_ref[...] = _dot(h, whd_ref[...]) + _dot(oh, gproj) + eb1_ref[...]


def _proj(h_embd, batch3, g_embd, whs, whd, wg, eb1):
    return pl.pallas_call(
        _proj_body,
        grid=(NNB,),
        in_specs=[
            pl.BlockSpec((NB, HD), lambda i: (i, 0)),
            pl.BlockSpec((1, 1, NB), lambda i: (i, 0, 0)),
            _bcast((NG, HD)),
            _bcast((HD, HD)),
            _bcast((HD, HD)),
            _bcast((HD, HD)),
            _bcast((1, HD)),
        ],
        out_specs=[
            pl.BlockSpec((NB, HD), lambda i: (i, 0)),
            pl.BlockSpec((NB, HD), lambda i: (i, 0)),
        ],
        out_shape=[jax.ShapeDtypeStruct((N_NODES, HD), F32)] * 2,
    )(h_embd, batch3, g_embd, whs, whd, wg, eb1.reshape(1, HD))


def _unpack_bf16(p):
    w = lax.bitcast_convert_type(p, jnp.int32)
    lo = lax.bitcast_convert_type(w << 16, F32)
    hi = lax.bitcast_convert_type(jnp.bitwise_and(w, jnp.int32(-65536)), F32)
    return jnp.concatenate([lo, hi], axis=1)


def _edge_body(a_ref, b_ref, e_ref, we_ref, w2_ref, eb2_ref, out_ref):
    e = e_ref[...]
    ab = _unpack_bf16(a_ref[...]) + _unpack_bf16(b_ref[...])
    hid = jax.nn.relu(ab + _dot(e, we_ref[...]))
    out_ref[...] = e + _dot(hid, w2_ref[...]) + eb2_ref[...]


def _edge_mlp(A, B, e_feat, we, w2, eb2):
    return pl.pallas_call(
        _edge_body,
        grid=(NEB,),
        in_specs=[
            pl.BlockSpec((EB, ED), lambda i: (i, 0)),
            pl.BlockSpec((EB, ED), lambda i: (i, 0)),
            pl.BlockSpec((EB, ED), lambda i: (i, 0)),
            _bcast((ED, HD)),
            _bcast((HD, ED)),
            _bcast((1, ED)),
        ],
        out_specs=pl.BlockSpec((EB, ED), lambda i: (i, 0)),
        out_shape=jax.ShapeDtypeStruct((E2, ED), F32),
    )(A, B, e_feat, we, w2, eb2.reshape(1, ED))


def _node_body(h_ref, a0_ref, b_ref, g_ref, wh_ref, wa_ref, wg_ref,
               nb1_ref, w2_ref, nb2_ref, out_ref):
    h = h_ref[...]
    agg = a0_ref[...]
    oh = _onehot(b_ref[0, 0], NG)
    gproj = _dot(g_ref[...], wg_ref[...])
    hid = jax.nn.relu(_dot(h, wh_ref[...]) + _dot(agg, wa_ref[...]) +
                      _dot(oh, gproj) + nb1_ref[...])
    out_ref[...] = h + _dot(hid, w2_ref[...]) + nb2_ref[...]


def _node_mlp(h_embd, agg0, batch3, g_embd, wh, wa, wg, nb1, w2, nb2):
    return pl.pallas_call(
        _node_body,
        grid=(NNB,),
        in_specs=[
            pl.BlockSpec((NB, HD), lambda i: (i, 0)),
            pl.BlockSpec((NB, ED), lambda i: (i, 0)),
            pl.BlockSpec((1, 1, NB), lambda i: (i, 0, 0)),
            _bcast((NG, HD)),
            _bcast((HD, HD)),
            _bcast((ED, HD)),
            _bcast((HD, HD)),
            _bcast((1, HD)),
            _bcast((HD, HD)),
            _bcast((1, HD)),
        ],
        out_specs=pl.BlockSpec((NB, HD), lambda i: (i, 0)),
        out_shape=jax.ShapeDtypeStruct((N_NODES, HD), F32),
    )(h_embd, agg0, batch3, g_embd, wh, wa, wg,
      nb1.reshape(1, HD), w2, nb2.reshape(1, HD))


def _graph_body(h_ref, b_ref, g_ref, wg_ref, whm_ref, gb1_ref, w2_ref,
                gb2_ref, out_ref, hsum_ref, cnt_ref):
    i = pl.program_id(0)

    @pl.when(i == 0)
    def _():
        hsum_ref[...] = jnp.zeros_like(hsum_ref)
        cnt_ref[...] = jnp.zeros_like(cnt_ref)

    oh = _onehot(b_ref[0, 0], NG)
    contract0 = (((0,), (0,)), ((), ()))
    hsum_ref[...] += lax.dot_general(oh, h_ref[...], contract0,
                                     preferred_element_type=F32)
    cnt_ref[...] += lax.dot_general(oh, jnp.ones((NB, HD), F32), contract0,
                                    preferred_element_type=F32)

    @pl.when(i == NNB - 1)
    def _():
        g = g_ref[...]
        hmean = hsum_ref[...] / jnp.maximum(cnt_ref[...], 1.0)
        hid = jax.nn.relu(_dot(g, wg_ref[...]) + _dot(hmean, whm_ref[...]) +
                          gb1_ref[...])
        out_ref[...] = g + _dot(hid, w2_ref[...]) + gb2_ref[...]


def _graph_mlp(h_new, batch3, g_embd, wg, whm, gb1, w2, gb2):
    return pl.pallas_call(
        _graph_body,
        grid=(NNB,),
        in_specs=[
            pl.BlockSpec((NB, HD), lambda i: (i, 0)),
            pl.BlockSpec((1, 1, NB), lambda i: (i, 0, 0)),
            _bcast((NG, HD)),
            _bcast((HD, HD)),
            _bcast((HD, HD)),
            _bcast((1, HD)),
            _bcast((HD, HD)),
            _bcast((1, HD)),
        ],
        out_specs=_bcast((NG, HD)),
        out_shape=jax.ShapeDtypeStruct((NG, HD), F32),
        scratch_shapes=[pltpu.VMEM((NG, HD), F32), pltpu.VMEM((NG, HD), F32)],
    )(h_new, batch3, g_embd, wg, whm, gb1.reshape(1, HD), w2,
      gb2.reshape(1, HD))


def _readout_body(g_ref, w1_ref, b1_ref, w2_ref, b2_ref, out_ref):
    hid = jax.nn.relu(_dot(g_ref[...], w1_ref[...]) + b1_ref[...])
    out_ref[...] = _dot(hid, w2_ref[...]) + b2_ref[...]


def _readout(g_embd, w1, b1, w2, b2):
    return pl.pallas_call(
        _readout_body,
        in_specs=[_bcast((NG, HD)), _bcast((HD, HD)), _bcast((1, HD)),
                  _bcast((HD, HD)), _bcast((1, HD))],
        out_specs=_bcast((NG, HD)),
        out_shape=jax.ShapeDtypeStruct((NG, HD), F32),
    )(g_embd, w1, b1.reshape(1, HD), w2, b2.reshape(1, HD))



@functools.lru_cache(maxsize=None)
def _sc_kernels():
    mesh = plsc.VectorSubcoreMesh(core_axis_name="c", subcore_axis_name="s")

    @functools.partial(
        pl.kernel,
        mesh=mesh,
        out_type=[jax.ShapeDtypeStruct((E2, ED), F32)] * 2,
        scratch_types=[
            pltpu.VMEM((CH,), I32),
            pltpu.VMEM((CH,), I32),
            pltpu.VMEM((CH, ED), F32),
            pltpu.VMEM((CH, ED), F32),
            pltpu.SemaphoreType.DMA,
        ],
        compiler_params=pltpu.CompilerParams(use_tc_tiling_on_sc=False),
    )
    def gather_ab(asrc, bdst, src_i, dst_i, out_a, out_b,
                  idx_s, idx_d, rows_a, rows_b, sem):
        wid = lax.axis_index("s") * 2 + lax.axis_index("c")
        base = wid * (E2 // NW)

        def body(j, carry):
            off = base + j * CH
            pltpu.sync_copy(src_i.at[pl.ds(off, CH)], idx_s)
            pltpu.sync_copy(dst_i.at[pl.ds(off, CH)], idx_d)
            ca = pltpu.async_copy(asrc.at[idx_s], rows_a, sem)
            cb = pltpu.async_copy(bdst.at[idx_d], rows_b, sem)
            ca.wait()
            cb.wait()
            pltpu.sync_copy(rows_a, out_a.at[pl.ds(off, CH)])
            pltpu.sync_copy(rows_b, out_b.at[pl.ds(off, CH)])
            return carry

        lax.fori_loop(0, (E2 // NW) // CH, body, 0)

    @functools.partial(
        pl.kernel,
        mesh=mesh,
        out_type=jax.ShapeDtypeStruct((N_PAD, ED), F32),
        scratch_types=[
            pltpu.VMEM((CH,), I32),
            pltpu.VMEM((CH, ED), F32),
            pltpu.VMEM_SHARED((ACC_ROWS, ED), F32),
        ],
        compiler_params=pltpu.CompilerParams(use_tc_tiling_on_sc=False),
    )
    def scatter_agg(e_new, dst2, zeros_hbm, out, idx_d, rows, acc):
        cid = lax.axis_index("c")
        sid = lax.axis_index("s")
        lo = cid * HALF

        @pl.when(sid == 0)
        def _():
            pltpu.sync_copy(zeros_hbm, acc)

        plsc.subcore_barrier()

        def body(j, carry):
            off = cid * E2 + sid * PER_T + j * CH
            pltpu.sync_copy(dst2.at[pl.ds(off, CH)], idx_d)
            pltpu.sync_copy(e_new.at[pl.ds(sid * PER_T + j * CH, CH)], rows)
            pltpu.sync_copy(rows, acc.at[idx_d], add=True)
            return carry

        lax.fori_loop(0, NCHS, body, 0)
        plsc.subcore_barrier()
        pltpu.sync_copy(acc.at[pl.ds(sid * OUTR, OUTR)],
                        out.at[pl.ds(lo + sid * OUTR, OUTR)])

    return gather_ab, scatter_agg


def _gather_ab(asrc, bdst, src_i, dst_i):
    return _sc_kernels()[0](asrc, bdst, src_i, dst_i)


def _scatter_agg(e_new, dst_i, zeros_hbm):
    return _sc_kernels()[1](e_new, dst_i, zeros_hbm)



def _pack_bf16(x):
    xb = x.astype(jnp.bfloat16)
    return lax.bitcast_convert_type(
        jnp.stack([xb[:, :64], xb[:, 64:]], axis=-1), F32)


def kernel(h, h_junction_count, e_index, e, g, batch, params):
    h3 = h.astype(I32).reshape(NNB, 1, NB)
    hjc3 = h_junction_count.astype(I32).reshape(NNB, 1, NB)
    batch3 = batch.astype(I32).reshape(NNB, 1, NB)
    src_i = jnp.concatenate([e_index[0], e_index[1]]).astype(I32)
    dst_i = jnp.concatenate([e_index[1], e_index[0]]).astype(I32)
    e3 = jnp.concatenate([e, e]).astype(I32).reshape(NEB, 1, EB)
    zeros_hbm = jnp.zeros((ACC_ROWS, ED), F32)
    dst_c0 = jnp.where(dst_i < HALF, dst_i, HALF)
    dst_c1 = jnp.where(dst_i >= HALF, dst_i - HALF, HALF)
    dst2 = jnp.concatenate([dst_c0, dst_c1])

    p = params
    h_embd = _embed_h(h3, hjc3, p["embd_h"])
    e_feat = _embed_e(e3, p["embd_e"])
    g_embd = _embed_g(g, p["embd_g_W"], p["embd_g_b"])

    for lp in p["layers"]:
        eW1 = lp["eW1"]
        asrc, bdst = _proj(h_embd, batch3, g_embd,
                           eW1[0:128], eW1[128:256], eW1[320:448], lp["eb1"])
        A, B = _gather_ab(_pack_bf16(asrc), _pack_bf16(bdst), src_i, dst_i)
        e_feat = _edge_mlp(A, B, e_feat, eW1[256:320], lp["eW2"], lp["eb2"])
        agg2 = _scatter_agg(e_feat, dst2, zeros_hbm)
        nW1 = lp["nW1"]
        h_embd = _node_mlp(h_embd, agg2[:N_NODES],
                           batch3, g_embd, nW1[0:128], nW1[128:192],
                           nW1[192:320], lp["nb1"], lp["nW2"], lp["nb2"])
        gW1 = lp["gW1"]
        g_embd = _graph_mlp(h_embd, batch3, g_embd, gW1[0:128], gW1[128:256],
                            lp["gb1"], lp["gW2"], lp["gb2"])

    return _readout(g_embd, p["roW1"], p["rob1"], p["roW2"], p["rob2"])

# --- scband reference (transcript-rebuilt; emitter-appended) ---
"""Pipeline reference for scband-frag-to-vect-14620068675884 (READ-ONLY COPY).

The authoritative reference and input builder live on the scoring server;
editing this copy changes nothing except your own understanding.
"""

import jax, jax.numpy as jnp
import numpy as np

EMBD_H_DIM = 128
EMBD_E_DIM = 64
FRAG_G_DIM = 64
HID_DIM = 128
N_LAYERS = 3
N_NODES = 10000
N_EDGES = 160000
N_GRAPHS = 256

def _linear_init(key, fan_in, fan_out):
    k1, k2 = jax.random.split(key)
    s = 1.0 / np.sqrt(fan_in)
    W = jax.random.uniform(k1, (fan_in, fan_out), minval=-s, maxval=s, dtype=jnp.float32)
    b = jax.random.uniform(k2, (fan_out,), minval=-s, maxval=s, dtype=jnp.float32)
    return W, b

def setup_inputs(seed: int = 0):
    key = jax.random.key(seed)
    ks = jax.random.split(key, 40)
    h = jax.random.randint(ks[0], (N_NODES,), 0, 300)
    h_junction_count = jax.random.randint(ks[1], (N_NODES,), 0, 5)
    e_index = jax.random.randint(ks[2], (2, N_EDGES), 0, N_NODES)
    e = jax.random.randint(ks[3], (N_EDGES,), 0, 5)
    g = jax.random.normal(ks[4], (N_GRAPHS, FRAG_G_DIM), dtype=jnp.float32)
    batch = jnp.sort(jax.random.randint(ks[5], (N_NODES,), 0, N_GRAPHS))
    params = {}
    params["embd_h"] = jax.random.normal(ks[6], (300, EMBD_H_DIM // 2), dtype=jnp.float32)
    params["embd_e"] = jax.random.normal(ks[7], (5, EMBD_E_DIM), dtype=jnp.float32)
    params["embd_g_W"], params["embd_g_b"] = _linear_init(ks[8], FRAG_G_DIM, EMBD_H_DIM)
    layers = []
    kidx = 9
    h_dim, e_dim, g_dim = EMBD_H_DIM, EMBD_E_DIM, EMBD_H_DIM
    for _ in range(N_LAYERS):
        lp = {}
        lp["eW1"], lp["eb1"] = _linear_init(ks[kidx], 2 * h_dim + e_dim + g_dim, HID_DIM); kidx += 1
        lp["eW2"], lp["eb2"] = _linear_init(ks[kidx], HID_DIM, e_dim); kidx += 1
        lp["nW1"], lp["nb1"] = _linear_init(ks[kidx], h_dim + e_dim + g_dim, HID_DIM); kidx += 1
        lp["nW2"], lp["nb2"] = _linear_init(ks[kidx], HID_DIM, h_dim); kidx += 1
        lp["gW1"], lp["gb1"] = _linear_init(ks[kidx], g_dim + h_dim, HID_DIM); kidx += 1
        lp["gW2"], lp["gb2"] = _linear_init(ks[kidx], HID_DIM, g_dim); kidx += 1
        layers.append(lp)
    params["layers"] = layers
    params["roW1"], params["rob1"] = _linear_init(ks[kidx], EMBD_H_DIM, EMBD_H_DIM); kidx += 1
    params["roW2"], params["rob2"] = _linear_init(ks[kidx], EMBD_H_DIM, EMBD_H_DIM)
    return {"h": h, "h_junction_count": h_junction_count, "e_index": e_index, "e": e, "g": g, "batch": batch, "params": params}

def _half_edge_to_full_edge(e_index, e_feat):
    bidi_index = jnp.concatenate([e_index, e_index[::-1, :]], axis=1)
    bidi_feat = jnp.concatenate([e_feat, e_feat], axis=0)
    return bidi_index, bidi_feat

def _mpnn_layer(lp, h, e_index, e, g, batch):
    src, dst = e_index[0], e_index[1]
    m_in = jnp.concatenate([h[src], h[dst], e, g[batch[dst]]], axis=1)
    m = jax.nn.relu(m_in @ lp["eW1"] + lp["eb1"]) @ lp["eW2"] + lp["eb2"]
    e_new = e + m
    agg = jax.ops.segment_sum(e_new, dst, num_segments=h.shape[0])
    n_in = jnp.concatenate([h, agg, g[batch]], axis=1)
    h_new = h + (jax.nn.relu(n_in @ lp["nW1"] + lp["nb1"]) @ lp["nW2"] + lp["nb2"])
    hsum = jax.ops.segment_sum(h_new, batch, num_segments=g.shape[0])
    cnt = jax.ops.segment_sum(jnp.ones((h.shape[0],), dtype=h.dtype), batch, num_segments=g.shape[0])
    hmean = hsum / jnp.maximum(cnt, 1.0)[:, None]
    g_in = jnp.concatenate([g, hmean], axis=1)
    g_new = g + (jax.nn.relu(g_in @ lp["gW1"] + lp["gb1"]) @ lp["gW2"] + lp["gb2"])
    return h_new, e_new, g_new

def _forward(g, params, h, h_junction_count, e_index, e, batch):
    h1 = jnp.take(params["embd_h"], h, axis=0)
    h2 = jnp.take(params["embd_h"], h_junction_count, axis=0)  # faithful: original forward uses self.embd_h for both lookups
    h_embd = jnp.concatenate([h1, h2], axis=1)
    e_embd = jnp.take(params["embd_e"], e, axis=0)
    bidi_e_index, bidi_e_embd = _half_edge_to_full_edge(e_index, e_embd)
    g_embd = g @ params["embd_g_W"] + params["embd_g_b"]
    for lp in params["layers"]:
        h_embd, bidi_e_embd, g_embd = _mpnn_layer(lp, h_embd, bidi_e_index, bidi_e_embd, g_embd, batch)
    z = jax.nn.relu(g_embd @ params["roW1"] + params["rob1"]) @ params["roW2"] + params["rob2"]
    return z

def reference(h, h_junction_count, e_index, e, g, batch, params):
    return _forward(g, params, h, h_junction_count, e_index, e, batch)

if __name__ == "__main__":
    import jax
    _d = setup_inputs()
    print(jax.jit(kernel)(*tuple(_d.values())))

</pallas_src>

<mosaic_0001>
#map = affine_map<(d0, d1) -> (0, 0)>
#map1 = affine_map<(d0, d1) -> (0)>
module attributes {stable_mosaic.version = 14 : i64} {
  func.func @gather_ab(%arg0: i32, %arg1: i32, %arg2: memref<10000x64xf32, #tpu.memory_space<hbm>>, %arg3: memref<10000x64xf32, #tpu.memory_space<hbm>>, %arg4: memref<320000xi32, #tpu.memory_space<hbm>>, %arg5: memref<320000xi32, #tpu.memory_space<hbm>>, %arg6: memref<320000x64xf32, #tpu.memory_space<hbm>>, %arg7: memref<320000x64xf32, #tpu.memory_space<hbm>>, %arg8: memref<80xi32, #tpu.memory_space<vmem>>, %arg9: memref<80xi32, #tpu.memory_space<vmem>>, %arg10: memref<80x64xf32, #tpu.memory_space<vmem>>, %arg11: memref<80x64xf32, #tpu.memory_space<vmem>>, %arg12: memref<!tpu.dma_semaphore, #tpu.memory_space<semaphore_mem>>) attributes {dimension_semantics = [#tpu.dimension_semantics<core_parallel>, #tpu.dimension_semantics<subcore_parallel>], iteration_bounds = array<i64: 2, 16>, scalar_prefetch = 0 : i64, scratch_operands = 5 : i64, tpu.core_type = #tpu.core_type<sc_vector_subcore>, window_params = [{transform_indices = #map}, {transform_indices = #map}, {transform_indices = #map1}, {transform_indices = #map1}, {transform_indices = #map}, {transform_indices = #map}]} {
    %mul3A = arith.constant 2 : i32
    %mul3A_0 = arith.muli %arg1, %mul3A : i32
    %add3A = arith.addi %mul3A_0, %arg0 : i32
    %mul3A_1 = arith.constant 10000 : i32
    %mul3A_2 = arith.muli %add3A, %mul3A_1 : i32
    %scan3A = arith.constant 0 : i32
    %scan3A_3 = arith.constant 0 : i32
    %scan3A_4 = arith.constant 125 : i32
    %scan3A_5 = arith.addi %scan3A_3, %scan3A_4 : i32
    %scan3A_6 = arith.constant 1 : i32
    scf.for %scan3A_8 = %scan3A_3 to %scan3A_5 step %scan3A_6  : i32 {
      %mul3A_9 = arith.constant 80 : i32
      %mul3A_10 = arith.muli %scan3A_8, %mul3A_9 : i32
      %add3A_11 = arith.addi %mul3A_2, %mul3A_10 : i32
      "tpu.region"() ({
        %run_scoped3A = tpu.sem_alloc : memref<!tpu.dma_semaphore, #tpu.memory_space<semaphore_mem>>
        %dma_start3A_22 = tpu.memref_slice %arg4[%add3A_11] : memref<320000xi32, #tpu.memory_space<hbm>> -> memref<80xi32, #tpu.memory_space<hbm>>
        %dma_start3A_23 = tpu.memref_slice %arg4[%add3A_11] : memref<320000xi32, #tpu.memory_space<hbm>> -> memref<80xi32, #tpu.memory_space<hbm>>
        tpu.enqueue_dma source(%dma_start3A_23 : memref<80xi32, #tpu.memory_space<hbm>>) target(%arg8 : memref<80xi32, #tpu.memory_space<vmem>>) target_semaphore(%run_scoped3A : memref<!tpu.dma_semaphore, #tpu.memory_space<semaphore_mem>>)
        %dma_wait3A_24 = tpu.memref_slice %arg4[%add3A_11] : memref<320000xi32, #tpu.memory_space<hbm>> -> memref<80xi32, #tpu.memory_space<hbm>>
        %dma_wait3A_25 = tpu.memref_slice %arg4[%add3A_11] : memref<320000xi32, #tpu.memory_space<hbm>> -> memref<80xi32, #tpu.memory_space<hbm>>
        tpu.wait_dma2 semaphore(%run_scoped3A : memref<!tpu.dma_semaphore, #tpu.memory_space<semaphore_mem>>) src(%dma_wait3A_25 : memref<80xi32, #tpu.memory_space<hbm>>) dst(%arg8 : memref<80xi32, #tpu.memory_space<vmem>>)
        tpu.yield
      }) : () -> ()
      "tpu.region"() ({
        %run_scoped3A = tpu.sem_alloc : memref<!tpu.dma_semaphore, #tpu.memory_space<semaphore_mem>>
        %dma_start3A_22 = tpu.memref_slice %arg5[%add3A_11] : memref<320000xi32, #tpu.memory_space<hbm>> -> memref<80xi32, #tpu.memory_space<hbm>>
        %dma_start3A_23 = tpu.memref_slice %arg5[%add3A_11] : memref<320000xi32, #tpu.memory_space<hbm>> -> memref<80xi32, #tpu.memory_space<hbm>>
        tpu.enqueue_dma source(%dma_start3A_23 : memref<80xi32, #tpu.memory_space<hbm>>) target(%arg9 : memref<80xi32, #tpu.memory_space<vmem>>) target_semaphore(%run_scoped3A : memref<!tpu.dma_semaphore, #tpu.memory_space<semaphore_mem>>)
        %dma_wait3A_24 = tpu.memref_slice %arg5[%add3A_11] : memref<320000xi32, #tpu.memory_space<hbm>> -> memref<80xi32, #tpu.memory_space<hbm>>
        %dma_wait3A_25 = tpu.memref_slice %arg5[%add3A_11] : memref<320000xi32, #tpu.memory_space<hbm>> -> memref<80xi32, #tpu.memory_space<hbm>>
        tpu.wait_dma2 semaphore(%run_scoped3A : memref<!tpu.dma_semaphore, #tpu.memory_space<semaphore_mem>>) src(%dma_wait3A_25 : memref<80xi32, #tpu.memory_space<hbm>>) dst(%arg9 : memref<80xi32, #tpu.memory_space<vmem>>)
        tpu.yield
      }) : () -> ()
      %dma_start3A = arith.constant 0 : i32
      %dma_start3A_12 = arith.constant 0 : i32
      %dma_start3A_13 = tpu.memref_slice %arg2[%dma_start3A, %dma_start3A_12] : memref<10000x64xf32, #tpu.memory_space<hbm>> -> memref<10000x64xf32, #tpu.memory_space<hbm>>
      tpu.enqueue_indirect_dma source(%dma_start3A_13 : memref<10000x64xf32, #tpu.memory_space<hbm>>) target(%arg10 : memref<80x64xf32, #tpu.memory_space<vmem>>) offsets(%arg8 : memref<80xi32, #tpu.memory_space<vmem>>) semaphore(%arg12 : memref<!tpu.dma_semaphore, #tpu.memory_space<semaphore_mem>>)
      %dma_start3A_14 = arith.constant 0 : i32
      %dma_start3A_15 = arith.constant 0 : i32
      %dma_start3A_16 = tpu.memref_slice %arg3[%dma_start3A_14, %dma_start3A_15] : memref<10000x64xf32, #tpu.memory_space<hbm>> -> memref<10000x64xf32, #tpu.memory_space<hbm>>
      tpu.enqueue_indirect_dma source(%dma_start3A_16 : memref<10000x64xf32, #tpu.memory_space<hbm>>) target(%arg11 : memref<80x64xf32, #tpu.memory_space<vmem>>) offsets(%arg9 : memref<80xi32, #tpu.memory_space<vmem>>) semaphore(%arg12 : memref<!tpu.dma_semaphore, #tpu.memory_space<semaphore_mem>>)
      %dma_wait3A = arith.constant 0 : i32
      %dma_wait3A_17 = arith.constant 0 : i32
      %dma_wait3A_18 = tpu.memref_slice %arg2[%dma_wait3A, %dma_wait3A_17] : memref<10000x64xf32, #tpu.memory_space<hbm>> -> memref<10000x64xf32, #tpu.memory_space<hbm>>
      tpu.wait_indirect_dma semaphore(%arg12 : memref<!tpu.dma_semaphore, #tpu.memory_space<semaphore_mem>>) src(%dma_wait3A_18 : memref<10000x64xf32, #tpu.memory_space<hbm>>) dst(%arg10 : memref<80x64xf32, #tpu.memory_space<vmem>>)
      %dma_wait3A_19 = arith.constant 0 : i32
      %dma_wait3A_20 = arith.constant 0 : i32
      %dma_wait3A_21 = tpu.memref_slice %arg3[%dma_wait3A_19, %dma_wait3A_20] : memref<10000x64xf32, #tpu.memory_space<hbm>> -> memref<10000x64xf32, #tpu.memory_space<hbm>>
      tpu.wait_indirect_dma semaphore(%arg12 : memref<!tpu.dma_semaphore, #tpu.memory_space<semaphore_mem>>) src(%dma_wait3A_21 : memref<10000x64xf32, #tpu.memory_space<hbm>>) dst(%arg11 : memref<80x64xf32, #tpu.memory_space<vmem>>)
      "tpu.region"() ({
        %run_scoped3A = tpu.sem_alloc : memref<!tpu.dma_semaphore, #tpu.memory_space<semaphore_mem>>
        %dma_start3A_22 = arith.constant 0 : i32
        %dma_start3A_23 = tpu.memref_slice %arg6[%add3A_11, %dma_start3A_22] : memref<320000x64xf32, #tpu.memory_space<hbm>> -> memref<80x64xf32, #tpu.memory_space<hbm>>
        %dma_start3A_24 = arith.constant 0 : i32
        %dma_start3A_25 = tpu.memref_slice %arg6[%add3A_11, %dma_start3A_24] : memref<320000x64xf32, #tpu.memory_space<hbm>> -> memref<80x64xf32, #tpu.memory_space<hbm>>
        tpu.enqueue_dma source(%arg10 : memref<80x64xf32, #tpu.memory_space<vmem>>) target(%dma_start3A_25 : memref<80x64xf32, #tpu.memory_space<hbm>>) target_semaphore(%run_scoped3A : memref<!tpu.dma_semaphore, #tpu.memory_space<semaphore_mem>>)
        %dma_wait3A_26 = arith.constant 0 : i32
        %dma_wait3A_27 = tpu.memref_slice %arg6[%add3A_11, %dma_wait3A_26] : memref<320000x64xf32, #tpu.memory_space<hbm>> -> memref<80x64xf32, #tpu.memory_space<hbm>>
        %dma_wait3A_28 = arith.constant 0 : i32
        %dma_wait3A_29 = tpu.memref_slice %arg6[%add3A_11, %dma_wait3A_28] : memref<320000x64xf32, #tpu.memory_space<hbm>> -> memref<80x64xf32, #tpu.memory_space<hbm>>
        tpu.wait_dma2 semaphore(%run_scoped3A : memref<!tpu.dma_semaphore, #tpu.memory_space<semaphore_mem>>) src(%arg10 : memref<80x64xf32, #tpu.memory_space<vmem>>) dst(%dma_wait3A_29 : memref<80x64xf32, #tpu.memory_space<hbm>>)
        tpu.yield
      }) : () -> ()
      "tpu.region"() ({
        %run_scoped3A = tpu.sem_alloc : memref<!tpu.dma_semaphore, #tpu.memory_space<semaphore_mem>>
        %dma_start3A_22 = arith.constant 0 : i32
        %dma_start3A_23 = tpu.memref_slice %arg7[%add3A_11, %dma_start3A_22] : memref<320000x64xf32, #tpu.memory_space<hbm>> -> memref<80x64xf32, #tpu.memory_space<hbm>>
        %dma_start3A_24 = arith.constant 0 : i32
        %dma_start3A_25 = tpu.memref_slice %arg7[%add3A_11, %dma_start3A_24] : memref<320000x64xf32, #tpu.memory_space<hbm>> -> memref<80x64xf32, #tpu.memory_space<hbm>>
        tpu.enqueue_dma source(%arg11 : memref<80x64xf32, #tpu.memory_space<vmem>>) target(%dma_start3A_25 : memref<80x64xf32, #tpu.memory_space<hbm>>) target_semaphore(%run_scoped3A : memref<!tpu.dma_semaphore, #tpu.memory_space<semaphore_mem>>)
        %dma_wait3A_26 = arith.constant 0 : i32
        %dma_wait3A_27 = tpu.memref_slice %arg7[%add3A_11, %dma_wait3A_26] : memref<320000x64xf32, #tpu.memory_space<hbm>> -> memref<80x64xf32, #tpu.memory_space<hbm>>
        %dma_wait3A_28 = arith.constant 0 : i32
        %dma_wait3A_29 = tpu.memref_slice %arg7[%add3A_11, %dma_wait3A_28] : memref<320000x64xf32, #tpu.memory_space<hbm>> -> memref<80x64xf32, #tpu.memory_space<hbm>>
        tpu.wait_dma2 semaphore(%run_scoped3A : memref<!tpu.dma_semaphore, #tpu.memory_space<semaphore_mem>>) src(%arg11 : memref<80x64xf32, #tpu.memory_space<vmem>>) dst(%dma_wait3A_29 : memref<80x64xf32, #tpu.memory_space<hbm>>)
        tpu.yield
      }) : () -> ()
    }
    %scan3A_7 = arith.constant 125 : i32
    return
  }
}

#map = affine_map<(d0, d1) -> (0, 0)>
#map1 = affine_map<(d0, d1) -> (0)>
module attributes {stable_mosaic.version = 14 : i64} {
  func.func @gather_ab(%arg0: i32, %arg1: i32, %arg2: memref<10000x64xf32, #tpu.memory_space<hbm>>, %arg3: memref<10000x64xf32, #tpu.memory_space<hbm>>, %arg4: memref<320000xi32, #tpu.memory_space<hbm>>, %arg5: memref<320000xi32, #tpu.memory_space<hbm>>, %arg6: memref<320000x64xf32, #tpu.memory_space<hbm>>, %arg7: memref<320000x64xf32, #tpu.memory_space<hbm>>, %arg8: memref<80xi32, #tpu.memory_space<vmem>>, %arg9: memref<80xi32, #tpu.memory_space<vmem>>, %arg10: memref<80x64xf32, #tpu.memory_space<vmem>>, %arg11: memref<80x64xf32, #tpu.memory_space<vmem>>, %arg12: memref<!tpu.dma_semaphore, #tpu.memory_space<semaphore_mem>>) attributes {dimension_semantics = [#tpu.dimension_semantics<core_parallel>, #tpu.dimension_semantics<subcore_parallel>], iteration_bounds = array<i64: 2, 16>, scalar_prefetch = 0 : i64, scratch_operands = 5 : i64, tpu.core_type = #tpu.core_type<sc_vector_subcore>, window_params = [{transform_indices = #map}, {transform_indices = #map}, {transform_indices = #map1}, {transform_indices = #map1}, {transform_indices = #map}, {transform_indices = #map}]} {
    %mul3A = arith.constant 2 : i32
    %mul3A_0 = arith.muli %arg1, %mul3A : i32
    %add3A = arith.addi %mul3A_0, %arg0 : i32
    %mul3A_1 = arith.constant 10000 : i32
    %mul3A_2 = arith.muli %add3A, %mul3A_1 : i32
    %scan3A = arith.constant 0 : i32
    %scan3A_3 = arith.constant 0 : i32
    %scan3A_4 = arith.constant 125 : i32
    %scan3A_5 = arith.addi %scan3A_3, %scan3A_4 : i32
    %scan3A_6 = arith.constant 1 : i32
    scf.for %scan3A_8 = %scan3A_3 to %scan3A_5 step %scan3A_6  : i32 {
      %mul3A_9 = arith.constant 80 : i32
      %mul3A_10 = arith.muli %scan3A_8, %mul3A_9 : i32
      %add3A_11 = arith.addi %mul3A_2, %mul3A_10 : i32
      "tpu.region"() ({
        %run_scoped3A = tpu.sem_alloc : memref<!tpu.dma_semaphore, #tpu.memory_space<semaphore_mem>>
        %dma_start3A_22 = tpu.memref_slice %arg4[%add3A_11] : memref<320000xi32, #tpu.memory_space<hbm>> -> memref<80xi32, #tpu.memory_space<hbm>>
        %dma_start3A_23 = tpu.memref_slice %arg4[%add3A_11] : memref<320000xi32, #tpu.memory_space<hbm>> -> memref<80xi32, #tpu.memory_space<hbm>>
        tpu.enqueue_dma source(%dma_start3A_23 : memref<80xi32, #tpu.memory_space<hbm>>) target(%arg8 : memref<80xi32, #tpu.memory_space<vmem>>) target_semaphore(%run_scoped3A : memref<!tpu.dma_semaphore, #tpu.memory_space<semaphore_mem>>)
        %dma_wait3A_24 = tpu.memref_slice %arg4[%add3A_11] : memref<320000xi32, #tpu.memory_space<hbm>> -> memref<80xi32, #tpu.memory_space<hbm>>
        %dma_wait3A_25 = tpu.memref_slice %arg4[%add3A_11] : memref<320000xi32, #tpu.memory_space<hbm>> -> memref<80xi32, #tpu.memory_space<hbm>>
        tpu.wait_dma2 semaphore(%run_scoped3A : memref<!tpu.dma_semaphore, #tpu.memory_space<semaphore_mem>>) src(%dma_wait3A_25 : memref<80xi32, #tpu.memory_space<hbm>>) dst(%arg8 : memref<80xi32, #tpu.memory_space<vmem>>)
        tpu.yield
      }) : () -> ()
      "tpu.region"() ({
        %run_scoped3A = tpu.sem_alloc : memref<!tpu.dma_semaphore, #tpu.memory_space<semaphore_mem>>
        %dma_start3A_22 = tpu.memref_slice %arg5[%add3A_11] : memref<320000xi32, #tpu.memory_space<hbm>> -> memref<80xi32, #tpu.memory_space<hbm>>
        %dma_start3A_23 = tpu.memref_slice %arg5[%add3A_11] : memref<320000xi32, #tpu.memory_space<hbm>> -> memref<80xi32, #tpu.memory_space<hbm>>
        tpu.enqueue_dma source(%dma_start3A_23 : memref<80xi32, #tpu.memory_space<hbm>>) target(%arg9 : memref<80xi32, #tpu.memory_space<vmem>>) target_semaphore(%run_scoped3A : memref<!tpu.dma_semaphore, #tpu.memory_space<semaphore_mem>>)
        %dma_wait3A_24 = tpu.memref_slice %arg5[%add3A_11] : memref<320000xi32, #tpu.memory_space<hbm>> -> memref<80xi32, #tpu.memory_space<hbm>>
        %dma_wait3A_25 = tpu.memref_slice %arg5[%add3A_11] : memref<320000xi32, #tpu.memory_space<hbm>> -> memref<80xi32, #tpu.memory_space<hbm>>
        tpu.wait_dma2 semaphore(%run_scoped3A : memref<!tpu.dma_semaphore, #tpu.memory_space<semaphore_mem>>) src(%dma_wait3A_25 : memref<80xi32, #tpu.memory_space<hbm>>) dst(%arg9 : memref<80xi32, #tpu.memory_space<vmem>>)
        tpu.yield
      }) : () -> ()
      %dma_start3A = arith.constant 0 : i32
      %dma_start3A_12 = arith.constant 0 : i32
      %dma_start3A_13 = tpu.memref_slice %arg2[%dma_start3A, %dma_start3A_12] : memref<10000x64xf32, #tpu.memory_space<hbm>> -> memref<10000x64xf32, #tpu.memory_space<hbm>>
      tpu.enqueue_indirect_dma source(%dma_start3A_13 : memref<10000x64xf32, #tpu.memory_space<hbm>>) target(%arg10 : memref<80x64xf32, #tpu.memory_space<vmem>>) offsets(%arg8 : memref<80xi32, #tpu.memory_space<vmem>>) semaphore(%arg12 : memref<!tpu.dma_semaphore, #tpu.memory_space<semaphore_mem>>)
      %dma_start3A_14 = arith.constant 0 : i32
      %dma_start3A_15 = arith.constant 0 : i32
      %dma_start3A_16 = tpu.memref_slice %arg3[%dma_start3A_14, %dma_start3A_15] : memref<10000x64xf32, #tpu.memory_space<hbm>> -> memref<10000x64xf32, #tpu.memory_space<hbm>>
      tpu.enqueue_indirect_dma source(%dma_start3A_16 : memref<10000x64xf32, #tpu.memory_space<hbm>>) target(%arg11 : memref<80x64xf32, #tpu.memory_space<vmem>>) offsets(%arg9 : memref<80xi32, #tpu.memory_space<vmem>>) semaphore(%arg12 : memref<!tpu.dma_semaphore, #tpu.memory_space<semaphore_mem>>)
      %dma_wait3A = arith.constant 0 : i32
      %dma_wait3A_17 = arith.constant 0 : i32
      %dma_wait3A_18 = tpu.memref_slice %arg2[%dma_wait3A, %dma_wait3A_17] : memref<10000x64xf32, #tpu.memory_space<hbm>> -> memref<10000x64xf32, #tpu.memory_space<hbm>>
      tpu.wait_indirect_dma semaphore(%arg12 : memref<!tpu.dma_semaphore, #tpu.memory_space<semaphore_mem>>) src(%dma_wait3A_18 : memref<10000x64xf32, #tpu.memory_space<hbm>>) dst(%arg10 : memref<80x64xf32, #tpu.memory_space<vmem>>)
      %dma_wait3A_19 = arith.constant 0 : i32
      %dma_wait3A_20 = arith.constant 0 : i32
      %dma_wait3A_21 = tpu.memref_slice %arg3[%dma_wait3A_19, %dma_wait3A_20] : memref<10000x64xf32, #tpu.memory_space<hbm>> -> memref<10000x64xf32, #tpu.memory_space<hbm>>
      tpu.wait_indirect_dma semaphore(%arg12 : memref<!tpu.dma_semaphore, #tpu.memory_space<semaphore_mem>>) src(%dma_wait3A_21 : memref<10000x64xf32, #tpu.memory_space<hbm>>) dst(%arg11 : memref<80x64xf32, #tpu.memory_space<vmem>>)
      "tpu.region"() ({
        %run_scoped3A = tpu.sem_alloc : memref<!tpu.dma_semaphore, #tpu.memory_space<semaphore_mem>>
        %dma_start3A_22 = arith.constant 0 : i32
        %dma_start3A_23 = tpu.memref_slice %arg6[%add3A_11, %dma_start3A_22] : memref<320000x64xf32, #tpu.memory_space<hbm>> -> memref<80x64xf32, #tpu.memory_space<hbm>>
        %dma_start3A_24 = arith.constant 0 : i32
        %dma_start3A_25 = tpu.memref_slice %arg6[%add3A_11, %dma_start3A_24] : memref<320000x64xf32, #tpu.memory_space<hbm>> -> memref<80x64xf32, #tpu.memory_space<hbm>>
        tpu.enqueue_dma source(%arg10 : memref<80x64xf32, #tpu.memory_space<vmem>>) target(%dma_start3A_25 : memref<80x64xf32, #tpu.memory_space<hbm>>) target_semaphore(%run_scoped3A : memref<!tpu.dma_semaphore, #tpu.memory_space<semaphore_mem>>)
        %dma_wait3A_26 = arith.constant 0 : i32
        %dma_wait3A_27 = tpu.memref_slice %arg6[%add3A_11, %dma_wait3A_26] : memref<320000x64xf32, #tpu.memory_space<hbm>> -> memref<80x64xf32, #tpu.memory_space<hbm>>
        %dma_wait3A_28 = arith.constant 0 : i32
        %dma_wait3A_29 = tpu.memref_slice %arg6[%add3A_11, %dma_wait3A_28] : memref<320000x64xf32, #tpu.memory_space<hbm>> -> memref<80x64xf32, #tpu.memory_space<hbm>>
        tpu.wait_dma2 semaphore(%run_scoped3A : memref<!tpu.dma_semaphore, #tpu.memory_space<semaphore_mem>>) src(%arg10 : memref<80x64xf32, #tpu.memory_space<vmem>>) dst(%dma_wait3A_29 : memref<80x64xf32, #tpu.memory_space<hbm>>)
        tpu.yield
      }) : () -> ()
      "tpu.region"() ({
        %run_scoped3A = tpu.sem_alloc : memref<!tpu.dma_semaphore, #tpu.memory_space<semaphore_mem>>
        %dma_start3A_22 = arith.constant 0 : i32
        %dma_start3A_23 = tpu.memref_slice %arg7[%add3A_11, %dma_start3A_22] : memref<320000x64xf32, #tpu.memory_space<hbm>> -> memref<80x64xf32, #tpu.memory_space<hbm>>
        %dma_start3A_24 = arith.constant 0 : i32
        %dma_start3A_25 = tpu.memref_slice %arg7[%add3A_11, %dma_start3A_24] : memref<320000x64xf32, #tpu.memory_space<hbm>> -> memref<80x64xf32, #tpu.memory_space<hbm>>
        tpu.enqueue_dma source(%arg11 : memref<80x64xf32, #tpu.memory_space<vmem>>) target(%dma_start3A_25 : memref<80x64xf32, #tpu.memory_space<hbm>>) target_semaphore(%run_scoped3A : memref<!tpu.dma_semaphore, #tpu.memory_space<semaphore_mem>>)
        %dma_wait3A_26 = arith.constant 0 : i32
        %dma_wait3A_27 = tpu.memref_slice %arg7[%add3A_11, %dma_wait3A_26] : memref<320000x64xf32, #tpu.memory_space<hbm>> -> memref<80x64xf32, #tpu.memory_space<hbm>>
        %dma_wait3A_28 = arith.constant 0 : i32
        %dma_wait3A_29 = tpu.memref_slice %arg7[%add3A_11, %dma_wait3A_28] : memref<320000x64xf32, #tpu.memory_space<hbm>> -> memref<80x64xf32, #tpu.memory_space<hbm>>
        tpu.wait_dma2 semaphore(%run_scoped3A : memref<!tpu.dma_semaphore, #tpu.memory_space<semaphore_mem>>) src(%arg11 : memref<80x64xf32, #tpu.memory_space<vmem>>) dst(%dma_wait3A_29 : memref<80x64xf32, #tpu.memory_space<hbm>>)
        tpu.yield
      }) : () -> ()
    }
    %scan3A_7 = arith.constant 125 : i32
    return
  }
}

#map = affine_map<(d0, d1) -> (0, 0)>
#map1 = affine_map<(d0, d1) -> (0)>
module attributes {stable_mosaic.version = 14 : i64} {
  func.func @scatter_agg(%arg0: i32, %arg1: i32, %arg2: memref<320000x64xf32, #tpu.memory_space<hbm>>, %arg3: memref<640000xi32, #tpu.memory_space<hbm>>, %arg4: memref<5248x64xf32, #tpu.memory_space<hbm>>, %arg5: memref<10240x64xf32, #tpu.memory_space<hbm>>, %arg6: memref<80xi32, #tpu.memory_space<vmem>>, %arg7: memref<80x64xf32, #tpu.memory_space<vmem>>, %arg8: memref<5248x64xf32, #tpu.memory_space<vmem_shared>>) attributes {dimension_semantics = [#tpu.dimension_semantics<core_parallel>, #tpu.dimension_semantics<subcore_parallel>], iteration_bounds = array<i64: 2, 16>, scalar_prefetch = 0 : i64, scratch_operands = 3 : i64, tpu.core_type = #tpu.core_type<sc_vector_subcore>, window_params = [{transform_indices = #map}, {transform_indices = #map1}, {transform_indices = #map}, {transform_indices = #map}]} {
    %mul3A = arith.constant 5120 : i32
    %mul3A_0 = arith.muli %arg0, %mul3A : i32
    %eq3A = arith.constant 0 : i32
    %eq3A_1 = arith.cmpi eq, %arg1, %eq3A : i32
    %convert_element_type3A = arith.extui %eq3A_1 : i1 to i32
    %cond3A = arith.constant 0 : i32
    %cond3A_2 = arith.cmpi ne, %convert_element_type3A, %cond3A : i32
    scf.if %cond3A_2 {
      "tpu.region"() ({
        %run_scoped3A = tpu.sem_alloc : memref<!tpu.dma_semaphore, #tpu.memory_space<semaphore_mem>>
        tpu.enqueue_dma source(%arg4 : memref<5248x64xf32, #tpu.memory_space<hbm>>) target(%arg8 : memref<5248x64xf32, #tpu.memory_space<vmem_shared>>) target_semaphore(%run_scoped3A : memref<!tpu.dma_semaphore, #tpu.memory_space<semaphore_mem>>)
        tpu.wait_dma2 semaphore(%run_scoped3A : memref<!tpu.dma_semaphore, #tpu.memory_space<semaphore_mem>>) src(%arg4 : memref<5248x64xf32, #tpu.memory_space<hbm>>) dst(%arg8 : memref<5248x64xf32, #tpu.memory_space<vmem_shared>>)
        tpu.yield
      }) : () -> ()
    } else {
    }
    %barrier3A = arith.constant 0 : index
    tpu.barrier barrier_id(%barrier3A)
    %scan3A = arith.constant 0 : i32
    %scan3A_3 = arith.constant 0 : i32
    %scan3A_4 = arith.constant 250 : i32
    %scan3A_5 = arith.addi %scan3A_3, %scan3A_4 : i32
    %scan3A_6 = arith.constant 1 : i32
    scf.for %scan3A_13 = %scan3A_3 to %scan3A_5 step %scan3A_6  : i32 {
      %mul3A_14 = arith.constant 320000 : i32
      %mul3A_15 = arith.muli %arg0, %mul3A_14 : i32
      %mul3A_16 = arith.constant 20000 : i32
      %mul3A_17 = arith.muli %arg1, %mul3A_16 : i32
      %add3A_18 = arith.addi %mul3A_15, %mul3A_17 : i32
      %mul3A_19 = arith.constant 80 : i32
      %mul3A_20 = arith.muli %scan3A_13, %mul3A_19 : i32
      %add3A_21 = arith.addi %add3A_18, %mul3A_20 : i32
      "tpu.region"() ({
        %run_scoped3A = tpu.sem_alloc : memref<!tpu.dma_semaphore, #tpu.memory_space<semaphore_mem>>
        %dma_start3A = tpu.memref_slice %arg3[%add3A_21] : memref<640000xi32, #tpu.memory_space<hbm>> -> memref<80xi32, #tpu.memory_space<hbm>>
        %dma_start3A_27 = tpu.memref_slice %arg3[%add3A_21] : memref<640000xi32, #tpu.memory_space<hbm>> -> memref<80xi32, #tpu.memory_space<hbm>>
        tpu.enqueue_dma source(%dma_start3A_27 : memref<80xi32, #tpu.memory_space<hbm>>) target(%arg6 : memref<80xi32, #tpu.memory_space<vmem>>) target_semaphore(%run_scoped3A : memref<!tpu.dma_semaphore, #tpu.memory_space<semaphore_mem>>)
        %dma_wait3A = tpu.memref_slice %arg3[%add3A_21] : memref<640000xi32, #tpu.memory_space<hbm>> -> memref<80xi32, #tpu.memory_space<hbm>>
        %dma_wait3A_28 = tpu.memref_slice %arg3[%add3A_21] : memref<640000xi32, #tpu.memory_space<hbm>> -> memref<80xi32, #tpu.memory_space<hbm>>
        tpu.wait_dma2 semaphore(%run_scoped3A : memref<!tpu.dma_semaphore, #tpu.memory_space<semaphore_mem>>) src(%dma_wait3A_28 : memref<80xi32, #tpu.memory_space<hbm>>) dst(%arg6 : memref<80xi32, #tpu.memory_space<vmem>>)
        tpu.yield
      }) : () -> ()
      %mul3A_22 = arith.constant 20000 : i32
      %mul3A_23 = arith.muli %arg1, %mul3A_22 : i32
      %mul3A_24 = arith.constant 80 : i32
      %mul3A_25 = arith.muli %scan3A_13, %mul3A_24 : i32
      %add3A_26 = arith.addi %mul3A_23, %mul3A_25 : i32
      "tpu.region"() ({
        %run_scoped3A = tpu.sem_alloc : memref<!tpu.dma_semaphore, #tpu.memory_space<semaphore_mem>>
        %dma_start3A = arith.constant 0 : i32
        %dma_start3A_27 = tpu.memref_slice %arg2[%add3A_26, %dma_start3A] : memref<320000x64xf32, #tpu.memory_space<hbm>> -> memref<80x64xf32, #tpu.memory_space<hbm>>
        %dma_start3A_28 = arith.constant 0 : i32
        %dma_start3A_29 = tpu.memref_slice %arg2[%add3A_26, %dma_start3A_28] : memref<320000x64xf32, #tpu.memory_space<hbm>> -> memref<80x64xf32, #tpu.memory_space<hbm>>
        tpu.enqueue_dma source(%dma_start3A_29 : memref<80x64xf32, #tpu.memory_space<hbm>>) target(%arg7 : memref<80x64xf32, #tpu.memory_space<vmem>>) target_semaphore(%run_scoped3A : memref<!tpu.dma_semaphore, #tpu.memory_space<semaphore_mem>>)
        %dma_wait3A = arith.constant 0 : i32
        %dma_wait3A_30 = tpu.memref_slice %arg2[%add3A_26, %dma_wait3A] : memref<320000x64xf32, #tpu.memory_space<hbm>> -> memref<80x64xf32, #tpu.memory_space<hbm>>
        %dma_wait3A_31 = arith.constant 0 : i32
        %dma_wait3A_32 = tpu.memref_slice %arg2[%add3A_26, %dma_wait3A_31] : memref<320000x64xf32, #tpu.memory_space<hbm>> -> memref<80x64xf32, #tpu.memory_space<hbm>>
        tpu.wait_dma2 semaphore(%run_scoped3A : memref<!tpu.dma_semaphore, #tpu.memory_space<semaphore_mem>>) src(%dma_wait3A_32 : memref<80x64xf32, #tpu.memory_space<hbm>>) dst(%arg7 : memref<80x64xf32, #tpu.memory_space<vmem>>)
        tpu.yield
      }) : () -> ()
      "tpu.region"() ({
        %run_scoped3A = tpu.sem_alloc : memref<!tpu.dma_semaphore, #tpu.memory_space<semaphore_mem>>
        %dma_start3A = arith.constant 0 : i32
        %dma_start3A_27 = arith.constant 0 : i32
        %dma_start3A_28 = tpu.memref_slice %arg8[%dma_start3A, %dma_start3A_27] : memref<5248x64xf32, #tpu.memory_space<vmem_shared>> -> memref<5248x64xf32, #tpu.memory_space<vmem_shared>>
        tpu.enqueue_indirect_dma source(%arg7 : memref<80x64xf32, #tpu.memory_space<vmem>>) target(%dma_start3A_28 : memref<5248x64xf32, #tpu.memory_space<vmem_shared>>) offsets(%arg6 : memref<80xi32, #tpu.memory_space<vmem>>) semaphore(%run_scoped3A : memref<!tpu.dma_semaphore, #tpu.memory_space<semaphore_mem>>) {add = true}
        %dma_wait3A = arith.constant 0 : i32
        %dma_wait3A_29 = arith.constant 0 : i32
        %dma_wait3A_30 = tpu.memref_slice %arg8[%dma_wait3A, %dma_wait3A_29] : memref<5248x64xf32, #tpu.memory_space<vmem_shared>> -> memref<5248x64xf32, #tpu.memory_space<vmem_shared>>
        tpu.wait_indirect_dma semaphore(%run_scoped3A : memref<!tpu.dma_semaphore, #tpu.memory_space<semaphore_mem>>) src(%arg7 : memref<80x64xf32, #tpu.memory_space<vmem>>) dst(%dma_wait3A_30 : memref<5248x64xf32, #tpu.memory_space<vmem_shared>>)
        tpu.yield
      }) : () -> ()
    }
    %scan3A_7 = arith.constant 250 : i32
    %barrier3A_8 = arith.constant 0 : index
    tpu.barrier barrier_id(%barrier3A_8)
    %mul3A_9 = arith.constant 320 : i32
    %mul3A_10 = arith.muli %arg1, %mul3A_9 : i32
    %mul3A_11 = arith.constant 320 : i32
    %mul3A_12 = arith.muli %arg1, %mul3A_11 : i32
    %add3A = arith.addi %mul3A_0, %mul3A_12 : i32
    "tpu.region"() ({
      %run_scoped3A = tpu.sem_alloc : memref<!tpu.dma_semaphore, #tpu.memory_space<semaphore_mem>>
      %dma_start3A = arith.constant 0 : i32
      %dma_start3A_13 = tpu.memref_slice %arg5[%add3A, %dma_start3A] : memref<10240x64xf32, #tpu.memory_space<hbm>> -> memref<320x64xf32, #tpu.memory_space<hbm>>
      %dma_start3A_14 = arith.constant 0 : i32
      %dma_start3A_15 = tpu.memref_slice %arg8[%mul3A_10, %dma_start3A_14] : memref<5248x64xf32, #tpu.memory_space<vmem_shared>> -> memref<320x64xf32, #tpu.memory_space<vmem_shared>>
      tpu.enqueue_dma source(%dma_start3A_15 : memref<320x64xf32, #tpu.memory_space<vmem_shared>>) target(%dma_start3A_13 : memref<320x64xf32, #tpu.memory_space<hbm>>) target_semaphore(%run_scoped3A : memref<!tpu.dma_semaphore, #tpu.memory_space<semaphore_mem>>)
      %dma_wait3A = arith.constant 0 : i32
      %dma_wait3A_16 = tpu.memref_slice %arg5[%add3A, %dma_wait3A] : memref<10240x64xf32, #tpu.memory_space<hbm>> -> memref<320x64xf32, #tpu.memory_space<hbm>>
      %dma_wait3A_17 = arith.constant 0 : i32
      %dma_wait3A_18 = tpu.memref_slice %arg8[%mul3A_10, %dma_wait3A_17] : memref<5248x64xf32, #tpu.memory_space<vmem_shared>> -> memref<320x64xf32, #tpu.memory_space<vmem_shared>>
      tpu.wait_dma2 semaphore(%run_scoped3A : memref<!tpu.dma_semaphore, #tpu.memory_space<semaphore_mem>>) src(%dma_wait3A_18 : memref<320x64xf32, #tpu.memory_space<vmem_shared>>) dst(%dma_wait3A_16 : memref<320x64xf32, #tpu.memory_space<hbm>>)
      tpu.yield
    }) : () -> ()
    return
  }
}

#map = affine_map<(d0, d1) -> (0, 0)>
#map1 = affine_map<(d0, d1) -> (0)>
module attributes {stable_mosaic.version = 14 : i64} {
  func.func @scatter_agg(%arg0: i32, %arg1: i32, %arg2: memref<320000x64xf32, #tpu.memory_space<hbm>>, %arg3: memref<640000xi32, #tpu.memory_space<hbm>>, %arg4: memref<5248x64xf32, #tpu.memory_space<hbm>>, %arg5: memref<10240x64xf32, #tpu.memory_space<hbm>>, %arg6: memref<80xi32, #tpu.memory_space<vmem>>, %arg7: memref<80x64xf32, #tpu.memory_space<vmem>>, %arg8: memref<5248x64xf32, #tpu.memory_space<vmem_shared>>) attributes {dimension_semantics = [#tpu.dimension_semantics<core_parallel>, #tpu.dimension_semantics<subcore_parallel>], iteration_bounds = array<i64: 2, 16>, scalar_prefetch = 0 : i64, scratch_operands = 3 : i64, tpu.core_type = #tpu.core_type<sc_vector_subcore>, window_params = [{transform_indices = #map}, {transform_indices = #map1}, {transform_indices = #map}, {transform_indices = #map}]} {
    %mul3A = arith.constant 5120 : i32
    %mul3A_0 = arith.muli %arg0, %mul3A : i32
    %eq3A = arith.constant 0 : i32
    %eq3A_1 = arith.cmpi eq, %arg1, %eq3A : i32
    %convert_element_type3A = arith.extui %eq3A_1 : i1 to i32
    %cond3A = arith.constant 0 : i32
    %cond3A_2 = arith.cmpi ne, %convert_element_type3A, %cond3A : i32
    scf.if %cond3A_2 {
      "tpu.region"() ({
        %run_scoped3A = tpu.sem_alloc : memref<!tpu.dma_semaphore, #tpu.memory_space<semaphore_mem>>
        tpu.enqueue_dma source(%arg4 : memref<5248x64xf32, #tpu.memory_space<hbm>>) target(%arg8 : memref<5248x64xf32, #tpu.memory_space<vmem_shared>>) target_semaphore(%run_scoped3A : memref<!tpu.dma_semaphore, #tpu.memory_space<semaphore_mem>>)
        tpu.wait_dma2 semaphore(%run_scoped3A : memref<!tpu.dma_semaphore, #tpu.memory_space<semaphore_mem>>) src(%arg4 : memref<5248x64xf32, #tpu.memory_space<hbm>>) dst(%arg8 : memref<5248x64xf32, #tpu.memory_space<vmem_shared>>)
        tpu.yield
      }) : () -> ()
    } else {
    }
    %barrier3A = arith.constant 0 : index
    tpu.barrier barrier_id(%barrier3A)
    %scan3A = arith.constant 0 : i32
    %scan3A_3 = arith.constant 0 : i32
    %scan3A_4 = arith.constant 250 : i32
    %scan3A_5 = arith.addi %scan3A_3, %scan3A_4 : i32
    %scan3A_6 = arith.constant 1 : i32
    scf.for %scan3A_13 = %scan3A_3 to %scan3A_5 step %scan3A_6  : i32 {
      %mul3A_14 = arith.constant 320000 : i32
      %mul3A_15 = arith.muli %arg0, %mul3A_14 : i32
      %mul3A_16 = arith.constant 20000 : i32
      %mul3A_17 = arith.muli %arg1, %mul3A_16 : i32
      %add3A_18 = arith.addi %mul3A_15, %mul3A_17 : i32
      %mul3A_19 = arith.constant 80 : i32
      %mul3A_20 = arith.muli %scan3A_13, %mul3A_19 : i32
      %add3A_21 = arith.addi %add3A_18, %mul3A_20 : i32
      "tpu.region"() ({
        %run_scoped3A = tpu.sem_alloc : memref<!tpu.dma_semaphore, #tpu.memory_space<semaphore_mem>>
        %dma_start3A = tpu.memref_slice %arg3[%add3A_21] : memref<640000xi32, #tpu.memory_space<hbm>> -> memref<80xi32, #tpu.memory_space<hbm>>
        %dma_start3A_27 = tpu.memref_slice %arg3[%add3A_21] : memref<640000xi32, #tpu.memory_space<hbm>> -> memref<80xi32, #tpu.memory_space<hbm>>
        tpu.enqueue_dma source(%dma_start3A_27 : memref<80xi32, #tpu.memory_space<hbm>>) target(%arg6 : memref<80xi32, #tpu.memory_space<vmem>>) target_semaphore(%run_scoped3A : memref<!tpu.dma_semaphore, #tpu.memory_space<semaphore_mem>>)
        %dma_wait3A = tpu.memref_slice %arg3[%add3A_21] : memref<640000xi32, #tpu.memory_space<hbm>> -> memref<80xi32, #tpu.memory_space<hbm>>
        %dma_wait3A_28 = tpu.memref_slice %arg3[%add3A_21] : memref<640000xi32, #tpu.memory_space<hbm>> -> memref<80xi32, #tpu.memory_space<hbm>>
        tpu.wait_dma2 semaphore(%run_scoped3A : memref<!tpu.dma_semaphore, #tpu.memory_space<semaphore_mem>>) src(%dma_wait3A_28 : memref<80xi32, #tpu.memory_space<hbm>>) dst(%arg6 : memref<80xi32, #tpu.memory_space<vmem>>)
        tpu.yield
      }) : () -> ()
      %mul3A_22 = arith.constant 20000 : i32
      %mul3A_23 = arith.muli %arg1, %mul3A_22 : i32
      %mul3A_24 = arith.constant 80 : i32
      %mul3A_25 = arith.muli %scan3A_13, %mul3A_24 : i32
      %add3A_26 = arith.addi %mul3A_23, %mul3A_25 : i32
      "tpu.region"() ({
        %run_scoped3A = tpu.sem_alloc : memref<!tpu.dma_semaphore, #tpu.memory_space<semaphore_mem>>
        %dma_start3A = arith.constant 0 : i32
        %dma_start3A_27 = tpu.memref_slice %arg2[%add3A_26, %dma_start3A] : memref<320000x64xf32, #tpu.memory_space<hbm>> -> memref<80x64xf32, #tpu.memory_space<hbm>>
        %dma_start3A_28 = arith.constant 0 : i32
        %dma_start3A_29 = tpu.memref_slice %arg2[%add3A_26, %dma_start3A_28] : memref<320000x64xf32, #tpu.memory_space<hbm>> -> memref<80x64xf32, #tpu.memory_space<hbm>>
        tpu.enqueue_dma source(%dma_start3A_29 : memref<80x64xf32, #tpu.memory_space<hbm>>) target(%arg7 : memref<80x64xf32, #tpu.memory_space<vmem>>) target_semaphore(%run_scoped3A : memref<!tpu.dma_semaphore, #tpu.memory_space<semaphore_mem>>)
        %dma_wait3A = arith.constant 0 : i32
        %dma_wait3A_30 = tpu.memref_slice %arg2[%add3A_26, %dma_wait3A] : memref<320000x64xf32, #tpu.memory_space<hbm>> -> memref<80x64xf32, #tpu.memory_space<hbm>>
        %dma_wait3A_31 = arith.constant 0 : i32
        %dma_wait3A_32 = tpu.memref_slice %arg2[%add3A_26, %dma_wait3A_31] : memref<320000x64xf32, #tpu.memory_space<hbm>> -> memref<80x64xf32, #tpu.memory_space<hbm>>
        tpu.wait_dma2 semaphore(%run_scoped3A : memref<!tpu.dma_semaphore, #tpu.memory_space<semaphore_mem>>) src(%dma_wait3A_32 : memref<80x64xf32, #tpu.memory_space<hbm>>) dst(%arg7 : memref<80x64xf32, #tpu.memory_space<vmem>>)
        tpu.yield
      }) : () -> ()
      "tpu.region"() ({
        %run_scoped3A = tpu.sem_alloc : memref<!tpu.dma_semaphore, #tpu.memory_space<semaphore_mem>>
        %dma_start3A = arith.constant 0 : i32
        %dma_start3A_27 = arith.constant 0 : i32
        %dma_start3A_28 = tpu.memref_slice %arg8[%dma_start3A, %dma_start3A_27] : memref<5248x64xf32, #tpu.memory_space<vmem_shared>> -> memref<5248x64xf32, #tpu.memory_space<vmem_shared>>
        tpu.enqueue_indirect_dma source(%arg7 : memref<80x64xf32, #tpu.memory_space<vmem>>) target(%dma_start3A_28 : memref<5248x64xf32, #tpu.memory_space<vmem_shared>>) offsets(%arg6 : memref<80xi32, #tpu.memory_space<vmem>>) semaphore(%run_scoped3A : memref<!tpu.dma_semaphore, #tpu.memory_space<semaphore_mem>>) {add = true}
        %dma_wait3A = arith.constant 0 : i32
        %dma_wait3A_29 = arith.constant 0 : i32
        %dma_wait3A_30 = tpu.memref_slice %arg8[%dma_wait3A, %dma_wait3A_29] : memref<5248x64xf32, #tpu.memory_space<vmem_shared>> -> memref<5248x64xf32, #tpu.memory_space<vmem_shared>>
        tpu.wait_indirect_dma semaphore(%run_scoped3A : memref<!tpu.dma_semaphore, #tpu.memory_space<semaphore_mem>>) src(%arg7 : memref<80x64xf32, #tpu.memory_space<vmem>>) dst(%dma_wait3A_30 : memref<5248x64xf32, #tpu.memory_space<vmem_shared>>)
        tpu.yield
      }) : () -> ()
    }
    %scan3A_7 = arith.constant 250 : i32
    %barrier3A_8 = arith.constant 0 : index
    tpu.barrier barrier_id(%barrier3A_8)
    %mul3A_9 = arith.constant 320 : i32
    %mul3A_10 = arith.muli %arg1, %mul3A_9 : i32
    %mul3A_11 = arith.constant 320 : i32
    %mul3A_12 = arith.muli %arg1, %mul3A_11 : i32
    %add3A = arith.addi %mul3A_0, %mul3A_12 : i32
    "tpu.region"() ({
      %run_scoped3A = tpu.sem_alloc : memref<!tpu.dma_semaphore, #tpu.memory_space<semaphore_mem>>
      %dma_start3A = arith.constant 0 : i32
      %dma_start3A_13 = tpu.memref_slice %arg5[%add3A, %dma_start3A] : memref<10240x64xf32, #tpu.memory_space<hbm>> -> memref<320x64xf32, #tpu.memory_space<hbm>>
      %dma_start3A_14 = arith.constant 0 : i32
      %dma_start3A_15 = tpu.memref_slice %arg8[%mul3A_10, %dma_start3A_14] : memref<5248x64xf32, #tpu.memory_space<vmem_shared>> -> memref<320x64xf32, #tpu.memory_space<vmem_shared>>
      tpu.enqueue_dma source(%dma_start3A_15 : memref<320x64xf32, #tpu.memory_space<vmem_shared>>) target(%dma_start3A_13 : memref<320x64xf32, #tpu.memory_space<hbm>>) target_semaphore(%run_scoped3A : memref<!tpu.dma_semaphore, #tpu.memory_space<semaphore_mem>>)
      %dma_wait3A = arith.constant 0 : i32
      %dma_wait3A_16 = tpu.memref_slice %arg5[%add3A, %dma_wait3A] : memref<10240x64xf32, #tpu.memory_space<hbm>> -> memref<320x64xf32, #tpu.memory_space<hbm>>
      %dma_wait3A_17 = arith.constant 0 : i32
      %dma_wait3A_18 = tpu.memref_slice %arg8[%mul3A_10, %dma_wait3A_17] : memref<5248x64xf32, #tpu.memory_space<vmem_shared>> -> memref<320x64xf32, #tpu.memory_space<vmem_shared>>
      tpu.wait_dma2 semaphore(%run_scoped3A : memref<!tpu.dma_semaphore, #tpu.memory_space<semaphore_mem>>) src(%dma_wait3A_18 : memref<320x64xf32, #tpu.memory_space<vmem_shared>>) dst(%dma_wait3A_16 : memref<320x64xf32, #tpu.memory_space<hbm>>)
      tpu.yield
    }) : () -> ()
    return
  }
}

#map = affine_map<(d0, d1) -> (0, 0)>
#map1 = affine_map<(d0, d1) -> (0)>
module attributes {stable_mosaic.version = 14 : i64} {
  func.func @gather_ab(%arg0: i32, %arg1: i32, %arg2: memref<10000x64xf32, #tpu.memory_space<hbm>>, %arg3: memref<10000x64xf32, #tpu.memory_space<hbm>>, %arg4: memref<320000xi32, #tpu.memory_space<hbm>>, %arg5: memref<320000xi32, #tpu.memory_space<hbm>>, %arg6: memref<320000x64xf32, #tpu.memory_space<hbm>>, %arg7: memref<320000x64xf32, #tpu.memory_space<hbm>>, %arg8: memref<80xi32, #tpu.memory_space<vmem>>, %arg9: memref<80xi32, #tpu.memory_space<vmem>>, %arg10: memref<80x64xf32, #tpu.memory_space<vmem>>, %arg11: memref<80x64xf32, #tpu.memory_space<vmem>>, %arg12: memref<!tpu.dma_semaphore, #tpu.memory_space<semaphore_mem>>) attributes {dimension_semantics = [#tpu.dimension_semantics<core_parallel>, #tpu.dimension_semantics<subcore_parallel>], iteration_bounds = array<i64: 2, 16>, scalar_prefetch = 0 : i64, scratch_operands = 5 : i64, tpu.core_type = #tpu.core_type<sc_vector_subcore>, window_params = [{transform_indices = #map}, {transform_indices = #map}, {transform_indices = #map1}, {transform_indices = #map1}, {transform_indices = #map}, {transform_indices = #map}]} {
    %mul3A = arith.constant 2 : i32
    %mul3A_0 = arith.muli %arg1, %mul3A : i32
    %add3A = arith.addi %mul3A_0, %arg0 : i32
    %mul3A_1 = arith.constant 10000 : i32
    %mul3A_2 = arith.muli %add3A, %mul3A_1 : i32
    %scan3A = arith.constant 0 : i32
    %scan3A_3 = arith.constant 0 : i32
    %scan3A_4 = arith.constant 125 : i32
    %scan3A_5 = arith.addi %scan3A_3, %scan3A_4 : i32
    %scan3A_6 = arith.constant 1 : i32
    scf.for %scan3A_8 = %scan3A_3 to %scan3A_5 step %scan3A_6  : i32 {
      %mul3A_9 = arith.constant 80 : i32
      %mul3A_10 = arith.muli %scan3A_8, %mul3A_9 : i32
      %add3A_11 = arith.addi %mul3A_2, %mul3A_10 : i32
      "tpu.region"() ({
        %run_scoped3A = tpu.sem_alloc : memref<!tpu.dma_semaphore, #tpu.memory_space<semaphore_mem>>
        %dma_start3A_22 = tpu.memref_slice %arg4[%add3A_11] : memref<320000xi32, #tpu.memory_space<hbm>> -> memref<80xi32, #tpu.memory_space<hbm>>
        %dma_start3A_23 = tpu.memref_slice %arg4[%add3A_11] : memref<320000xi32, #tpu.memory_space<hbm>> -> memref<80xi32, #tpu.memory_space<hbm>>
        tpu.enqueue_dma source(%dma_start3A_23 : memref<80xi32, #tpu.memory_space<hbm>>) target(%arg8 : memref<80xi32, #tpu.memory_space<vmem>>) target_semaphore(%run_scoped3A : memref<!tpu.dma_semaphore, #tpu.memory_space<semaphore_mem>>)
        %dma_wait3A_24 = tpu.memref_slice %arg4[%add3A_11] : memref<320000xi32, #tpu.memory_space<hbm>> -> memref<80xi32, #tpu.memory_space<hbm>>
        %dma_wait3A_25 = tpu.memref_slice %arg4[%add3A_11] : memref<320000xi32, #tpu.memory_space<hbm>> -> memref<80xi32, #tpu.memory_space<hbm>>
        tpu.wait_dma2 semaphore(%run_scoped3A : memref<!tpu.dma_semaphore, #tpu.memory_space<semaphore_mem>>) src(%dma_wait3A_25 : memref<80xi32, #tpu.memory_space<hbm>>) dst(%arg8 : memref<80xi32, #tpu.memory_space<vmem>>)
        tpu.yield
      }) : () -> ()
      "tpu.region"() ({
        %run_scoped3A = tpu.sem_alloc : memref<!tpu.dma_semaphore, #tpu.memory_space<semaphore_mem>>
        %dma_start3A_22 = tpu.memref_slice %arg5[%add3A_11] : memref<320000xi32, #tpu.memory_space<hbm>> -> memref<80xi32, #tpu.memory_space<hbm>>
        %dma_start3A_23 = tpu.memref_slice %arg5[%add3A_11] : memref<320000xi32, #tpu.memory_space<hbm>> -> memref<80xi32, #tpu.memory_space<hbm>>
        tpu.enqueue_dma source(%dma_start3A_23 : memref<80xi32, #tpu.memory_space<hbm>>) target(%arg9 : memref<80xi32, #tpu.memory_space<vmem>>) target_semaphore(%run_scoped3A : memref<!tpu.dma_semaphore, #tpu.memory_space<semaphore_mem>>)
        %dma_wait3A_24 = tpu.memref_slice %arg5[%add3A_11] : memref<320000xi32, #tpu.memory_space<hbm>> -> memref<80xi32, #tpu.memory_space<hbm>>
        %dma_wait3A_25 = tpu.memref_slice %arg5[%add3A_11] : memref<320000xi32, #tpu.memory_space<hbm>> -> memref<80xi32, #tpu.memory_space<hbm>>
        tpu.wait_dma2 semaphore(%run_scoped3A : memref<!tpu.dma_semaphore, #tpu.memory_space<semaphore_mem>>) src(%dma_wait3A_25 : memref<80xi32, #tpu.memory_space<hbm>>) dst(%arg9 : memref<80xi32, #tpu.memory_space<vmem>>)
        tpu.yield
      }) : () -> ()
      %dma_start3A = arith.constant 0 : i32
      %dma_start3A_12 = arith.constant 0 : i32
      %dma_start3A_13 = tpu.memref_slice %arg2[%dma_start3A, %dma_start3A_12] : memref<10000x64xf32, #tpu.memory_space<hbm>> -> memref<10000x64xf32, #tpu.memory_space<hbm>>
      tpu.enqueue_indirect_dma source(%dma_start3A_13 : memref<10000x64xf32, #tpu.memory_space<hbm>>) target(%arg10 : memref<80x64xf32, #tpu.memory_space<vmem>>) offsets(%arg8 : memref<80xi32, #tpu.memory_space<vmem>>) semaphore(%arg12 : memref<!tpu.dma_semaphore, #tpu.memory_space<semaphore_mem>>)
      %dma_start3A_14 = arith.constant 0 : i32
      %dma_start3A_15 = arith.constant 0 : i32
      %dma_start3A_16 = tpu.memref_slice %arg3[%dma_start3A_14, %dma_start3A_15] : memref<10000x64xf32, #tpu.memory_space<hbm>> -> memref<10000x64xf32, #tpu.memory_space<hbm>>
      tpu.enqueue_indirect_dma source(%dma_start3A_16 : memref<10000x64xf32, #tpu.memory_space<hbm>>) target(%arg11 : memref<80x64xf32, #tpu.memory_space<vmem>>) offsets(%arg9 : memref<80xi32, #tpu.memory_space<vmem>>) semaphore(%arg12 : memref<!tpu.dma_semaphore, #tpu.memory_space<semaphore_mem>>)
      %dma_wait3A = arith.constant 0 : i32
      %dma_wait3A_17 = arith.constant 0 : i32
      %dma_wait3A_18 = tpu.memref_slice %arg2[%dma_wait3A, %dma_wait3A_17] : memref<10000x64xf32, #tpu.memory_space<hbm>> -> memref<10000x64xf32, #tpu.memory_space<hbm>>
      tpu.wait_indirect_dma semaphore(%arg12 : memref<!tpu.dma_semaphore, #tpu.memory_space<semaphore_mem>>) src(%dma_wait3A_18 : memref<10000x64xf32, #tpu.memory_space<hbm>>) dst(%arg10 : memref<80x64xf32, #tpu.memory_space<vmem>>)
      %dma_wait3A_19 = arith.constant 0 : i32
      %dma_wait3A_20 = arith.constant 0 : i32
      %dma_wait3A_21 = tpu.memref_slice %arg3[%dma_wait3A_19, %dma_wait3A_20] : memref<10000x64xf32, #tpu.memory_space<hbm>> -> memref<10000x64xf32, #tpu.memory_space<hbm>>
      tpu.wait_indirect_dma semaphore(%arg12 : memref<!tpu.dma_semaphore, #tpu.memory_space<semaphore_mem>>) src(%dma_wait3A_21 : memref<10000x64xf32, #tpu.memory_space<hbm>>) dst(%arg11 : memref<80x64xf32, #tpu.memory_space<vmem>>)
      "tpu.region"() ({
        %run_scoped3A = tpu.sem_alloc : memref<!tpu.dma_semaphore, #tpu.memory_space<semaphore_mem>>
        %dma_start3A_22 = arith.constant 0 : i32
        %dma_start3A_23 = tpu.memref_slice %arg6[%add3A_11, %dma_start3A_22] : memref<320000x64xf32, #tpu.memory_space<hbm>> -> memref<80x64xf32, #tpu.memory_space<hbm>>
        %dma_start3A_24 = arith.constant 0 : i32
        %dma_start3A_25 = tpu.memref_slice %arg6[%add3A_11, %dma_start3A_24] : memref<320000x64xf32, #tpu.memory_space<hbm>> -> memref<80x64xf32, #tpu.memory_space<hbm>>
        tpu.enqueue_dma source(%arg10 : memref<80x64xf32, #tpu.memory_space<vmem>>) target(%dma_start3A_25 : memref<80x64xf32, #tpu.memory_space<hbm>>) target_semaphore(%run_scoped3A : memref<!tpu.dma_semaphore, #tpu.memory_space<semaphore_mem>>)
        %dma_wait3A_26 = arith.constant 0 : i32
        %dma_wait3A_27 = tpu.memref_slice %arg6[%add3A_11, %dma_wait3A_26] : memref<320000x64xf32, #tpu.memory_space<hbm>> -> memref<80x64xf32, #tpu.memory_space<hbm>>
        %dma_wait3A_28 = arith.constant 0 : i32
        %dma_wait3A_29 = tpu.memref_slice %arg6[%add3A_11, %dma_wait3A_28] : memref<320000x64xf32, #tpu.memory_space<hbm>> -> memref<80x64xf32, #tpu.memory_space<hbm>>
        tpu.wait_dma2 semaphore(%run_scoped3A : memref<!tpu.dma_semaphore, #tpu.memory_space<semaphore_mem>>) src(%arg10 : memref<80x64xf32, #tpu.memory_space<vmem>>) dst(%dma_wait3A_29 : memref<80x64xf32, #tpu.memory_space<hbm>>)
        tpu.yield
      }) : () -> ()
      "tpu.region"() ({
        %run_scoped3A = tpu.sem_alloc : memref<!tpu.dma_semaphore, #tpu.memory_space<semaphore_mem>>
        %dma_start3A_22 = arith.constant 0 : i32
        %dma_start3A_23 = tpu.memref_slice %arg7[%add3A_11, %dma_start3A_22] : memref<320000x64xf32, #tpu.memory_space<hbm>> -> memref<80x64xf32, #tpu.memory_space<hbm>>
        %dma_start3A_24 = arith.constant 0 : i32
        %dma_start3A_25 = tpu.memref_slice %arg7[%add3A_11, %dma_start3A_24] : memref<320000x64xf32, #tpu.memory_space<hbm>> -> memref<80x64xf32, #tpu.memory_space<hbm>>
        tpu.enqueue_dma source(%arg11 : memref<80x64xf32, #tpu.memory_space<vmem>>) target(%dma_start3A_25 : memref<80x64xf32, #tpu.memory_space<hbm>>) target_semaphore(%run_scoped3A : memref<!tpu.dma_semaphore, #tpu.memory_space<semaphore_mem>>)
        %dma_wait3A_26 = arith.constant 0 : i32
        %dma_wait3A_27 = tpu.memref_slice %arg7[%add3A_11, %dma_wait3A_26] : memref<320000x64xf32, #tpu.memory_space<hbm>> -> memref<80x64xf32, #tpu.memory_space<hbm>>
        %dma_wait3A_28 = arith.constant 0 : i32
        %dma_wait3A_29 = tpu.memref_slice %arg7[%add3A_11, %dma_wait3A_28] : memref<320000x64xf32, #tpu.memory_space<hbm>> -> memref<80x64xf32, #tpu.memory_space<hbm>>
        tpu.wait_dma2 semaphore(%run_scoped3A : memref<!tpu.dma_semaphore, #tpu.memory_space<semaphore_mem>>) src(%arg11 : memref<80x64xf32, #tpu.memory_space<vmem>>) dst(%dma_wait3A_29 : memref<80x64xf32, #tpu.memory_space<hbm>>)
        tpu.yield
      }) : () -> ()
    }
    %scan3A_7 = arith.constant 125 : i32
    return
  }
}

#map = affine_map<(d0, d1) -> (0, 0)>
#map1 = affine_map<(d0, d1) -> (0)>
module attributes {stable_mosaic.version = 14 : i64} {
  func.func @scatter_agg(%arg0: i32, %arg1: i32, %arg2: memref<320000x64xf32, #tpu.memory_space<hbm>>, %arg3: memref<640000xi32, #tpu.memory_space<hbm>>, %arg4: memref<5248x64xf32, #tpu.memory_space<hbm>>, %arg5: memref<10240x64xf32, #tpu.memory_space<hbm>>, %arg6: memref<80xi32, #tpu.memory_space<vmem>>, %arg7: memref<80x64xf32, #tpu.memory_space<vmem>>, %arg8: memref<5248x64xf32, #tpu.memory_space<vmem_shared>>) attributes {dimension_semantics = [#tpu.dimension_semantics<core_parallel>, #tpu.dimension_semantics<subcore_parallel>], iteration_bounds = array<i64: 2, 16>, scalar_prefetch = 0 : i64, scratch_operands = 3 : i64, tpu.core_type = #tpu.core_type<sc_vector_subcore>, window_params = [{transform_indices = #map}, {transform_indices = #map1}, {transform_indices = #map}, {transform_indices = #map}]} {
    %mul3A = arith.constant 5120 : i32
    %mul3A_0 = arith.muli %arg0, %mul3A : i32
    %eq3A = arith.constant 0 : i32
    %eq3A_1 = arith.cmpi eq, %arg1, %eq3A : i32
    %convert_element_type3A = arith.extui %eq3A_1 : i1 to i32
    %cond3A = arith.constant 0 : i32
    %cond3A_2 = arith.cmpi ne, %convert_element_type3A, %cond3A : i32
    scf.if %cond3A_2 {
      "tpu.region"() ({
        %run_scoped3A = tpu.sem_alloc : memref<!tpu.dma_semaphore, #tpu.memory_space<semaphore_mem>>
        tpu.enqueue_dma source(%arg4 : memref<5248x64xf32, #tpu.memory_space<hbm>>) target(%arg8 : memref<5248x64xf32, #tpu.memory_space<vmem_shared>>) target_semaphore(%run_scoped3A : memref<!tpu.dma_semaphore, #tpu.memory_space<semaphore_mem>>)
        tpu.wait_dma2 semaphore(%run_scoped3A : memref<!tpu.dma_semaphore, #tpu.memory_space<semaphore_mem>>) src(%arg4 : memref<5248x64xf32, #tpu.memory_space<hbm>>) dst(%arg8 : memref<5248x64xf32, #tpu.memory_space<vmem_shared>>)
        tpu.yield
      }) : () -> ()
    } else {
    }
    %barrier3A = arith.constant 0 : index
    tpu.barrier barrier_id(%barrier3A)
    %scan3A = arith.constant 0 : i32
    %scan3A_3 = arith.constant 0 : i32
    %scan3A_4 = arith.constant 250 : i32
    %scan3A_5 = arith.addi %scan3A_3, %scan3A_4 : i32
    %scan3A_6 = arith.constant 1 : i32
    scf.for %scan3A_13 = %scan3A_3 to %scan3A_5 step %scan3A_6  : i32 {
      %mul3A_14 = arith.constant 320000 : i32
      %mul3A_15 = arith.muli %arg0, %mul3A_14 : i32
      %mul3A_16 = arith.constant 20000 : i32
      %mul3A_17 = arith.muli %arg1, %mul3A_16 : i32
      %add3A_18 = arith.addi %mul3A_15, %mul3A_17 : i32
      %mul3A_19 = arith.constant 80 : i32
      %mul3A_20 = arith.muli %scan3A_13, %mul3A_19 : i32
      %add3A_21 = arith.addi %add3A_18, %mul3A_20 : i32
      "tpu.region"() ({
        %run_scoped3A = tpu.sem_alloc : memref<!tpu.dma_semaphore, #tpu.memory_space<semaphore_mem>>
        %dma_start3A = tpu.memref_slice %arg3[%add3A_21] : memref<640000xi32, #tpu.memory_space<hbm>> -> memref<80xi32, #tpu.memory_space<hbm>>
        %dma_start3A_27 = tpu.memref_slice %arg3[%add3A_21] : memref<640000xi32, #tpu.memory_space<hbm>> -> memref<80xi32, #tpu.memory_space<hbm>>
        tpu.enqueue_dma source(%dma_start3A_27 : memref<80xi32, #tpu.memory_space<hbm>>) target(%arg6 : memref<80xi32, #tpu.memory_space<vmem>>) target_semaphore(%run_scoped3A : memref<!tpu.dma_semaphore, #tpu.memory_space<semaphore_mem>>)
        %dma_wait3A = tpu.memref_slice %arg3[%add3A_21] : memref<640000xi32, #tpu.memory_space<hbm>> -> memref<80xi32, #tpu.memory_space<hbm>>
        %dma_wait3A_28 = tpu.memref_slice %arg3[%add3A_21] : memref<640000xi32, #tpu.memory_space<hbm>> -> memref<80xi32, #tpu.memory_space<hbm>>
        tpu.wait_dma2 semaphore(%run_scoped3A : memref<!tpu.dma_semaphore, #tpu.memory_space<semaphore_mem>>) src(%dma_wait3A_28 : memref<80xi32, #tpu.memory_space<hbm>>) dst(%arg6 : memref<80xi32, #tpu.memory_space<vmem>>)
        tpu.yield
      }) : () -> ()
      %mul3A_22 = arith.constant 20000 : i32
      %mul3A_23 = arith.muli %arg1, %mul3A_22 : i32
      %mul3A_24 = arith.constant 80 : i32
      %mul3A_25 = arith.muli %scan3A_13, %mul3A_24 : i32
      %add3A_26 = arith.addi %mul3A_23, %mul3A_25 : i32
      "tpu.region"() ({
        %run_scoped3A = tpu.sem_alloc : memref<!tpu.dma_semaphore, #tpu.memory_space<semaphore_mem>>
        %dma_start3A = arith.constant 0 : i32
        %dma_start3A_27 = tpu.memref_slice %arg2[%add3A_26, %dma_start3A] : memref<320000x64xf32, #tpu.memory_space<hbm>> -> memref<80x64xf32, #tpu.memory_space<hbm>>
        %dma_start3A_28 = arith.constant 0 : i32
        %dma_start3A_29 = tpu.memref_slice %arg2[%add3A_26, %dma_start3A_28] : memref<320000x64xf32, #tpu.memory_space<hbm>> -> memref<80x64xf32, #tpu.memory_space<hbm>>
        tpu.enqueue_dma source(%dma_start3A_29 : memref<80x64xf32, #tpu.memory_space<hbm>>) target(%arg7 : memref<80x64xf32, #tpu.memory_space<vmem>>) target_semaphore(%run_scoped3A : memref<!tpu.dma_semaphore, #tpu.memory_space<semaphore_mem>>)
        %dma_wait3A = arith.constant 0 : i32
        %dma_wait3A_30 = tpu.memref_slice %arg2[%add3A_26, %dma_wait3A] : memref<320000x64xf32, #tpu.memory_space<hbm>> -> memref<80x64xf32, #tpu.memory_space<hbm>>
        %dma_wait3A_31 = arith.constant 0 : i32
        %dma_wait3A_32 = tpu.memref_slice %arg2[%add3A_26, %dma_wait3A_31] : memref<320000x64xf32, #tpu.memory_space<hbm>> -> memref<80x64xf32, #tpu.memory_space<hbm>>
        tpu.wait_dma2 semaphore(%run_scoped3A : memref<!tpu.dma_semaphore, #tpu.memory_space<semaphore_mem>>) src(%dma_wait3A_32 : memref<80x64xf32, #tpu.memory_space<hbm>>) dst(%arg7 : memref<80x64xf32, #tpu.memory_space<vmem>>)
        tpu.yield
      }) : () -> ()
      "tpu.region"() ({
        %run_scoped3A = tpu.sem_alloc : memref<!tpu.dma_semaphore, #tpu.memory_space<semaphore_mem>>
        %dma_start3A = arith.constant 0 : i32
        %dma_start3A_27 = arith.constant 0 : i32
        %dma_start3A_28 = tpu.memref_slice %arg8[%dma_start3A, %dma_start3A_27] : memref<5248x64xf32, #tpu.memory_space<vmem_shared>> -> memref<5248x64xf32, #tpu.memory_space<vmem_shared>>
        tpu.enqueue_indirect_dma source(%arg7 : memref<80x64xf32, #tpu.memory_space<vmem>>) target(%dma_start3A_28 : memref<5248x64xf32, #tpu.memory_space<vmem_shared>>) offsets(%arg6 : memref<80xi32, #tpu.memory_space<vmem>>) semaphore(%run_scoped3A : memref<!tpu.dma_semaphore, #tpu.memory_space<semaphore_mem>>) {add = true}
        %dma_wait3A = arith.constant 0 : i32
        %dma_wait3A_29 = arith.constant 0 : i32
        %dma_wait3A_30 = tpu.memref_slice %arg8[%dma_wait3A, %dma_wait3A_29] : memref<5248x64xf32, #tpu.memory_space<vmem_shared>> -> memref<5248x64xf32, #tpu.memory_space<vmem_shared>>
        tpu.wait_indirect_dma semaphore(%run_scoped3A : memref<!tpu.dma_semaphore, #tpu.memory_space<semaphore_mem>>) src(%arg7 : memref<80x64xf32, #tpu.memory_space<vmem>>) dst(%dma_wait3A_30 : memref<5248x64xf32, #tpu.memory_space<vmem_shared>>)
        tpu.yield
      }) : () -> ()
    }
    %scan3A_7 = arith.constant 250 : i32
    %barrier3A_8 = arith.constant 0 : index
    tpu.barrier barrier_id(%barrier3A_8)
    %mul3A_9 = arith.constant 320 : i32
    %mul3A_10 = arith.muli %arg1, %mul3A_9 : i32
    %mul3A_11 = arith.constant 320 : i32
    %mul3A_12 = arith.muli %arg1, %mul3A_11 : i32
    %add3A = arith.addi %mul3A_0, %mul3A_12 : i32
    "tpu.region"() ({
      %run_scoped3A = tpu.sem_alloc : memref<!tpu.dma_semaphore, #tpu.memory_space<semaphore_mem>>
      %dma_start3A = arith.constant 0 : i32
      %dma_start3A_13 = tpu.memref_slice %arg5[%add3A, %dma_start3A] : memref<10240x64xf32, #tpu.memory_space<hbm>> -> memref<320x64xf32, #tpu.memory_space<hbm>>
      %dma_start3A_14 = arith.constant 0 : i32
      %dma_start3A_15 = tpu.memref_slice %arg8[%mul3A_10, %dma_start3A_14] : memref<5248x64xf32, #tpu.memory_space<vmem_shared>> -> memref<320x64xf32, #tpu.memory_space<vmem_shared>>
      tpu.enqueue_dma source(%dma_start3A_15 : memref<320x64xf32, #tpu.memory_space<vmem_shared>>) target(%dma_start3A_13 : memref<320x64xf32, #tpu.memory_space<hbm>>) target_semaphore(%run_scoped3A : memref<!tpu.dma_semaphore, #tpu.memory_space<semaphore_mem>>)
      %dma_wait3A = arith.constant 0 : i32
      %dma_wait3A_16 = tpu.memref_slice %arg5[%add3A, %dma_wait3A] : memref<10240x64xf32, #tpu.memory_space<hbm>> -> memref<320x64xf32, #tpu.memory_space<hbm>>
      %dma_wait3A_17 = arith.constant 0 : i32
      %dma_wait3A_18 = tpu.memref_slice %arg8[%mul3A_10, %dma_wait3A_17] : memref<5248x64xf32, #tpu.memory_space<vmem_shared>> -> memref<320x64xf32, #tpu.memory_space<vmem_shared>>
      tpu.wait_dma2 semaphore(%run_scoped3A : memref<!tpu.dma_semaphore, #tpu.memory_space<semaphore_mem>>) src(%dma_wait3A_18 : memref<320x64xf32, #tpu.memory_space<vmem_shared>>) dst(%dma_wait3A_16 : memref<320x64xf32, #tpu.memory_space<hbm>>)
      tpu.yield
    }) : () -> ()
    return
  }
}

module attributes {stable_mosaic.version = 14 : i64} {
  func.func @_embed_g_body(%arg0: memref<256x64xf32, #tpu.memory_space<vmem>>, %arg1: memref<64x128xf32, #tpu.memory_space<vmem>>, %arg2: memref<1x128xf32, #tpu.memory_space<vmem>>, %arg3: memref<256x128xf32, #tpu.memory_space<vmem>>) attributes {dimension_semantics = [], scalar_prefetch = 0 : i64, scratch_operands = 0 : i64, tpu.core_type = #tpu.core_type<tc>} {
    %get3A = arith.constant 0 : index
    %get3A_0 = arith.constant 0 : index
    %get3A_1 = vector.load %arg0[%get3A, %get3A_0] : memref<256x64xf32, #tpu.memory_space<vmem>>, vector<256x64xf32>
    %get3A_2 = arith.constant 0 : index
    %get3A_3 = arith.constant 0 : index
    %get3A_4 = vector.load %arg1[%get3A_2, %get3A_3] : memref<64x128xf32, #tpu.memory_space<vmem>>, vector<64x128xf32>
    %dot_general3A = arith.constant dense<0.000000e+00> : vector<256x128xf32>
    %dot_general3A_5 = tpu.matmul %get3A_1, %get3A_4, %dot_general3A {dimension_numbers = #tpu.dot_dimension_numbers<[1], [0], [0], [1], [0, 0, 1, 1], [], []>, transpose_lhs_hint = false} : vector<256x64xf32>, vector<64x128xf32>, vector<256x128xf32> -> vector<256x128xf32>
    %get3A_6 = arith.constant 0 : index
    %get3A_7 = arith.constant 0 : index
    %get3A_8 = vector.load %arg2[%get3A_6, %get3A_7] : memref<1x128xf32, #tpu.memory_space<vmem>>, vector<1x128xf32>
    %add3A = vector.broadcast %get3A_8 : vector<1x128xf32> to vector<256x128xf32>
    %add3A_9 = arith.addf %dot_general3A_5, %add3A : vector<256x128xf32>
    %swap3A = arith.constant 0 : index
    %swap3A_10 = arith.constant 0 : index
    %swap3A_11 = vector.load %arg3[%swap3A, %swap3A_10] : memref<256x128xf32, #tpu.memory_space<vmem>>, vector<256x128xf32>
    tpu.vector_store %arg3[%swap3A, %swap3A_10], %add3A_9 {strides = array<i32>} : memref<256x128xf32, #tpu.memory_space<vmem>>, vector<256x128xf32>,
    return
  }
}

module attributes {stable_mosaic.version = 14 : i64} {
  func.func @_embed_h_body(%arg0: i32, %arg1: memref<1x1x1000xi32, #tpu.memory_space<vmem>>, %arg2: memref<1x1x1000xi32, #tpu.memory_space<vmem>>, %arg3: memref<300x64xf32, #tpu.memory_space<vmem>>, %arg4: memref<1000x128xf32, #tpu.memory_space<vmem>>) attributes {dimension_semantics = [#tpu.dimension_semantics<arbitrary>], iteration_bounds = array<i64: 10>, scalar_prefetch = 0 : i64, scratch_operands = 0 : i64, tpu.core_type = #tpu.core_type<tc>, window_params = [{transform_indices = @transform_0, window_bounds = array<i64: 1, 1, 1000>}, {transform_indices = @transform_1, window_bounds = array<i64: 1, 1, 1000>}, {pipeline_mode = #tpu.pipeline_mode<synchronous>, transform_indices = @transform_2, window_bounds = array<i64: 300, 64>}, {transform_indices = @transform_3, window_bounds = array<i64: 1000, 128>}]} {
    %get3A = arith.constant 0 : index
    %get3A_0 = arith.constant 0 : index
    %get3A_1 = arith.constant 0 : index
    %get3A_2 = vector.load %arg1[%get3A, %get3A_0, %get3A_1] : memref<1x1x1000xi32, #tpu.memory_space<vmem>>, vector<1x1x1000xi32>
    %get3A_3 = vector.shape_cast %get3A_2 : vector<1x1x1000xi32> to vector<1000xi32>
    %get3A_4 = arith.constant 0 : index
    %get3A_5 = arith.constant 0 : index
    %get3A_6 = arith.constant 0 : index
    %get3A_7 = vector.load %arg2[%get3A_4, %get3A_5, %get3A_6] : memref<1x1x1000xi32, #tpu.memory_space<vmem>>, vector<1x1x1000xi32>
    %get3A_8 = vector.shape_cast %get3A_7 : vector<1x1x1000xi32> to vector<1000xi32>
    %broadcast_in_dim3A = vector.shape_cast %get3A_3 : vector<1000xi32> to vector<1000x1xi32>
    %iota3A = tpu.iota {dimensions = array<i32: 1>} : vector<1000x300xi32>
    %eq3A = vector.broadcast %broadcast_in_dim3A : vector<1000x1xi32> to vector<1000x300xi32>
    %eq3A_9 = arith.cmpi eq, %eq3A, %iota3A : vector<1000x300xi32>
    %convert_element_type3A = arith.extui %eq3A_9 : vector<1000x300xi1> to vector<1000x300xi32>
    %convert_element_type3A_10 = arith.sitofp %convert_element_type3A : vector<1000x300xi32> to vector<1000x300xf32>
    %get3A_11 = arith.constant 0 : index
    %get3A_12 = arith.constant 0 : index
    %get3A_13 = vector.load %arg3[%get3A_11, %get3A_12] : memref<300x64xf32, #tpu.memory_space<vmem>>, vector<300x64xf32>
    %dot_general3A = arith.constant dense<0.000000e+00> : vector<1000x64xf32>
    %dot_general3A_14 = tpu.matmul %convert_element_type3A_10, %get3A_13, %dot_general3A {dimension_numbers = #tpu.dot_dimension_numbers<[1], [0], [0], [1], [0, 0, 1, 1], [], []>, transpose_lhs_hint = false} : vector<1000x300xf32>, vector<300x64xf32>, vector<1000x64xf32> -> vector<1000x64xf32>
    %broadcast_in_dim3A_15 = vector.shape_cast %get3A_8 : vector<1000xi32> to vector<1000x1xi32>
    %iota3A_16 = tpu.iota {dimensions = array<i32: 1>} : vector<1000x300xi32>
    %eq3A_17 = vector.broadcast %broadcast_in_dim3A_15 : vector<1000x1xi32> to vector<1000x300xi32>
    %eq3A_18 = arith.cmpi eq, %eq3A_17, %iota3A_16 : vector<1000x300xi32>
    %convert_element_type3A_19 = arith.extui %eq3A_18 : vector<1000x300xi1> to vector<1000x300xi32>
    %convert_element_type3A_20 = arith.sitofp %convert_element_type3A_19 : vector<1000x300xi32> to vector<1000x300xf32>
    %get3A_21 = arith.constant 0 : index
    %get3A_22 = arith.constant 0 : index
    %get3A_23 = vector.load %arg3[%get3A_21, %get3A_22] : memref<300x64xf32, #tpu.memory_space<vmem>>, vector<300x64xf32>
    %dot_general3A_24 = arith.constant dense<0.000000e+00> : vector<1000x64xf32>
    %dot_general3A_25 = tpu.matmul %convert_element_type3A_20, %get3A_23, %dot_general3A_24 {dimension_numbers = #tpu.dot_dimension_numbers<[1], [0], [0], [1], [0, 0, 1, 1], [], []>, transpose_lhs_hint = false} : vector<1000x300xf32>, vector<300x64xf32>, vector<1000x64xf32> -> vector<1000x64xf32>
    %concatenate3A = tpu.concatenate %dot_general3A_14, %dot_general3A_25 in 1 : vector<1000x64xf32>, vector<1000x64xf32> -> vector<1000x128xf32>
    %swap3A = arith.constant 0 : index
    %swap3A_26 = arith.constant 0 : index
    %swap3A_27 = vector.load %arg4[%swap3A, %swap3A_26] : memref<1000x128xf32, #tpu.memory_space<vmem>>, vector<1000x128xf32>
    tpu.vector_store %arg4[%swap3A, %swap3A_26], %concatenate3A {strides = array<i32>} : memref<1000x128xf32, #tpu.memory_space<vmem>>, vector<1000x128xf32>,
    return
  }
  func.func @transform_0(%arg0: i32) -> (i32, i32, i32) {
    %c0_i32 = arith.constant 0 : i32
    %c0_i32_0 = arith.constant 0 : i32
    %c0_i32_1 = arith.constant 0 : i32
    return %arg0, %c0_i32, %c0_i32_0 : i32, i32, i32
  }
  func.func @transform_1(%arg0: i32) -> (i32, i32, i32) {
    %c0_i32 = arith.constant 0 : i32
    %c0_i32_0 = arith.constant 0 : i32
    %c0_i32_1 = arith.constant 0 : i32
    return %arg0, %c0_i32, %c0_i32_0 : i32, i32, i32
  }
  func.func @transform_2(%arg0: i32) -> (i32, i32) {
    %c0_i32 = arith.constant 0 : i32
    %c0_i32_0 = arith.constant 0 : i32
    %c0_i32_1 = arith.constant 0 : i32
    return %c0_i32, %c0_i32_0 : i32, i32
  }
  func.func @transform_3(%arg0: i32) -> (i32, i32) {
    %c0_i32 = arith.constant 0 : i32
    %c0_i32_0 = arith.constant 0 : i32
    return %arg0, %c0_i32 : i32, i32
  }
}

module attributes {stable_mosaic.version = 14 : i64} {
  func.func @_proj_body(%arg0: i32, %arg1: memref<1000x128xf32, #tpu.memory_space<vmem>>, %arg2: memref<1x1x1000xi32, #tpu.memory_space<vmem>>, %arg3: memref<256x128xf32, #tpu.memory_space<vmem>>, %arg4: memref<128x128xf32, #tpu.memory_space<vmem>>, %arg5: memref<128x128xf32, #tpu.memory_space<vmem>>, %arg6: memref<128x128xf32, #tpu.memory_space<vmem>>, %arg7: memref<1x128xf32, #tpu.memory_space<vmem>>, %arg8: memref<1000x128xf32, #tpu.memory_space<vmem>>, %arg9: memref<1000x128xf32, #tpu.memory_space<vmem>>) attributes {dimension_semantics = [#tpu.dimension_semantics<arbitrary>], iteration_bounds = array<i64: 10>, scalar_prefetch = 0 : i64, scratch_operands = 0 : i64, tpu.core_type = #tpu.core_type<tc>, window_params = [{transform_indices = @transform_0, window_bounds = array<i64: 1000, 128>}, {transform_indices = @transform_1, window_bounds = array<i64: 1, 1, 1000>}, {pipeline_mode = #tpu.pipeline_mode<synchronous>, transform_indices = @transform_2, window_bounds = array<i64: 256, 128>}, {pipeline_mode = #tpu.pipeline_mode<synchronous>, transform_indices = @transform_3, window_bounds = array<i64: 128, 128>}, {pipeline_mode = #tpu.pipeline_mode<synchronous>, transform_indices = @transform_4, window_bounds = array<i64: 128, 128>}, {pipeline_mode = #tpu.pipeline_mode<synchronous>, transform_indices = @transform_5, window_bounds = array<i64: 128, 128>}, {pipeline_mode = #tpu.pipeline_mode<synchronous>, transform_indices = @transform_6, window_bounds = array<i64: 1, 128>}, {transform_indices = @transform_7, window_bounds = array<i64: 1000, 128>}, {transform_indices = @transform_8, window_bounds = array<i64: 1000, 128>}]} {
    %get3A = arith.constant 0 : index
    %get3A_0 = arith.constant 0 : index
    %get3A_1 = vector.load %arg1[%get3A, %get3A_0] : memref<1000x128xf32, #tpu.memory_space<vmem>>, vector<1000x128xf32>
    %get3A_2 = arith.constant 0 : index
    %get3A_3 = arith.constant 0 : index
    %get3A_4 = arith.constant 0 : index
    %get3A_5 = vector.load %arg2[%get3A_2, %get3A_3, %get3A_4] : memref<1x1x1000xi32, #tpu.memory_space<vmem>>, vector<1x1x1000xi32>
    %get3A_6 = vector.shape_cast %get3A_5 : vector<1x1x1000xi32> to vector<1000xi32>
    %broadcast_in_dim3A = vector.shape_cast %get3A_6 : vector<1000xi32> to vector<1000x1xi32>
    %iota3A = tpu.iota {dimensions = array<i32: 1>} : vector<1000x256xi32>
    %eq3A = vector.broadcast %broadcast_in_dim3A : vector<1000x1xi32> to vector<1000x256xi32>
    %eq3A_7 = arith.cmpi eq, %eq3A, %iota3A : vector<1000x256xi32>
    %convert_element_type3A = arith.extui %eq3A_7 : vector<1000x256xi1> to vector<1000x256xi32>
    %convert_element_type3A_8 = arith.sitofp %convert_element_type3A : vector<1000x256xi32> to vector<1000x256xf32>
    %get3A_9 = arith.constant 0 : index
    %get3A_10 = arith.constant 0 : index
    %get3A_11 = vector.load %arg3[%get3A_9, %get3A_10] : memref<256x128xf32, #tpu.memory_space<vmem>>, vector<256x128xf32>
    %get3A_12 = arith.constant 0 : index
    %get3A_13 = arith.constant 0 : index
    %get3A_14 = vector.load %arg6[%get3A_12, %get3A_13] : memref<128x128xf32, #tpu.memory_space<vmem>>, vector<128x128xf32>
    %dot_general3A = arith.constant dense<0.000000e+00> : vector<256x128xf32>
    %dot_general3A_15 = tpu.matmul %get3A_11, %get3A_14, %dot_general3A {dimension_numbers = #tpu.dot_dimension_numbers<[1], [0], [0], [1], [0, 0, 1, 1], [], []>, transpose_lhs_hint = false} : vector<256x128xf32>, vector<128x128xf32>, vector<256x128xf32> -> vector<256x128xf32>
    %get3A_16 = arith.constant 0 : index
    %get3A_17 = arith.constant 0 : index
    %get3A_18 = vector.load %arg4[%get3A_16, %get3A_17] : memref<128x128xf32, #tpu.memory_space<vmem>>, vector<128x128xf32>
    %dot_general3A_19 = arith.constant dense<0.000000e+00> : vector<1000x128xf32>
    %dot_general3A_20 = tpu.matmul %get3A_1, %get3A_18, %dot_general3A_19 {dimension_numbers = #tpu.dot_dimension_numbers<[1], [0], [0], [1], [0, 0, 1, 1], [], []>, transpose_lhs_hint = false} : vector<1000x128xf32>, vector<128x128xf32>, vector<1000x128xf32> -> vector<1000x128xf32>
    %swap3A = arith.constant 0 : index
    %swap3A_21 = arith.constant 0 : index
    %swap3A_22 = vector.load %arg8[%swap3A, %swap3A_21] : memref<1000x128xf32, #tpu.memory_space<vmem>>, vector<1000x128xf32>
    tpu.vector_store %arg8[%swap3A, %swap3A_21], %dot_general3A_20 {strides = array<i32>} : memref<1000x128xf32, #tpu.memory_space<vmem>>, vector<1000x128xf32>,
    %get3A_23 = arith.constant 0 : index
    %get3A_24 = arith.constant 0 : index
    %get3A_25 = vector.load %arg5[%get3A_23, %get3A_24] : memref<128x128xf32, #tpu.memory_space<vmem>>, vector<128x128xf32>
    %dot_general3A_26 = arith.constant dense<0.000000e+00> : vector<1000x128xf32>
    %dot_general3A_27 = tpu.matmul %get3A_1, %get3A_25, %dot_general3A_26 {dimension_numbers = #tpu.dot_dimension_numbers<[1], [0], [0], [1], [0, 0, 1, 1], [], []>, transpose_lhs_hint = false} : vector<1000x128xf32>, vector<128x128xf32>, vector<1000x128xf32> -> vector<1000x128xf32>
    %dot_general3A_28 = arith.constant dense<0.000000e+00> : vector<1000x128xf32>
    %dot_general3A_29 = tpu.matmul %convert_element_type3A_8, %dot_general3A_15, %dot_general3A_28 {dimension_numbers = #tpu.dot_dimension_numbers<[1], [0], [0], [1], [0, 0, 1, 1], [], []>, transpose_lhs_hint = false} : vector<1000x256xf32>, vector<256x128xf32>, vector<1000x128xf32> -> vector<1000x128xf32>
    %add3A = arith.addf %dot_general3A_27, %dot_general3A_29 : vector<1000x128xf32>
    %get3A_30 = arith.constant 0 : index
    %get3A_31 = arith.constant 0 : index
    %get3A_32 = vector.load %arg7[%get3A_30, %get3A_31] : memref<1x128xf32, #tpu.memory_space<vmem>>, vector<1x128xf32>
    %add3A_33 = vector.broadcast %get3A_32 : vector<1x128xf32> to vector<1000x128xf32>
    %add3A_34 = arith.addf %add3A, %add3A_33 : vector<1000x128xf32>
    %swap3A_35 = arith.constant 0 : index
    %swap3A_36 = arith.constant 0 : index
    %swap3A_37 = vector.load %arg9[%swap3A_35, %swap3A_36] : memref<1000x128xf32, #tpu.memory_space<vmem>>, vector<1000x128xf32>
    tpu.vector_store %arg9[%swap3A_35, %swap3A_36], %add3A_34 {strides = array<i32>} : memref<1000x128xf32, #tpu.memory_space<vmem>>, vector<1000x128xf32>,
    return
  }
  func.func @transform_0(%arg0: i32) -> (i32, i32) {
    %c0_i32 = arith.constant 0 : i32
    %c0_i32_0 = arith.constant 0 : i32
    return %arg0, %c0_i32 : i32, i32
  }
  func.func @transform_1(%arg0: i32) -> (i32, i32, i32) {
    %c0_i32 = arith.constant 0 : i32
    %c0_i32_0 = arith.constant 0 : i32
    %c0_i32_1 = arith.constant 0 : i32
    return %arg0, %c0_i32, %c0_i32_0 : i32, i32, i32
  }
  func.func @transform_2(%arg0: i32) -> (i32, i32) {
    %c0_i32 = arith.constant 0 : i32
    %c0_i32_0 = arith.constant 0 : i32
    %c0_i32_1 = arith.constant 0 : i32
    return %c0_i32, %c0_i32_0 : i32, i32
  }
  func.func @transform_3(%arg0: i32) -> (i32, i32) {
    %c0_i32 = arith.constant 0 : i32
    %c0_i32_0 = arith.constant 0 : i32
    %c0_i32_1 = arith.constant 0 : i32
    return %c0_i32, %c0_i32_0 : i32, i32
  }
  func.func @transform_4(%arg0: i32) -> (i32, i32) {
    %c0_i32 = arith.constant 0 : i32
    %c0_i32_0 = arith.constant 0 : i32
    %c0_i32_1 = arith.constant 0 : i32
    return %c0_i32, %c0_i32_0 : i32, i32
  }
  func.func @transform_5(%arg0: i32) -> (i32, i32) {
    %c0_i32 = arith.constant 0 : i32
    %c0_i32_0 = arith.constant 0 : i32
    %c0_i32_1 = arith.constant 0 : i32
    return %c0_i32, %c0_i32_0 : i32, i32
  }
  func.func @transform_6(%arg0: i32) -> (i32, i32) {
    %c0_i32 = arith.constant 0 : i32
    %c0_i32_0 = arith.constant 0 : i32
    %c0_i32_1 = arith.constant 0 : i32
    return %c0_i32, %c0_i32_0 : i32, i32
  }
  func.func @transform_7(%arg0: i32) -> (i32, i32) {
    %c0_i32 = arith.constant 0 : i32
    %c0_i32_0 = arith.constant 0 : i32
    return %arg0, %c0_i32 : i32, i32
  }
  func.func @transform_8(%arg0: i32) -> (i32, i32) {
    %c0_i32 = arith.constant 0 : i32
    %c0_i32_0 = arith.constant 0 : i32
    return %arg0, %c0_i32 : i32, i32
  }
}

module attributes {stable_mosaic.version = 14 : i64} {
  func.func @_embed_e_body(%arg0: i32, %arg1: memref<1x1x1000xi32, #tpu.memory_space<vmem>>, %arg2: memref<5x64xf32, #tpu.memory_space<vmem>>, %arg3: memref<1000x64xf32, #tpu.memory_space<vmem>>) attributes {dimension_semantics = [#tpu.dimension_semantics<arbitrary>], iteration_bounds = array<i64: 320>, scalar_prefetch = 0 : i64, scratch_operands = 0 : i64, tpu.core_type = #tpu.core_type<tc>, window_params = [{transform_indices = @transform_0, window_bounds = array<i64: 1, 1, 1000>}, {pipeline_mode = #tpu.pipeline_mode<synchronous>, transform_indices = @transform_1, window_bounds = array<i64: 5, 64>}, {transform_indices = @transform_2, window_bounds = array<i64: 1000, 64>}]} {
    %get3A = arith.constant 0 : index
    %get3A_0 = arith.constant 0 : index
    %get3A_1 = arith.constant 0 : index
    %get3A_2 = vector.load %arg1[%get3A, %get3A_0, %get3A_1] : memref<1x1x1000xi32, #tpu.memory_space<vmem>>, vector<1x1x1000xi32>
    %get3A_3 = vector.shape_cast %get3A_2 : vector<1x1x1000xi32> to vector<1000xi32>
    %broadcast_in_dim3A = vector.shape_cast %get3A_3 : vector<1000xi32> to vector<1000x1xi32>
    %iota3A = tpu.iota {dimensions = array<i32: 1>} : vector<1000x5xi32>
    %eq3A = vector.broadcast %broadcast_in_dim3A : vector<1000x1xi32> to vector<1000x5xi32>
    %eq3A_4 = arith.cmpi eq, %eq3A, %iota3A : vector<1000x5xi32>
    %convert_element_type3A = arith.extui %eq3A_4 : vector<1000x5xi1> to vector<1000x5xi32>
    %convert_element_type3A_5 = arith.sitofp %convert_element_type3A : vector<1000x5xi32> to vector<1000x5xf32>
    %get3A_6 = arith.constant 0 : index
    %get3A_7 = arith.constant 0 : index
    %get3A_8 = vector.load %arg2[%get3A_6, %get3A_7] : memref<5x64xf32, #tpu.memory_space<vmem>>, vector<5x64xf32>
    %dot_general3A = arith.constant dense<0.000000e+00> : vector<1000x64xf32>
    %dot_general3A_9 = tpu.matmul %convert_element_type3A_5, %get3A_8, %dot_general3A {dimension_numbers = #tpu.dot_dimension_numbers<[1], [0], [0], [1], [0, 0, 1, 1], [], []>, transpose_lhs_hint = false} : vector<1000x5xf32>, vector<5x64xf32>, vector<1000x64xf32> -> vector<1000x64xf32>
    %swap3A = arith.constant 0 : index
    %swap3A_10 = arith.constant 0 : index
    %swap3A_11 = vector.load %arg3[%swap3A, %swap3A_10] : memref<1000x64xf32, #tpu.memory_space<vmem>>, vector<1000x64xf32>
    tpu.vector_store %arg3[%swap3A, %swap3A_10], %dot_general3A_9 {strides = array<i32>} : memref<1000x64xf32, #tpu.memory_space<vmem>>, vector<1000x64xf32>,
    return
  }
  func.func @transform_0(%arg0: i32) -> (i32, i32, i32) {
    %c0_i32 = arith.constant 0 : i32
    %c0_i32_0 = arith.constant 0 : i32
    %c0_i32_1 = arith.constant 0 : i32
    return %arg0, %c0_i32, %c0_i32_0 : i32, i32, i32
  }
  func.func @transform_1(%arg0: i32) -> (i32, i32) {
    %c0_i32 = arith.constant 0 : i32
    %c0_i32_0 = arith.constant 0 : i32
    %c0_i32_1 = arith.constant 0 : i32
    return %c0_i32, %c0_i32_0 : i32, i32
  }
  func.func @transform_2(%arg0: i32) -> (i32, i32) {
    %c0_i32 = arith.constant 0 : i32
    %c0_i32_0 = arith.constant 0 : i32
    return %arg0, %c0_i32 : i32, i32
  }
}

module attributes {stable_mosaic.version = 14 : i64} {
  func.func @_edge_body(%arg0: i32, %arg1: memref<1000x64xf32, #tpu.memory_space<vmem>>, %arg2: memref<1000x64xf32, #tpu.memory_space<vmem>>, %arg3: memref<1000x64xf32, #tpu.memory_space<vmem>>, %arg4: memref<64x128xf32, #tpu.memory_space<vmem>>, %arg5: memref<128x64xf32, #tpu.memory_space<vmem>>, %arg6: memref<1x64xf32, #tpu.memory_space<vmem>>, %arg7: memref<1000x64xf32, #tpu.memory_space<vmem>>) attributes {dimension_semantics = [#tpu.dimension_semantics<arbitrary>], iteration_bounds = array<i64: 320>, scalar_prefetch = 0 : i64, scratch_operands = 0 : i64, tpu.core_type = #tpu.core_type<tc>, window_params = [{transform_indices = @transform_0, window_bounds = array<i64: 1000, 64>}, {transform_indices = @transform_1, window_bounds = array<i64: 1000, 64>}, {transform_indices = @transform_2, window_bounds = array<i64: 1000, 64>}, {pipeline_mode = #tpu.pipeline_mode<synchronous>, transform_indices = @transform_3, window_bounds = array<i64: 64, 128>}, {pipeline_mode = #tpu.pipeline_mode<synchronous>, transform_indices = @transform_4, window_bounds = array<i64: 128, 64>}, {pipeline_mode = #tpu.pipeline_mode<synchronous>, transform_indices = @transform_5, window_bounds = array<i64: 1, 64>}, {transform_indices = @transform_6, window_bounds = array<i64: 1000, 64>}]} {
    %get3A = arith.constant 0 : index
    %get3A_0 = arith.constant 0 : index
    %get3A_1 = vector.load %arg3[%get3A, %get3A_0] : memref<1000x64xf32, #tpu.memory_space<vmem>>, vector<1000x64xf32>
    %get3A_2 = arith.constant 0 : index
    %get3A_3 = arith.constant 0 : index
    %get3A_4 = vector.load %arg1[%get3A_2, %get3A_3] : memref<1000x64xf32, #tpu.memory_space<vmem>>, vector<1000x64xf32>
    %bitcast_convert_type3A = tpu.bitcast %get3A_4 : vector<1000x64xf32> -> vector<1000x64xi32>
    %shift_left3A = arith.constant 16 : i32
    %shift_left3A_5 = vector.broadcast %shift_left3A : i32 to vector<1000x64xi32>
    %shift_left3A_6 = arith.shli %bitcast_convert_type3A, %shift_left3A_5 : vector<1000x64xi32>
    %bitcast_convert_type3A_7 = tpu.bitcast %shift_left3A_6 : vector<1000x64xi32> -> vector<1000x64xf32>
    %and3A = arith.constant -65536 : i32
    %and3A_8 = vector.broadcast %and3A : i32 to vector<1000x64xi32>
    %and3A_9 = arith.andi %bitcast_convert_type3A, %and3A_8 : vector<1000x64xi32>
    %bitcast_convert_type3A_10 = tpu.bitcast %and3A_9 : vector<1000x64xi32> -> vector<1000x64xf32>
    %concatenate3A = tpu.concatenate %bitcast_convert_type3A_7, %bitcast_convert_type3A_10 in 1 : vector<1000x64xf32>, vector<1000x64xf32> -> vector<1000x128xf32>
    %get3A_11 = arith.constant 0 : index
    %get3A_12 = arith.constant 0 : index
    %get3A_13 = vector.load %arg2[%get3A_11, %get3A_12] : memref<1000x64xf32, #tpu.memory_space<vmem>>, vector<1000x64xf32>
    %bitcast_convert_type3A_14 = tpu.bitcast %get3A_13 : vector<1000x64xf32> -> vector<1000x64xi32>
    %shift_left3A_15 = arith.constant 16 : i32
    %shift_left3A_16 = vector.broadcast %shift_left3A_15 : i32 to vector<1000x64xi32>
    %shift_left3A_17 = arith.shli %bitcast_convert_type3A_14, %shift_left3A_16 : vector<1000x64xi32>
    %bitcast_convert_type3A_18 = tpu.bitcast %shift_left3A_17 : vector<1000x64xi32> -> vector<1000x64xf32>
    %and3A_19 = arith.constant -65536 : i32
    %and3A_20 = vector.broadcast %and3A_19 : i32 to vector<1000x64xi32>
    %and3A_21 = arith.andi %bitcast_convert_type3A_14, %and3A_20 : vector<1000x64xi32>
    %bitcast_convert_type3A_22 = tpu.bitcast %and3A_21 : vector<1000x64xi32> -> vector<1000x64xf32>
    %concatenate3A_23 = tpu.concatenate %bitcast_convert_type3A_18, %bitcast_convert_type3A_22 in 1 : vector<1000x64xf32>, vector<1000x64xf32> -> vector<1000x128xf32>
    %add3A = arith.addf %concatenate3A, %concatenate3A_23 : vector<1000x128xf32>
    %get3A_24 = arith.constant 0 : index
    %get3A_25 = arith.constant 0 : index
    %get3A_26 = vector.load %arg4[%get3A_24, %get3A_25] : memref<64x128xf32, #tpu.memory_space<vmem>>, vector<64x128xf32>
    %dot_general3A = arith.constant dense<0.000000e+00> : vector<1000x128xf32>
    %dot_general3A_27 = tpu.matmul %get3A_1, %get3A_26, %dot_general3A {dimension_numbers = #tpu.dot_dimension_numbers<[1], [0], [0], [1], [0, 0, 1, 1], [], []>, transpose_lhs_hint = false} : vector<1000x64xf32>, vector<64x128xf32>, vector<1000x128xf32> -> vector<1000x128xf32>
    %add3A_28 = arith.addf %add3A, %dot_general3A_27 : vector<1000x128xf32>
    %max3A = arith.constant 0.000000e+00 : f32
    %max3A_29 = vector.broadcast %max3A : f32 to vector<1000x128xf32>
    %max3A_30 = arith.maximumf %add3A_28, %max3A_29 : vector<1000x128xf32>
    %get3A_31 = arith.constant 0 : index
    %get3A_32 = arith.constant 0 : index
    %get3A_33 = vector.load %arg5[%get3A_31, %get3A_32] : memref<128x64xf32, #tpu.memory_space<vmem>>, vector<128x64xf32>
    %dot_general3A_34 = arith.constant dense<0.000000e+00> : vector<1000x64xf32>
    %dot_general3A_35 = tpu.matmul %max3A_30, %get3A_33, %dot_general3A_34 {dimension_numbers = #tpu.dot_dimension_numbers<[1], [0], [0], [1], [0, 0, 1, 1], [], []>, transpose_lhs_hint = false} : vector<1000x128xf32>, vector<128x64xf32>, vector<1000x64xf32> -> vector<1000x64xf32>
    %add3A_36 = arith.addf %get3A_1, %dot_general3A_35 : vector<1000x64xf32>
    %get3A_37 = arith.constant 0 : index
    %get3A_38 = arith.constant 0 : index
    %get3A_39 = vector.load %arg6[%get3A_37, %get3A_38] : memref<1x64xf32, #tpu.memory_space<vmem>>, vector<1x64xf32>
    %add3A_40 = vector.broadcast %get3A_39 : vector<1x64xf32> to vector<1000x64xf32>
    %add3A_41 = arith.addf %add3A_36, %add3A_40 : vector<1000x64xf32>
    %swap3A = arith.constant 0 : index
    %swap3A_42 = arith.constant 0 : index
    %swap3A_43 = vector.load %arg7[%swap3A, %swap3A_42] : memref<1000x64xf32, #tpu.memory_space<vmem>>, vector<1000x64xf32>
    tpu.vector_store %arg7[%swap3A, %swap3A_42], %add3A_41 {strides = array<i32>} : memref<1000x64xf32, #tpu.memory_space<vmem>>, vector<1000x64xf32>,
    return
  }
  func.func @transform_0(%arg0: i32) -> (i32, i32) {
    %c0_i32 = arith.constant 0 : i32
    %c0_i32_0 = arith.constant 0 : i32
    return %arg0, %c0_i32 : i32, i32
  }
  func.func @transform_1(%arg0: i32) -> (i32, i32) {
    %c0_i32 = arith.constant 0 : i32
    %c0_i32_0 = arith.constant 0 : i32
    return %arg0, %c0_i32 : i32, i32
  }
  func.func @transform_2(%arg0: i32) -> (i32, i32) {
    %c0_i32 = arith.constant 0 : i32
    %c0_i32_0 = arith.constant 0 : i32
    return %arg0, %c0_i32 : i32, i32
  }
  func.func @transform_3(%arg0: i32) -> (i32, i32) {
    %c0_i32 = arith.constant 0 : i32
    %c0_i32_0 = arith.constant 0 : i32
    %c0_i32_1 = arith.constant 0 : i32
    return %c0_i32, %c0_i32_0 : i32, i32
  }
  func.func @transform_4(%arg0: i32) -> (i32, i32) {
    %c0_i32 = arith.constant 0 : i32
    %c0_i32_0 = arith.constant 0 : i32
    %c0_i32_1 = arith.constant 0 : i32
    return %c0_i32, %c0_i32_0 : i32, i32
  }
  func.func @transform_5(%arg0: i32) -> (i32, i32) {
    %c0_i32 = arith.constant 0 : i32
    %c0_i32_0 = arith.constant 0 : i32
    %c0_i32_1 = arith.constant 0 : i32
    return %c0_i32, %c0_i32_0 : i32, i32
  }
  func.func @transform_6(%arg0: i32) -> (i32, i32) {
    %c0_i32 = arith.constant 0 : i32
    %c0_i32_0 = arith.constant 0 : i32
    return %arg0, %c0_i32 : i32, i32
  }
}

module attributes {stable_mosaic.version = 14 : i64} {
  func.func @_node_body(%arg0: i32, %arg1: memref<1000x128xf32, #tpu.memory_space<vmem>>, %arg2: memref<1000x64xf32, #tpu.memory_space<vmem>>, %arg3: memref<1x1x1000xi32, #tpu.memory_space<vmem>>, %arg4: memref<256x128xf32, #tpu.memory_space<vmem>>, %arg5: memref<128x128xf32, #tpu.memory_space<vmem>>, %arg6: memref<64x128xf32, #tpu.memory_space<vmem>>, %arg7: memref<128x128xf32, #tpu.memory_space<vmem>>, %arg8: memref<1x128xf32, #tpu.memory_space<vmem>>, %arg9: memref<128x128xf32, #tpu.memory_space<vmem>>, %arg10: memref<1x128xf32, #tpu.memory_space<vmem>>, %arg11: memref<1000x128xf32, #tpu.memory_space<vmem>>) attributes {dimension_semantics = [#tpu.dimension_semantics<arbitrary>], iteration_bounds = array<i64: 10>, scalar_prefetch = 0 : i64, scratch_operands = 0 : i64, tpu.core_type = #tpu.core_type<tc>, window_params = [{transform_indices = @transform_0, window_bounds = array<i64: 1000, 128>}, {transform_indices = @transform_1, window_bounds = array<i64: 1000, 64>}, {transform_indices = @transform_2, window_bounds = array<i64: 1, 1, 1000>}, {pipeline_mode = #tpu.pipeline_mode<synchronous>, transform_indices = @transform_3, window_bounds = array<i64: 256, 128>}, {pipeline_mode = #tpu.pipeline_mode<synchronous>, transform_indices = @transform_4, window_bounds = array<i64: 128, 128>}, {pipeline_mode = #tpu.pipeline_mode<synchronous>, transform_indices = @transform_5, window_bounds = array<i64: 64, 128>}, {pipeline_mode = #tpu.pipeline_mode<synchronous>, transform_indices = @transform_6, window_bounds = array<i64: 128, 128>}, {pipeline_mode = #tpu.pipeline_mode<synchronous>, transform_indices = @transform_7, window_bounds = array<i64: 1, 128>}, {pipeline_mode = #tpu.pipeline_mode<synchronous>, transform_indices = @transform_8, window_bounds = array<i64: 128, 128>}, {pipeline_mode = #tpu.pipeline_mode<synchronous>, transform_indices = @transform_9, window_bounds = array<i64: 1, 128>}, {transform_indices = @transform_10, window_bounds = array<i64: 1000, 128>}]} {
    %get3A = arith.constant 0 : index
    %get3A_0 = arith.constant 0 : index
    %get3A_1 = vector.load %arg1[%get3A, %get3A_0] : memref<1000x128xf32, #tpu.memory_space<vmem>>, vector<1000x128xf32>
    %get3A_2 = arith.constant 0 : index
    %get3A_3 = arith.constant 0 : index
    %get3A_4 = vector.load %arg2[%get3A_2, %get3A_3] : memref<1000x64xf32, #tpu.memory_space<vmem>>, vector<1000x64xf32>
    %get3A_5 = arith.constant 0 : index
    %get3A_6 = arith.constant 0 : index
    %get3A_7 = arith.constant 0 : index
    %get3A_8 = vector.load %arg3[%get3A_5, %get3A_6, %get3A_7] : memref<1x1x1000xi32, #tpu.memory_space<vmem>>, vector<1x1x1000xi32>
    %get3A_9 = vector.shape_cast %get3A_8 : vector<1x1x1000xi32> to vector<1000xi32>
    %broadcast_in_dim3A = vector.shape_cast %get3A_9 : vector<1000xi32> to vector<1000x1xi32>
    %iota3A = tpu.iota {dimensions = array<i32: 1>} : vector<1000x256xi32>
    %eq3A = vector.broadcast %broadcast_in_dim3A : vector<1000x1xi32> to vector<1000x256xi32>
    %eq3A_10 = arith.cmpi eq, %eq3A, %iota3A : vector<1000x256xi32>
    %convert_element_type3A = arith.extui %eq3A_10 : vector<1000x256xi1> to vector<1000x256xi32>
    %convert_element_type3A_11 = arith.sitofp %convert_element_type3A : vector<1000x256xi32> to vector<1000x256xf32>
    %get3A_12 = arith.constant 0 : index
    %get3A_13 = arith.constant 0 : index
    %get3A_14 = vector.load %arg4[%get3A_12, %get3A_13] : memref<256x128xf32, #tpu.memory_space<vmem>>, vector<256x128xf32>
    %get3A_15 = arith.constant 0 : index
    %get3A_16 = arith.constant 0 : index
    %get3A_17 = vector.load %arg7[%get3A_15, %get3A_16] : memref<128x128xf32, #tpu.memory_space<vmem>>, vector<128x128xf32>
    %dot_general3A = arith.constant dense<0.000000e+00> : vector<256x128xf32>
    %dot_general3A_18 = tpu.matmul %get3A_14, %get3A_17, %dot_general3A {dimension_numbers = #tpu.dot_dimension_numbers<[1], [0], [0], [1], [0, 0, 1, 1], [], []>, transpose_lhs_hint = false} : vector<256x128xf32>, vector<128x128xf32>, vector<256x128xf32> -> vector<256x128xf32>
    %get3A_19 = arith.constant 0 : index
    %get3A_20 = arith.constant 0 : index
    %get3A_21 = vector.load %arg5[%get3A_19, %get3A_20] : memref<128x128xf32, #tpu.memory_space<vmem>>, vector<128x128xf32>
    %dot_general3A_22 = arith.constant dense<0.000000e+00> : vector<1000x128xf32>
    %dot_general3A_23 = tpu.matmul %get3A_1, %get3A_21, %dot_general3A_22 {dimension_numbers = #tpu.dot_dimension_numbers<[1], [0], [0], [1], [0, 0, 1, 1], [], []>, transpose_lhs_hint = false} : vector<1000x128xf32>, vector<128x128xf32>, vector<1000x128xf32> -> vector<1000x128xf32>
    %get3A_24 = arith.constant 0 : index
    %get3A_25 = arith.constant 0 : index
    %get3A_26 = vector.load %arg6[%get3A_24, %get3A_25] : memref<64x128xf32, #tpu.memory_space<vmem>>, vector<64x128xf32>
    %dot_general3A_27 = arith.constant dense<0.000000e+00> : vector<1000x128xf32>
    %dot_general3A_28 = tpu.matmul %get3A_4, %get3A_26, %dot_general3A_27 {dimension_numbers = #tpu.dot_dimension_numbers<[1], [0], [0], [1], [0, 0, 1, 1], [], []>, transpose_lhs_hint = false} : vector<1000x64xf32>, vector<64x128xf32>, vector<1000x128xf32> -> vector<1000x128xf32>
    %add3A = arith.addf %dot_general3A_23, %dot_general3A_28 : vector<1000x128xf32>
    %dot_general3A_29 = arith.constant dense<0.000000e+00> : vector<1000x128xf32>
    %dot_general3A_30 = tpu.matmul %convert_element_type3A_11, %dot_general3A_18, %dot_general3A_29 {dimension_numbers = #tpu.dot_dimension_numbers<[1], [0], [0], [1], [0, 0, 1, 1], [], []>, transpose_lhs_hint = false} : vector<1000x256xf32>, vector<256x128xf32>, vector<1000x128xf32> -> vector<1000x128xf32>
    %add3A_31 = arith.addf %add3A, %dot_general3A_30 : vector<1000x128xf32>
    %get3A_32 = arith.constant 0 : index
    %get3A_33 = arith.constant 0 : index
    %get3A_34 = vector.load %arg8[%get3A_32, %get3A_33] : memref<1x128xf32, #tpu.memory_space<vmem>>, vector<1x128xf32>
    %add3A_35 = vector.broadcast %get3A_34 : vector<1x128xf32> to vector<1000x128xf32>
    %add3A_36 = arith.addf %add3A_31, %add3A_35 : vector<1000x128xf32>
    %max3A = arith.constant 0.000000e+00 : f32
    %max3A_37 = vector.broadcast %max3A : f32 to vector<1000x128xf32>
    %max3A_38 = arith.maximumf %add3A_36, %max3A_37 : vector<1000x128xf32>
    %get3A_39 = arith.constant 0 : index
    %get3A_40 = arith.constant 0 : index
    %get3A_41 = vector.load %arg9[%get3A_39, %get3A_40] : memref<128x128xf32, #tpu.memory_space<vmem>>, vector<128x128xf32>
    %dot_general3A_42 = arith.constant dense<0.000000e+00> : vector<1000x128xf32>
    %dot_general3A_43 = tpu.matmul %max3A_38, %get3A_41, %dot_general3A_42 {dimension_numbers = #tpu.dot_dimension_numbers<[1], [0], [0], [1], [0, 0, 1, 1], [], []>, transpose_lhs_hint = false} : vector<1000x128xf32>, vector<128x128xf32>, vector<1000x128xf32> -> vector<1000x128xf32>
    %add3A_44 = arith.addf %get3A_1, %dot_general3A_43 : vector<1000x128xf32>
    %get3A_45 = arith.constant 0 : index
    %get3A_46 = arith.constant 0 : index
    %get3A_47 = vector.load %arg10[%get3A_45, %get3A_46] : memref<1x128xf32, #tpu.memory_space<vmem>>, vector<1x128xf32>
    %add3A_48 = vector.broadcast %get3A_47 : vector<1x128xf32> to vector<1000x128xf32>
    %add3A_49 = arith.addf %add3A_44, %add3A_48 : vector<1000x128xf32>
    %swap3A = arith.constant 0 : index
    %swap3A_50 = arith.constant 0 : index
    %swap3A_51 = vector.load %arg11[%swap3A, %swap3A_50] : memref<1000x128xf32, #tpu.memory_space<vmem>>, vector<1000x128xf32>
    tpu.vector_store %arg11[%swap3A, %swap3A_50], %add3A_49 {strides = array<i32>} : memref<1000x128xf32, #tpu.memory_space<vmem>>, vector<1000x128xf32>,
    return
  }
  func.func @transform_0(%arg0: i32) -> (i32, i32) {
    %c0_i32 = arith.constant 0 : i32
    %c0_i32_0 = arith.constant 0 : i32
    return %arg0, %c0_i32 : i32, i32
  }
  func.func @transform_1(%arg0: i32) -> (i32, i32) {
    %c0_i32 = arith.constant 0 : i32
    %c0_i32_0 = arith.constant 0 : i32
    return %arg0, %c0_i32 : i32, i32
  }
  func.func @transform_2(%arg0: i32) -> (i32, i32, i32) {
    %c0_i32 = arith.constant 0 : i32
    %c0_i32_0 = arith.constant 0 : i32
    %c0_i32_1 = arith.constant 0 : i32
    return %arg0, %c0_i32, %c0_i32_0 : i32, i32, i32
  }
  func.func @transform_3(%arg0: i32) -> (i32, i32) {
    %c0_i32 = arith.constant 0 : i32
    %c0_i32_0 = arith.constant 0 : i32
    %c0_i32_1 = arith.constant 0 : i32
    return %c0_i32, %c0_i32_0 : i32, i32
  }
  func.func @transform_4(%arg0: i32) -> (i32, i32) {
    %c0_i32 = arith.constant 0 : i32
    %c0_i32_0 = arith.constant 0 : i32
    %c0_i32_1 = arith.constant 0 : i32
    return %c0_i32, %c0_i32_0 : i32, i32
  }
  func.func @transform_5(%arg0: i32) -> (i32, i32) {
    %c0_i32 = arith.constant 0 : i32
    %c0_i32_0 = arith.constant 0 : i32
    %c0_i32_1 = arith.constant 0 : i32
    return %c0_i32, %c0_i32_0 : i32, i32
  }
  func.func @transform_6(%arg0: i32) -> (i32, i32) {
    %c0_i32 = arith.constant 0 : i32
    %c0_i32_0 = arith.constant 0 : i32
    %c0_i32_1 = arith.constant 0 : i32
    return %c0_i32, %c0_i32_0 : i32, i32
  }
  func.func @transform_7(%arg0: i32) -> (i32, i32) {
    %c0_i32 = arith.constant 0 : i32
    %c0_i32_0 = arith.constant 0 : i32
    %c0_i32_1 = arith.constant 0 : i32
    return %c0_i32, %c0_i32_0 : i32, i32
  }
  func.func @transform_8(%arg0: i32) -> (i32, i32) {
    %c0_i32 = arith.constant 0 : i32
    %c0_i32_0 = arith.constant 0 : i32
    %c0_i32_1 = arith.constant 0 : i32
    return %c0_i32, %c0_i32_0 : i32, i32
  }
  func.func @transform_9(%arg0: i32) -> (i32, i32) {
    %c0_i32 = arith.constant 0 : i32
    %c0_i32_0 = arith.constant 0 : i32
    %c0_i32_1 = arith.constant 0 : i32
    return %c0_i32, %c0_i32_0 : i32, i32
  }
  func.func @transform_10(%arg0: i32) -> (i32, i32) {
    %c0_i32 = arith.constant 0 : i32
    %c0_i32_0 = arith.constant 0 : i32
    return %arg0, %c0_i32 : i32, i32
  }
}

module attributes {stable_mosaic.version = 14 : i64} {
  func.func @_graph_body(%arg0: i32, %arg1: memref<1000x128xf32, #tpu.memory_space<vmem>>, %arg2: memref<1x1x1000xi32, #tpu.memory_space<vmem>>, %arg3: memref<256x128xf32, #tpu.memory_space<vmem>>, %arg4: memref<128x128xf32, #tpu.memory_space<vmem>>, %arg5: memref<128x128xf32, #tpu.memory_space<vmem>>, %arg6: memref<1x128xf32, #tpu.memory_space<vmem>>, %arg7: memref<128x128xf32, #tpu.memory_space<vmem>>, %arg8: memref<1x128xf32, #tpu.memory_space<vmem>>, %arg9: memref<256x128xf32, #tpu.memory_space<vmem>>, %arg10: memref<256x128xf32, #tpu.memory_space<vmem>>, %arg11: memref<256x128xf32, #tpu.memory_space<vmem>>) attributes {dimension_semantics = [#tpu.dimension_semantics<arbitrary>], iteration_bounds = array<i64: 10>, scalar_prefetch = 0 : i64, scratch_operands = 2 : i64, tpu.core_type = #tpu.core_type<tc>, window_params = [{transform_indices = @transform_0, window_bounds = array<i64: 1000, 128>}, {transform_indices = @transform_1, window_bounds = array<i64: 1, 1, 1000>}, {pipeline_mode = #tpu.pipeline_mode<synchronous>, transform_indices = @transform_2, window_bounds = array<i64: 256, 128>}, {pipeline_mode = #tpu.pipeline_mode<synchronous>, transform_indices = @transform_3, window_bounds = array<i64: 128, 128>}, {pipeline_mode = #tpu.pipeline_mode<synchronous>, transform_indices = @transform_4, window_bounds = array<i64: 128, 128>}, {pipeline_mode = #tpu.pipeline_mode<synchronous>, transform_indices = @transform_5, window_bounds = array<i64: 1, 128>}, {pipeline_mode = #tpu.pipeline_mode<synchronous>, transform_indices = @transform_6, window_bounds = array<i64: 128, 128>}, {pipeline_mode = #tpu.pipeline_mode<synchronous>, transform_indices = @transform_7, window_bounds = array<i64: 1, 128>}, {pipeline_mode = #tpu.pipeline_mode<synchronous>, transform_indices = @transform_8, window_bounds = array<i64: 256, 128>}]} {
    %eq3A = arith.constant 0 : i32
    %eq3A_0 = arith.cmpi eq, %arg0, %eq3A : i32
    %convert_element_type3A = arith.extui %eq3A_0 : i1 to i32
    %cond3A = arith.constant 0 : i32
    %cond3A_1 = arith.cmpi ne, %convert_element_type3A, %cond3A : i32
    scf.if %cond3A_1 {
      %broadcast_in_dim3A_35 = arith.constant 0.000000e+00 : f32
      %broadcast_in_dim3A_36 = vector.broadcast %broadcast_in_dim3A_35 : f32 to vector<256x128xf32>
      %swap3A_37 = arith.constant 0 : index
      %swap3A_38 = arith.constant 0 : index
      %swap3A_39 = vector.load %arg10[%swap3A_37, %swap3A_38] : memref<256x128xf32, #tpu.memory_space<vmem>>, vector<256x128xf32>
      tpu.vector_store %arg10[%swap3A_37, %swap3A_38], %broadcast_in_dim3A_36 {strides = array<i32>} : memref<256x128xf32, #tpu.memory_space<vmem>>, vector<256x128xf32>,
      %broadcast_in_dim3A_40 = arith.constant 0.000000e+00 : f32
      %broadcast_in_dim3A_41 = vector.broadcast %broadcast_in_dim3A_40 : f32 to vector<256x128xf32>
      %swap3A_42 = arith.constant 0 : index
      %swap3A_43 = arith.constant 0 : index
      %swap3A_44 = vector.load %arg11[%swap3A_42, %swap3A_43] : memref<256x128xf32, #tpu.memory_space<vmem>>, vector<256x128xf32>
      tpu.vector_store %arg11[%swap3A_42, %swap3A_43], %broadcast_in_dim3A_41 {strides = array<i32>} : memref<256x128xf32, #tpu.memory_space<vmem>>, vector<256x128xf32>,
    } else {
    }
    %get3A = arith.constant 0 : index
    %get3A_2 = arith.constant 0 : index
    %get3A_3 = arith.constant 0 : index
    %get3A_4 = vector.load %arg2[%get3A, %get3A_2, %get3A_3] : memref<1x1x1000xi32, #tpu.memory_space<vmem>>, vector<1x1x1000xi32>
    %get3A_5 = vector.shape_cast %get3A_4 : vector<1x1x1000xi32> to vector<1000xi32>
    %broadcast_in_dim3A = vector.shape_cast %get3A_5 : vector<1000xi32> to vector<1000x1xi32>
    %iota3A = tpu.iota {dimensions = array<i32: 1>} : vector<1000x256xi32>
    %eq3A_6 = vector.broadcast %broadcast_in_dim3A : vector<1000x1xi32> to vector<1000x256xi32>
    %eq3A_7 = arith.cmpi eq, %eq3A_6, %iota3A : vector<1000x256xi32>
    %convert_element_type3A_8 = arith.extui %eq3A_7 : vector<1000x256xi1> to vector<1000x256xi32>
    %convert_element_type3A_9 = arith.sitofp %convert_element_type3A_8 : vector<1000x256xi32> to vector<1000x256xf32>
    %get3A_10 = arith.constant 0 : index
    %get3A_11 = arith.constant 0 : index
    %get3A_12 = vector.load %arg10[%get3A_10, %get3A_11] : memref<256x128xf32, #tpu.memory_space<vmem>>, vector<256x128xf32>
    %get3A_13 = arith.constant 0 : index
    %get3A_14 = arith.constant 0 : index
    %get3A_15 = vector.load %arg1[%get3A_13, %get3A_14] : memref<1000x128xf32, #tpu.memory_space<vmem>>, vector<1000x128xf32>
    %dot_general3A = arith.constant dense<0.000000e+00> : vector<256x128xf32>
    %dot_general3A_16 = tpu.matmul %convert_element_type3A_9, %get3A_15, %dot_general3A {dimension_numbers = #tpu.dot_dimension_numbers<[0], [0], [1], [1], [0, 1, 1, 1], [], []>, transpose_lhs_hint = false} : vector<1000x256xf32>, vector<1000x128xf32>, vector<256x128xf32> -> vector<256x128xf32>
    %add3A = arith.addf %get3A_12, %dot_general3A_16 : vector<256x128xf32>
    %swap3A = arith.constant 0 : index
    %swap3A_17 = arith.constant 0 : index
    %swap3A_18 = vector.load %arg10[%swap3A, %swap3A_17] : memref<256x128xf32, #tpu.memory_space<vmem>>, vector<256x128xf32>
    tpu.vector_store %arg10[%swap3A, %swap3A_17], %add3A {strides = array<i32>} : memref<256x128xf32, #tpu.memory_space<vmem>>, vector<256x128xf32>,
    %get3A_19 = arith.constant 0 : index
    %get3A_20 = arith.constant 0 : index
    %get3A_21 = vector.load %arg11[%get3A_19, %get3A_20] : memref<256x128xf32, #tpu.memory_space<vmem>>, vector<256x128xf32>
    %broadcast_in_dim3A_22 = arith.constant 1.000000e+00 : f32
    %broadcast_in_dim3A_23 = vector.broadcast %broadcast_in_dim3A_22 : f32 to vector<1000x128xf32>
    %dot_general3A_24 = arith.constant dense<0.000000e+00> : vector<256x128xf32>
    %dot_general3A_25 = tpu.matmul %convert_element_type3A_9, %broadcast_in_dim3A_23, %dot_general3A_24 {dimension_numbers = #tpu.dot_dimension_numbers<[0], [0], [1], [1], [0, 1, 1, 1], [], []>, transpose_lhs_hint = false} : vector<1000x256xf32>, vector<1000x128xf32>, vector<256x128xf32> -> vector<256x128xf32>
    %add3A_26 = arith.addf %get3A_21, %dot_general3A_25 : vector<256x128xf32>
    %swap3A_27 = arith.constant 0 : index
    %swap3A_28 = arith.constant 0 : index
    %swap3A_29 = vector.load %arg11[%swap3A_27, %swap3A_28] : memref<256x128xf32, #tpu.memory_space<vmem>>, vector<256x128xf32>
    tpu.vector_store %arg11[%swap3A_27, %swap3A_28], %add3A_26 {strides = array<i32>} : memref<256x128xf32, #tpu.memory_space<vmem>>, vector<256x128xf32>,
    %eq3A_30 = arith.constant 9 : i32
    %eq3A_31 = arith.cmpi eq, %arg0, %eq3A_30 : i32
    %convert_element_type3A_32 = arith.extui %eq3A_31 : i1 to i32
    %cond3A_33 = arith.constant 0 : i32
    %cond3A_34 = arith.cmpi ne, %convert_element_type3A_32, %cond3A_33 : i32
    scf.if %cond3A_34 {
      %get3A_35 = arith.constant 0 : index
      %get3A_36 = arith.constant 0 : index
      %get3A_37 = vector.load %arg3[%get3A_35, %get3A_36] : memref<256x128xf32, #tpu.memory_space<vmem>>, vector<256x128xf32>
      %get3A_38 = arith.constant 0 : index
      %get3A_39 = arith.constant 0 : index
      %get3A_40 = vector.load %arg10[%get3A_38, %get3A_39] : memref<256x128xf32, #tpu.memory_space<vmem>>, vector<256x128xf32>
      %get3A_41 = arith.constant 0 : index
      %get3A_42 = arith.constant 0 : index
      %get3A_43 = vector.load %arg11[%get3A_41, %get3A_42] : memref<256x128xf32, #tpu.memory_space<vmem>>, vector<256x128xf32>
      %max3A = arith.constant 1.000000e+00 : f32
      %max3A_44 = vector.broadcast %max3A : f32 to vector<256x128xf32>
      %max3A_45 = arith.maximumf %get3A_43, %max3A_44 : vector<256x128xf32>
      %div3A = arith.divf %get3A_40, %max3A_45 : vector<256x128xf32>
      %get3A_46 = arith.constant 0 : index
      %get3A_47 = arith.constant 0 : index
      %get3A_48 = vector.load %arg4[%get3A_46, %get3A_47] : memref<128x128xf32, #tpu.memory_space<vmem>>, vector<128x128xf32>
      %dot_general3A_49 = arith.constant dense<0.000000e+00> : vector<256x128xf32>
      %dot_general3A_50 = tpu.matmul %get3A_37, %get3A_48, %dot_general3A_49 {dimension_numbers = #tpu.dot_dimension_numbers<[1], [0], [0], [1], [0, 0, 1, 1], [], []>, transpose_lhs_hint = false} : vector<256x128xf32>, vector<128x128xf32>, vector<256x128xf32> -> vector<256x128xf32>
      %get3A_51 = arith.constant 0 : index
      %get3A_52 = arith.constant 0 : index
      %get3A_53 = vector.load %arg5[%get3A_51, %get3A_52] : memref<128x128xf32, #tpu.memory_space<vmem>>, vector<128x128xf32>
      %dot_general3A_54 = arith.constant dense<0.000000e+00> : vector<256x128xf32>
      %dot_general3A_55 = tpu.matmul %div3A, %get3A_53, %dot_general3A_54 {dimension_numbers = #tpu.dot_dimension_numbers<[1], [0], [0], [1], [0, 0, 1, 1], [], []>, transpose_lhs_hint = false} : vector<256x128xf32>, vector<128x128xf32>, vector<256x128xf32> -> vector<256x128xf32>
      %add3A_56 = arith.addf %dot_general3A_50, %dot_general3A_55 : vector<256x128xf32>
      %get3A_57 = arith.constant 0 : index
      %get3A_58 = arith.constant 0 : index
      %get3A_59 = vector.load %arg6[%get3A_57, %get3A_58] : memref<1x128xf32, #tpu.memory_space<vmem>>, vector<1x128xf32>
      %add3A_60 = vector.broadcast %get3A_59 : vector<1x128xf32> to vector<256x128xf32>
      %add3A_61 = arith.addf %add3A_56, %add3A_60 : vector<256x128xf32>
      %max3A_62 = arith.constant 0.000000e+00 : f32
      %max3A_63 = vector.broadcast %max3A_62 : f32 to vector<256x128xf32>
      %max3A_64 = arith.maximumf %add3A_61, %max3A_63 : vector<256x128xf32>
      %get3A_65 = arith.constant 0 : index
      %get3A_66 = arith.constant 0 : index
      %get3A_67 = vector.load %arg7[%get3A_65, %get3A_66] : memref<128x128xf32, #tpu.memory_space<vmem>>, vector<128x128xf32>
      %dot_general3A_68 = arith.constant dense<0.000000e+00> : vector<256x128xf32>
      %dot_general3A_69 = tpu.matmul %max3A_64, %get3A_67, %dot_general3A_68 {dimension_numbers = #tpu.dot_dimension_numbers<[1], [0], [0], [1], [0, 0, 1, 1], [], []>, transpose_lhs_hint = false} : vector<256x128xf32>, vector<128x128xf32>, vector<256x128xf32> -> vector<256x128xf32>
      %add3A_70 = arith.addf %get3A_37, %dot_general3A_69 : vector<256x128xf32>
      %get3A_71 = arith.constant 0 : index
      %get3A_72 = arith.constant 0 : index
      %get3A_73 = vector.load %arg8[%get3A_71, %get3A_72] : memref<1x128xf32, #tpu.memory_space<vmem>>, vector<1x128xf32>
      %add3A_74 = vector.broadcast %get3A_73 : vector<1x128xf32> to vector<256x128xf32>
      %add3A_75 = arith.addf %add3A_70, %add3A_74 : vector<256x128xf32>
      %swap3A_76 = arith.constant 0 : index
      %swap3A_77 = arith.constant 0 : index
      %swap3A_78 = vector.load %arg9[%swap3A_76, %swap3A_77] : memref<256x128xf32, #tpu.memory_space<vmem>>, vector<256x128xf32>
      tpu.vector_store %arg9[%swap3A_76, %swap3A_77], %add3A_75 {strides = array<i32>} : memref<256x128xf32, #tpu.memory_space<vmem>>, vector<256x128xf32>,
    } else {
    }
    return
  }
  func.func @transform_0(%arg0: i32) -> (i32, i32) {
    %c0_i32 = arith.constant 0 : i32
    %c0_i32_0 = arith.constant 0 : i32
    return %arg0, %c0_i32 : i32, i32
  }
  func.func @transform_1(%arg0: i32) -> (i32, i32, i32) {
    %c0_i32 = arith.constant 0 : i32
    %c0_i32_0 = arith.constant 0 : i32
    %c0_i32_1 = arith.constant 0 : i32
    return %arg0, %c0_i32, %c0_i32_0 : i32, i32, i32
  }
  func.func @transform_2(%arg0: i32) -> (i32, i32) {
    %c0_i32 = arith.constant 0 : i32
    %c0_i32_0 = arith.constant 0 : i32
    %c0_i32_1 = arith.constant 0 : i32
    return %c0_i32, %c0_i32_0 : i32, i32
  }
  func.func @transform_3(%arg0: i32) -> (i32, i32) {
    %c0_i32 = arith.constant 0 : i32
    %c0_i32_0 = arith.constant 0 : i32
    %c0_i32_1 = arith.constant 0 : i32
    return %c0_i32, %c0_i32_0 : i32, i32
  }
  func.func @transform_4(%arg0: i32) -> (i32, i32) {
    %c0_i32 = arith.constant 0 : i32
    %c0_i32_0 = arith.constant 0 : i32
    %c0_i32_1 = arith.constant 0 : i32
    return %c0_i32, %c0_i32_0 : i32, i32
  }
  func.func @transform_5(%arg0: i32) -> (i32, i32) {
    %c0_i32 = arith.constant 0 : i32
    %c0_i32_0 = arith.constant 0 : i32
    %c0_i32_1 = arith.constant 0 : i32
    return %c0_i32, %c0_i32_0 : i32, i32
  }
  func.func @transform_6(%arg0: i32) -> (i32, i32) {
    %c0_i32 = arith.constant 0 : i32
    %c0_i32_0 = arith.constant 0 : i32
    %c0_i32_1 = arith.constant 0 : i32
    return %c0_i32, %c0_i32_0 : i32, i32
  }
  func.func @transform_7(%arg0: i32) -> (i32, i32) {
    %c0_i32 = arith.constant 0 : i32
    %c0_i32_0 = arith.constant 0 : i32
    %c0_i32_1 = arith.constant 0 : i32
    return %c0_i32, %c0_i32_0 : i32, i32
  }
  func.func @transform_8(%arg0: i32) -> (i32, i32) {
    %c0_i32 = arith.constant 0 : i32
    %c0_i32_0 = arith.constant 0 : i32
    %c0_i32_1 = arith.constant 0 : i32
    return %c0_i32, %c0_i32_0 : i32, i32
  }
}

module attributes {stable_mosaic.version = 14 : i64} {
  func.func @_readout_body(%arg0: memref<256x128xf32, #tpu.memory_space<vmem>>, %arg1: memref<128x128xf32, #tpu.memory_space<vmem>>, %arg2: memref<1x128xf32, #tpu.memory_space<vmem>>, %arg3: memref<128x128xf32, #tpu.memory_space<vmem>>, %arg4: memref<1x128xf32, #tpu.memory_space<vmem>>, %arg5: memref<256x128xf32, #tpu.memory_space<vmem>>) attributes {dimension_semantics = [], scalar_prefetch = 0 : i64, scratch_operands = 0 : i64, tpu.core_type = #tpu.core_type<tc>} {
    %get3A = arith.constant 0 : index
    %get3A_0 = arith.constant 0 : index
    %get3A_1 = vector.load %arg0[%get3A, %get3A_0] : memref<256x128xf32, #tpu.memory_space<vmem>>, vector<256x128xf32>
    %get3A_2 = arith.constant 0 : index
    %get3A_3 = arith.constant 0 : index
    %get3A_4 = vector.load %arg1[%get3A_2, %get3A_3] : memref<128x128xf32, #tpu.memory_space<vmem>>, vector<128x128xf32>
    %dot_general3A = arith.constant dense<0.000000e+00> : vector<256x128xf32>
    %dot_general3A_5 = tpu.matmul %get3A_1, %get3A_4, %dot_general3A {dimension_numbers = #tpu.dot_dimension_numbers<[1], [0], [0], [1], [0, 0, 1, 1], [], []>, transpose_lhs_hint = false} : vector<256x128xf32>, vector<128x128xf32>, vector<256x128xf32> -> vector<256x128xf32>
    %get3A_6 = arith.constant 0 : index
    %get3A_7 = arith.constant 0 : index
    %get3A_8 = vector.load %arg2[%get3A_6, %get3A_7] : memref<1x128xf32, #tpu.memory_space<vmem>>, vector<1x128xf32>
    %add3A = vector.broadcast %get3A_8 : vector<1x128xf32> to vector<256x128xf32>
    %add3A_9 = arith.addf %dot_general3A_5, %add3A : vector<256x128xf32>
    %max3A = arith.constant 0.000000e+00 : f32
    %max3A_10 = vector.broadcast %max3A : f32 to vector<256x128xf32>
    %max3A_11 = arith.maximumf %add3A_9, %max3A_10 : vector<256x128xf32>
    %get3A_12 = arith.constant 0 : index
    %get3A_13 = arith.constant 0 : index
    %get3A_14 = vector.load %arg3[%get3A_12, %get3A_13] : memref<128x128xf32, #tpu.memory_space<vmem>>, vector<128x128xf32>
    %dot_general3A_15 = arith.constant dense<0.000000e+00> : vector<256x128xf32>
    %dot_general3A_16 = tpu.matmul %max3A_11, %get3A_14, %dot_general3A_15 {dimension_numbers = #tpu.dot_dimension_numbers<[1], [0], [0], [1], [0, 0, 1, 1], [], []>, transpose_lhs_hint = false} : vector<256x128xf32>, vector<128x128xf32>, vector<256x128xf32> -> vector<256x128xf32>
    %get3A_17 = arith.constant 0 : index
    %get3A_18 = arith.constant 0 : index
    %get3A_19 = vector.load %arg4[%get3A_17, %get3A_18] : memref<1x128xf32, #tpu.memory_space<vmem>>, vector<1x128xf32>
    %add3A_20 = vector.broadcast %get3A_19 : vector<1x128xf32> to vector<256x128xf32>
    %add3A_21 = arith.addf %dot_general3A_16, %add3A_20 : vector<256x128xf32>
    %swap3A = arith.constant 0 : index
    %swap3A_22 = arith.constant 0 : index
    %swap3A_23 = vector.load %arg5[%swap3A, %swap3A_22] : memref<256x128xf32, #tpu.memory_space<vmem>>, vector<256x128xf32>
    tpu.vector_store %arg5[%swap3A, %swap3A_22], %add3A_21 {strides = array<i32>} : memref<256x128xf32, #tpu.memory_space<vmem>>, vector<256x128xf32>,
    return
  }
}

</mosaic_0001>

<sc_bundles>
// kernel: kernel.24.cloned.1.call-start
scs
__scs_entry_jumppad:
0x0: {  	(pc) =	sbr.rel $0x88, $3  }
0x1: {  	(tag) =	ssettag $0x0;
	lr =	simm.s32 $0x1  }
0x2: {  	[smem:$0x3F6F] =	sst lr;
	_ =	strace $0xD0000000  }
0x3: {  	_ = 	snop  }
0x4: {  	_ = 	snop  }
0x5: {  	_ = 	snop  }
0x6: {  	_ = 	snop  }
0x7: {  	_ = 	snop  }
__scs_overlays_trampoline_lowered:
0x8: {  	[smem:$0x3F7E] =	sst s0  }
0x9: {  	[smem:$0x3F7F] =	sst s1  }
0xa: {  	[smem:$0x3F80] =	sst s2  }
0xb: {  	[smem:$0x3F81] =	sst s3  }
0xc: {  	[smem:$0x3F82] =	sst s4  }
0xd: {  	[smem:$0x3F83] =	sst s5  }
0xe: {  	[smem:$0x3F84] =	sst s6  }
0xf: {  	[smem:$0x3F85] =	sst s7  }
0x10: {  	[smem:$0x3F86] =	sst s8  }
0x11: {  	[smem:$0x3F87] =	sst s9;
	s0 =	simm.s32 @!p0 $0x0  }
0x12: {  	s1 =	sld [smem:$0x3F6D];
	s0 =	simm.s32 @p0 $0x1  }
0x13: {  	[smem:$0x3F88] =	sst s0;
	s0 =	simm.s32 @!p1 $0x0  }
0x14: {  	s2 =	sld [smem:$0x3F6C];
	s0 =	simm.s32 @p1 $0x1  }
0x15: {  	[smem:$0x3F89] =	sst s0;
	s0 =	simm.s32 @!p2 $0x0  }
0x16: {  	s3 =	sld [smem:$0x3FDB];
	s0 =	simm.s32 @p2 $0x1  }
0x17: {  	s4 =	simm.s32 $0x1BF5;
	[smem:$0x3F8B] =	sst s0  }
0x18: {  	s0 =	sld [smem:$0x3F6E];
	_ =	swait.ge [sflag:s4], $0x0  }
0x19: {  	s7 =	sld [smem:$0x3F6F]  }
0x1a: {  	s8 =	sadd.s32 $0xFFFFE003, lr  }
0x1b: {  	s9 =	sadd.s32 $0xFFFFFEF7, lr;
	s5 =	simm.s32 $0xFFFFFFFF;
	p2 =	slt.u32 s8, $0xFFFFF086  }
0x1c: {  	p1 =	slt.u32 s9, $0xF7A;
	s5 =	simm.s32 @!p2 $0x0  }
0x1d: {  	s5 =	simm.s32 @p1 $0x1;
	p0 =	seq.s32 s7, s2  }
0x1e: {  	s7 =	smul.u32 @!p0 $0xF7A, s2;
	p2 =	seq.s32 @!p0 s5, $0x0  }
0x1f: {  	s9 =	smul.u32 $0xF7A, s1;
	s8 =	simm.s32 @!p0 $0x1BF5;
	p2 =	por !p2, p0  }
0x20: {  	[sflag:s8] =	ssyncset.s32 @!p0 $0xFFFFF086;
	s6 =	sadd.s32 @!p0 s3, s7;
	s7 =	simm.s32 @!p0 $0x108  }
0x21: {  	s3 =	sadd.s32 s3, s9;
	s6 =	sadd.s32 @!p0 $0x88, s6;
	s7 =	simm.s32 @p2 $0x1082  }
0x22: {  	[simem:s7], [sflag:s8] =	dma.local @!p0 [hbm:s6], $0xF7A  }
0x23: {  	s9 =	sor.u32 $0xD0000000, s2;
	s6 =	simm.s32 $0x108;
	_ =	swait.ge @!p0 [sflag:s8], $0x0  }
0x24: {  	s3 =	sadd.s32 $0x88, s3;
	s6 =	simm.s32 @!p1 $0x1082;
	[sflag:s4] =	ssyncset.s32 $0xFFFFF086  }
0x25: {  	[simem:s6], [sflag:s4] =	dma.local [hbm:s3], $0xF7A  }
0x26: {  	[smem:$0x3F6F] =	sst s1;
	(tag) =	ssettag s2;
	_ =	strace s9  }
0x27: {  	s1 =	sld [smem:$0x3F7F]  }
0x28: {  	s2 =	sld [smem:$0x3F80]  }
0x29: {  	s4 =	sld [smem:$0x3F82]  }
0x2a: {  	p0 =	seq.s32 s5, $0x0;
	s5 =	sld [smem:$0x3F83]  }
0x2b: {  	s6 =	sld [smem:$0x3F84]  }
0x2c: {  	s7 =	sld [smem:$0x3F85]  }
0x2d: {  	s3 =	simm.s32 $0x108;
	s8 =	sld [smem:$0x3F86]  }
0x2e: {  	s3 =	simm.s32 @!p0 $0x1082;
	s9 =	sld [smem:$0x3F87]  }
0x2f: {  	lr =	sadd.s32 s0, s3;
	s0 =	sld [smem:$0x3F7E]  }
0x30: {  	s3 =	sld [smem:$0x3F81]  }
0x31: {  	[smem:$0x3F8A] =	sst s10  }
0x32: {  	s10 =	sld [smem:$0x3F88];
	_ =	sdelay $0x3  }
0x33: {  	p0 =	seq.s32 s10, $0x1;
	s10 =	sld [smem:$0x3F8A];
	_ =	sdelay $0x3  }
0x34: {  	[smem:$0x3F8A] =	sst s10  }
0x35: {  	s10 =	sld [smem:$0x3F89];
	_ =	sdelay $0x3  }
0x36: {  	p1 =	seq.s32 s10, $0x1;
	s10 =	sld [smem:$0x3F8A];
	_ =	sdelay $0x3  }
0x37: {  	[smem:$0x3F8A] =	sst s10  }
0x38: {  	s10 =	sld [smem:$0x3F8B]  }
0x39: {  	_ = 	snop;
	(pc) =	sbr.ind lr, $3  }
0x3a: {  	_ = 	snop  }
0x3b: {  	_ = 	snop  }
0x3c: {  	p2 =	seq.s32 s10, $0x1;
	s10 =	sld [smem:$0x3F8A]  }
0x3d: {  	_ =	shalt  }
0x3e: {  	_ =	shalt  }
0x3f: {  	_ =	shalt  }
0x40: {  	_ =	shalt  }
0x41: {  	_ =	shalt  }
0x42: {  	_ =	shalt  }
0x43: {  	_ =	shalt  }
0x44: {  	_ =	shalt  }
0x45: {  	_ =	shalt  }
0x46: {  	_ =	shalt  }
0x47: {  	_ =	shalt  }
0x48: {  	_ =	shalt  }
0x49: {  	_ =	shalt  }
0x4a: {  	_ =	shalt  }
0x4b: {  	_ =	shalt  }
0x4c: {  	_ =	shalt  }
0x4d: {  	_ =	shalt  }
0x4e: {  	_ =	shalt  }
0x4f: {  	_ =	shalt  }
0x50: {  	_ =	shalt  }
0x51: {  	_ =	shalt  }
0x52: {  	_ =	shalt  }
0x53: {  	_ =	shalt  }
0x54: {  	_ =	shalt  }
0x55: {  	_ =	shalt  }
0x56: {  	_ =	shalt  }
0x57: {  	_ =	shalt  }
0x58: {  	_ =	shalt  }
0x59: {  	_ =	shalt  }
0x5a: {  	_ =	shalt  }
0x5b: {  	_ =	shalt  }
0x5c: {  	_ =	shalt  }
0x5d: {  	_ =	shalt  }
0x5e: {  	_ =	shalt  }
0x5f: {  	_ =	shalt  }
0x60: {  	_ =	shalt  }
0x61: {  	_ =	shalt  }
0x62: {  	_ =	shalt  }
0x63: {  	_ =	shalt  }
0x64: {  	_ =	shalt  }
0x65: {  	_ =	shalt  }
0x66: {  	_ =	shalt  }
0x67: {  	_ =	shalt  }
0x68: {  	_ =	shalt  }
0x69: {  	_ =	shalt  }
0x6a: {  	_ =	shalt  }
0x6b: {  	_ =	shalt  }
0x6c: {  	_ =	shalt  }
0x6d: {  	_ =	shalt  }
0x6e: {  	_ =	shalt  }
0x6f: {  	_ =	shalt  }
0x70: {  	_ =	shalt  }
0x71: {  	_ =	shalt  }
0x72: {  	_ =	shalt  }
0x73: {  	_ =	shalt  }
0x74: {  	_ =	shalt  }
0x75: {  	_ =	shalt  }
0x76: {  	_ =	shalt  }
0x77: {  	_ =	shalt  }
0x78: {  	_ =	shalt  }
0x79: {  	_ =	shalt  }
0x7a: {  	_ =	shalt  }
0x7b: {  	_ =	shalt  }
0x7c: {  	_ =	shalt  }
0x7d: {  	_ =	shalt  }
0x7e: {  	_ =	shalt  }
0x7f: {  	_ =	shalt  }
0x80: {  	_ =	shalt  }
0x81: {  	_ =	shalt  }
0x82: {  	_ =	shalt  }
0x83: {  	_ =	shalt  }
0x84: {  	_ =	shalt  }
0x85: {  	_ =	shalt  }
0x86: {  	_ =	shalt  }
0x87: {  	_ =	shalt  }
.Lfunc_end0:
.L_simem_size_0:
called_computation_lowered:
.L_overlay_start_0:
0x88: {  	s2 =	sld [smem:$0x3FD9]  }
0x89: {  	s3 =	sld [smem:$0x3FFE];
	_ =	sdelay $0x1  }
0x8a: {  	s1 =	srdreg.scid  }
0x8b: {  	s0 =	sand.u32 $0x1, s1  }
0x8c: {  	s16 =	sshll.u32 s0, $0xA;
	s2 =	sadd.s32 s3, s2  }
0x8d: {  	s2 =	sadd.s32 s2, s16  }
0x8e: {  	[smem:$0x3F96] =	sst s2  }
0x8f: {  	_ = 	snop  }
0x90: {  	(tm) =	ssettm $0x1  }
0x91: {  	s17 =	sld [smem:$0x3FFB];
	_ =	sdelay $0x3  }
0x92: {  	_ =	strace s17  }
0x93: {  	s2 =	sld [smem:$0x3FFC];
	_ =	sdelay $0x3  }
0x94: {  	_ =	strace s2  }
0x95: {  	s2 =	sld [smem:$0x3FFD];
	_ =	sdelay $0x3  }
0x96: {  	_ =	strace s2  }
0x97: {  	_ =	strace $0x8FFFFFFF  }
0x98: {  	s18 =	sld [smem:$0x3FDB];
	_ =	sdelay $0x1  }
0x99: {  	s19 =	simm.s32 $_scs_section_size  }
0x9a: {  	s4 =	simm.s32 $_size__tile_overlayer_lowered;
	s5 =	simm.s32 $_tile_overlayer_lowered  }
0x9b: {  	s22 =	simm.s32 $0x1BFF;
	s21 =	sshll.u32 s5, $0x1;
	s2 =	sadd.s32 s19, s18  }
0x9c: {  	s6 =	simm.s32 $0x0;
	s20 =	sshll.u32 s4, $0x1;
	s4 =	sadd.s32 s21, s2  }
0x9d: {  	[timem:s6], [sflag:s22] =	dma.local [hbm:s4], s20  }
0x9e: {  	_ =	swait.ge [sflag:s22], s20  }
0x9f: {  	s3 =	ssub.s32 $0x0, s20;
	[sflag:s22] =	ssyncset.done $0x0  }
0xa0: {  	[sflag:s22] =	ssyncadd.s32 s3;
	_ =	sdelay $0x1  }
0xa1: {  	s23 =	simm.s32 $0x1B8B  }
0xa2: {  	_ =	swait.ge [sflag:s23], $0x1  }
0xa3: {  	[sflag:s23] =	ssyncset.done $0x0  }
0xa4: {  	s25 =	simm.s32 $0x1B8E;
	s24 =	sld [smem:$0x3FFE];
	[sflag:s23] =	ssyncadd.s32 $0xFFFFFFFF  }
0xa5: {  	s26 =	simm.s32 $execute0_lowered;
	[smem:$0x3FD2] =	sst s25  }
0xa6: {  	s4 =	sshll.u32 s26, $0x1;
	_ =	strace $0x80000046;
	[dreg:$0x1] =	wrdreg $0xFFFFFFFF  }
0xa7: {  	s28 =	simm.s32 $_size_execute0_lowered;
	s2 =	sadd.s32 s2, s4;
	[dreg:$0x0] =	wrdreg $0x0  }
0xa8: {  	s4 =	sshll.u32 s28, $0x1;
	[dreg:$0x2] =	wrdreg s2  }
0xa9: {  	[dreg:$0x3] =	wrdreg s4  }
0xaa: {  	[dreg:$0x4] =	wrdreg $0xC0  }
0xab: {  	_ =	task [dreg:s6], $0x5FFFF  }
0xac: {  	[dreg:$0x1] =	wrdreg $0xFFFFFFFF  }
0xad: {  	[dreg:$0x0] =	wrdreg $0x60  }
0xae: {  	[dreg:$0x2] =	wrdreg s24  }
0xaf: {  	[dreg:$0x3] =	wrdreg $0x9  }
0xb0: {  	_ =	task.clear_ibuf [dreg:s6], $0x4FFFF;
	_ =	strace $0x90000046  }
0xb1: {  	s29 =	simm.s32 $0x9;
	_ =	strace $0x80000048  }
0xb2: {  	_ =	swait.ge [sflag:s29], $0x1  }
0xb3: {  	[sflag:s29] =	ssyncadd.s32 $0xFFFFFFFF  }
0xb4: {  	_ =	strace $0x90000048  }
0xb5: {  	_ =	sfence  }
0xb6: {  	s30 =	sld [smem:$0x0];
	_ =	sdelay $0x2  }
0xb7: {  	s31 =	sshll.u32 s1, $0xD;
	s1 =	sshrl.u32 s1, $0x2  }
0xb8: {  	s3 =	sand.u32 $0x4000, s31;
	s1 =	sadd.s32 s1, s30  }
0xb9: {  	s0 =	sor.u32 s3, s0;
	s1 =	sshll.u32 s1, $0x11  }
0xba: {  	s0 =	sor.u32 s1, s0  }
0xbb: {  	s0 =	sadd.s32 $0x8F2B, s0  }
0xbc: {  	[sflag:s0] =	ssyncadd.remote.s32 $0x1  }
0xbd: {  	_ =	sfence.sel $0xFFFF  }
0xbe: {  	[dreg:$0x0] =	wrdreg $0xFFFFFFFF;
	(pc) =	sbr.abs _section_cstart, $3  }
0xbf: {  	[dreg:$0x1] =	wrdreg $0xFFFFFFFF  }
0xc0: {  	_ =	task.clear_ibuf [dreg:s6], $0x2FFFF;
	_ =	strace $0x9FFFFFFF  }
0xc1: {  	(tm) =	ssettm $0x7FFFFFFF  }
tec
execute0_lowered:
.L_overlay_start_1:
0x0: {  	(tag) =	ssettag $0x1  }
0x1: {  	s5 =	rddreg [dreg:$0x0]  }
0x2: {  	s0 =	rddreg [dreg:$0x1];
	s3 =	srdreg.scid  }
0x3: {  	s1 =	stileid.u32;
	s2 =	simm.s32 $0x0;
	s11 =	simm.s32 $0x50  }
0x4: {  	s12 =	simm.s32 $0xA0;
	s13 =	simm.s32 $0x14A0;
	s14 =	simm.s32 $0x1  }
0x5: {  	s15 =	simm.s32 $0x0;
	s6 =	sand.u32 $0x1, s3;
	s7 =	smul.u32 $0x4E20, s1  }
0x6: {  	[smem:$0x7FF] =	sst s2;
	s3 =	sadd.s32 $0x46000, s5;
	s9 =	smul.u32 $0x27100, s1  }
0x7: {  	s4 =	sadd.s32 $0x32600, s5;
	s8 =	smul.u32 $0x2710, s6;
	s10 =	ssub.s32 $0x2, s6  }
0x8: {  	_ =	strace $0x80000047;
	s6 =	smul.u32 $0x13880, s6;
	s30 =	sshrl.u32 s10, $0x1  }
0x9: {  	s29 =	sadd.s32 s9, s5;
	s7 =	sadd.s32 s8, s7;
	s9 =	ssub.s32 s10, s30  }
0xa: {  	s8 =	sadd.s32 s6, s29;
	s10 =	simm.s32 $0x2;
	s7 =	sshrl.u32 s7, $0x3  }
0xb: {  	s6 =	sadd.s32 $0x6D600, s8;
	s31 =	sadd.s32 s7, s5;
	s5 =	smax.u32 s9, $0x1  }
0xc: {  	s7 =	sadd.s32 $0x2DE600, s8;
	s8 =	sadd.s32 $0x59A00, s31;
	s9 =	sadd.s32 $0x63800, s31  }
.LBB2_1:
0xd: {  	s16 =	sadd.s32 $0x0, s9  }
0xe: {  	[tilespmem:s2], [sflag:$0x2] =	stream.linear.gather [hbm4b:s16+s2], $0x50, $0x38;
	[tilespmem:$0x28A0] =	vst v63  }
0xf: {  	_ =	swait.ge [sflag:s10], $0x50  }
0x10: {  	[sflag:s10] =	ssyncset.done $0x0  }
0x11: {  	s31 =	sadd.s32 $0x0, s8;
	[sflag:s10] =	ssyncadd.s32 $0xFFFFFFB0  }
0x12: {  	[tilespmem:s11], [sflag:$0x2] =	stream.linear.gather [hbm4b:s31+s2], $0x50, $0x38;
	[tilespmem:$0x28A0] =	vst v63  }
0x13: {  	_ =	swait.ge [sflag:s10], $0x50  }
0x14: {  	[sflag:s10] =	ssyncset.done $0x0  }
0x15: {  	[sflag:s10] =	ssyncadd.s32 $0xFFFFFFB0  }
0x16: {  	[tilespmem:s12], [sflag:$0x1] =	stream.indirect.gather [hbm4b:s3+s11], $0x40, s2, s11, $0xb8;
	[tilespmem:$0x28A0] =	vst v63  }
0x17: {  	_ = 	snop  }
0x18: {  	[tilespmem:s13], [sflag:$0x1] =	stream.indirect.gather [hbm4b:s4+s11], $0x40, s11, s11, $0xb8;
	[tilespmem:$0x28A0] =	vst v63  }
0x19: {  	_ =	swait.ge [sflag:s14], $0x1400  }
0x1a: {  	[sflag:s14] =	ssyncset.done $0x0  }
0x1b: {  	[sflag:s14] =	ssyncadd.s32 $0xFFFFEC00  }
0x1c: {  	_ =	swait.ge [sflag:s14], $0x1400  }
0x1d: {  	[sflag:s14] =	ssyncset.done $0x0  }
0x1e: {  	[sflag:s14] =	ssyncadd.s32 $0xFFFFEC00  }
0x1f: {  	[hbm4b:s7+s2] =	stream.linear.scatter [tilespmem:s12], [sflag:$0x2], $0x1400, $0x38;
	[tilespmem:$0x28A0] =	vst v63  }
0x20: {  	_ =	swait.ge [sflag:s10], $0x1400  }
0x21: {  	[sflag:s10] =	ssyncset.done $0x0  }
0x22: {  	[sflag:s10] =	ssyncadd.s32 $0xFFFFEC00  }
0x23: {  	[hbm4b:s6+s2] =	stream.linear.scatter [tilespmem:s13], [sflag:$0x2], $0x1400, $0x38;
	[tilespmem:$0x28A0] =	vst v63  }
0x24: {  	s18 =	simm.s32 $0xA;
	s19 =	simm.s32 $0x14;
	_ =	swait.ge [sflag:s10], $0x1400  }
0x25: {  	s17 =	sadd.s32 $0x280, s7;
	s16 =	sadd.s32 $0x280, s6;
	[sflag:s10] =	ssyncset.done $0x0  }
.LBB2_2:
0x26: {  	s20 =	sadd.s32 s18, s9  }
0x27: {  	[sflag:s10] =	ssyncadd.s32 $0xFFFFEC00;
	s21 =	smov.u32 s19;
	s22 =	sadd.s32 $0xA, s19  }
0x28: {  	[tilespmem:s2], [sflag:$0x2] =	stream.linear.gather [hbm4b:s20+s2], $0x50, $0x38;
	[tilespmem:$0x28A0] =	vst v63  }
0x29: {  	p0 =	sne.s32 s19, $0x4D8;
	_ =	swait.ge [sflag:s10], $0x50  }
0x2a: {  	[sflag:s10] =	ssyncset.done $0x0  }
0x2b: {  	s19 =	sadd.s32 s18, s8;
	s18 =	smov.u32 s21;
	[sflag:s10] =	ssyncadd.s32 $0xFFFFFFB0  }
0x2c: {  	[tilespmem:s11], [sflag:$0x2] =	stream.linear.gather [hbm4b:s19+s2], $0x50, $0x38;
	[tilespmem:$0x28A0] =	vst v63  }
0x2d: {  	_ =	swait.ge [sflag:s10], $0x50  }
0x2e: {  	[sflag:s10] =	ssyncset.done $0x0  }
0x2f: {  	[sflag:s10] =	ssyncadd.s32 $0xFFFFFFB0  }
0x30: {  	[tilespmem:s12], [sflag:$0x1] =	stream.indirect.gather [hbm4b:s3+s11], $0x40, s2, s11, $0xb8;
	[tilespmem:$0x28A0] =	vst v63  }
0x31: {  	_ = 	snop  }
0x32: {  	[tilespmem:s13], [sflag:$0x1] =	stream.indirect.gather [hbm4b:s4+s11], $0x40, s11, s11, $0xb8;
	[tilespmem:$0x28A0] =	vst v63  }
0x33: {  	_ =	swait.ge [sflag:s14], $0x1400  }
0x34: {  	[sflag:s14] =	ssyncset.done $0x0  }
0x35: {  	[sflag:s14] =	ssyncadd.s32 $0xFFFFEC00  }
0x36: {  	_ =	swait.ge [sflag:s14], $0x1400  }
0x37: {  	[sflag:s14] =	ssyncset.done $0x0  }
0x38: {  	[sflag:s14] =	ssyncadd.s32 $0xFFFFEC00  }
0x39: {  	[hbm4b:s17+s2] =	stream.linear.scatter [tilespmem:s12], [sflag:$0x2], $0x1400, $0x38;
	[tilespmem:$0x28A0] =	vst v63  }
0x3a: {  	_ =	swait.ge [sflag:s10], $0x1400  }
.Ltmp0:
0x3b: {  	[sflag:s10] =	ssyncset.done $0x0;
	(pc) =	sbr.rel @p0 .LBB2_2-.Ltmp0, $4  }
0x3c: {  	[sflag:s10] =	ssyncadd.s32 $0xFFFFEC00  }
0x3d: {  	[hbm4b:s16+s2] =	stream.linear.scatter [tilespmem:s13], [sflag:$0x2], $0x1400, $0x38;
	[tilespmem:$0x28A0] =	vst v63  }
0x3e: {  	s19 =	smov.u32 s22;
	_ =	swait.ge [sflag:s10], $0x1400  }
0x3f: {  	s17 =	sadd.s32 $0x280, s17;
	s16 =	sadd.s32 $0x280, s16;
	[sflag:s10] =	ssyncset.done $0x0  }
0x40: {  	s19 =	sadd.s32 s18, s9;
	[sflag:s10] =	ssyncadd.s32 $0xFFFFEC00  }
0x41: {  	[tilespmem:s2], [sflag:$0x2] =	stream.linear.gather [hbm4b:s19+s2], $0x50, $0x38;
	[tilespmem:$0x28A0] =	vst v63  }
0x42: {  	_ =	swait.ge [sflag:s10], $0x50  }
0x43: {  	[sflag:s10] =	ssyncset.done $0x0  }
0x44: {  	s31 =	sadd.s32 s18, s8;
	[sflag:s10] =	ssyncadd.s32 $0xFFFFFFB0  }
0x45: {  	[tilespmem:s11], [sflag:$0x2] =	stream.linear.gather [hbm4b:s31+s2], $0x50, $0x38;
	[tilespmem:$0x28A0] =	vst v63  }
0x46: {  	_ =	swait.ge [sflag:s10], $0x50  }
0x47: {  	[sflag:s10] =	ssyncset.done $0x0  }
0x48: {  	[sflag:s10] =	ssyncadd.s32 $0xFFFFFFB0  }
0x49: {  	[tilespmem:s12], [sflag:$0x1] =	stream.indirect.gather [hbm4b:s3+s11], $0x40, s2, s11, $0xb8;
	[tilespmem:$0x28A0] =	vst v63  }
0x4a: {  	_ = 	snop  }
0x4b: {  	[tilespmem:s13], [sflag:$0x1] =	stream.indirect.gather [hbm4b:s4+s11], $0x40, s11, s11, $0xb8;
	[tilespmem:$0x28A0] =	vst v63  }
0x4c: {  	_ =	swait.ge [sflag:s14], $0x1400  }
0x4d: {  	[sflag:s14] =	ssyncset.done $0x0  }
0x4e: {  	[sflag:s14] =	ssyncadd.s32 $0xFFFFEC00  }
0x4f: {  	_ =	swait.ge [sflag:s14], $0x1400  }
0x50: {  	[sflag:s14] =	ssyncset.done $0x0  }
0x51: {  	[sflag:s14] =	ssyncadd.s32 $0xFFFFEC00  }
0x52: {  	[hbm4b:s17+s2] =	stream.linear.scatter [tilespmem:s12], [sflag:$0x2], $0x1400, $0x38;
	[tilespmem:$0x28A0] =	vst v63  }
0x53: {  	s15 =	sadd.s32 $0x1, s15;
	_ =	swait.ge [sflag:s10], $0x1400  }
0x54: {  	p0 =	sne.s32 s15, s5;
	[sflag:s10] =	ssyncset.done $0x0  }
.Ltmp1:
0x55: {  	[sflag:s10] =	ssyncadd.s32 $0xFFFFEC00;
	(pc) =	sbr.rel @p0 .LBB2_1-.Ltmp1, $4  }
0x56: {  	[hbm4b:s16+s2] =	stream.linear.scatter [tilespmem:s13], [sflag:$0x2], $0x1400, $0x38;
	[tilespmem:$0x28A0] =	vst v63  }
0x57: {  	_ =	swait.ge [sflag:s10], $0x1400  }
0x58: {  	[sflag:s10] =	ssyncset.done $0x0  }
0x59: {  	[sflag:s10] =	ssyncadd.s32 $0xFFFFEC00  }
0x5a: {  	_ =	sfence.sel $0x180000  }
0x5b: {  	[bflag:$0x0] =	sbarrier.arrive $0xFFFF  }
0x5c: {  	p0 =	sne.s32 s1, $0x0;
	_ =	strace $0x90000047  }
0x5d: {  	s0 =	sadd.s32 @!p0 $0x100000, s0;
	[bflag:$0x2] =	sbarrier.arrive $0xFFFF  }
0x5e: {  	[sflag:s0] =	ssyncadd.tile.s32 @!p0 $0x1;
	_ =	shalt  }
.Lfunc_end2:
_tile_overlayer_lowered:
.L_overlay_start_2:
0x5f: {  	(tag) =	ssettag $0x2  }
0x60: {  	s0 =	rddreg [dreg:$0x0];
	s2 =	stileid.u32  }
0x61: {  	s1 =	rddreg [dreg:$0x1];
	p0 =	sne.s32 s2, $0x0  }
0x62: {  	s3 =	rddreg [dreg:$0x2];
	[bflag:$0x3] =	sbarrier.arrive $0xFFFF;
	s2 =	simm.s32 @!p0 $0x1C02  }
0x63: {  	[timem:s3], [sflag:s2] =	dma.local @!p0 [hbm:s0], s1  }
0x64: {  	s0 =	simm.s32 @!p0 $0x2  }
0x65: {  	_ =	swait.ge @!p0 [sflag:s0], s1  }
0x66: {  	s1 =	ssub.s32 @!p0 $0x0, s1;
	[sflag:s0] =	ssyncset.done @!p0 $0x0  }
0x67: {  	[sflag:s0] =	ssyncadd.s32 @!p0 s1  }
0x68: {  	[bflag:$0x3] =	sbarrier.arrive $0xFFFF  }
0x69: {  	_ =	shalt  }

// kernel: kernel.27.cloned.1.call-start
scs
__scs_entry_jumppad:
0x0: {  	(pc) =	sbr.rel $0x88, $3  }
0x1: {  	(tag) =	ssettag $0x0;
	lr =	simm.s32 $0x1  }
0x2: {  	[smem:$0x3F6F] =	sst lr;
	_ =	strace $0xD0000000  }
0x3: {  	_ = 	snop  }
0x4: {  	_ = 	snop  }
0x5: {  	_ = 	snop  }
0x6: {  	_ = 	snop  }
0x7: {  	_ = 	snop  }
__scs_overlays_trampoline_lowered:
0x8: {  	[smem:$0x3F7E] =	sst s0  }
0x9: {  	[smem:$0x3F7F] =	sst s1  }
0xa: {  	[smem:$0x3F80] =	sst s2  }
0xb: {  	[smem:$0x3F81] =	sst s3  }
0xc: {  	[smem:$0x3F82] =	sst s4  }
0xd: {  	[smem:$0x3F83] =	sst s5  }
0xe: {  	[smem:$0x3F84] =	sst s6  }
0xf: {  	[smem:$0x3F85] =	sst s7  }
0x10: {  	[smem:$0x3F86] =	sst s8  }
0x11: {  	[smem:$0x3F87] =	sst s9;
	s0 =	simm.s32 @!p0 $0x0  }
0x12: {  	s1 =	sld [smem:$0x3F6D];
	s0 =	simm.s32 @p0 $0x1  }
0x13: {  	[smem:$0x3F88] =	sst s0;
	s0 =	simm.s32 @!p1 $0x0  }
0x14: {  	s2 =	sld [smem:$0x3F6C];
	s0 =	simm.s32 @p1 $0x1  }
0x15: {  	[smem:$0x3F89] =	sst s0;
	s0 =	simm.s32 @!p2 $0x0  }
0x16: {  	s3 =	sld [smem:$0x3FDB];
	s0 =	simm.s32 @p2 $0x1  }
0x17: {  	s4 =	simm.s32 $0x1BF5;
	[smem:$0x3F8B] =	sst s0  }
0x18: {  	s0 =	sld [smem:$0x3F6E];
	_ =	swait.ge [sflag:s4], $0x0  }
0x19: {  	s7 =	sld [smem:$0x3F6F]  }
0x1a: {  	s8 =	sadd.s32 $0xFFFFE003, lr  }
0x1b: {  	s9 =	sadd.s32 $0xFFFFFEF7, lr;
	s5 =	simm.s32 $0xFFFFFFFF;
	p2 =	slt.u32 s8, $0xFFFFF086  }
0x1c: {  	p1 =	slt.u32 s9, $0xF7A;
	s5 =	simm.s32 @!p2 $0x0  }
0x1d: {  	s5 =	simm.s32 @p1 $0x1;
	p0 =	seq.s32 s7, s2  }
0x1e: {  	s7 =	smul.u32 @!p0 $0xF7A, s2;
	p2 =	seq.s32 @!p0 s5, $0x0  }
0x1f: {  	s9 =	smul.u32 $0xF7A, s1;
	s8 =	simm.s32 @!p0 $0x1BF5;
	p2 =	por !p2, p0  }
0x20: {  	[sflag:s8] =	ssyncset.s32 @!p0 $0xFFFFF086;
	s6 =	sadd.s32 @!p0 s3, s7;
	s7 =	simm.s32 @!p0 $0x108  }
0x21: {  	s3 =	sadd.s32 s3, s9;
	s6 =	sadd.s32 @!p0 $0x88, s6;
	s7 =	simm.s32 @p2 $0x1082  }
0x22: {  	[simem:s7], [sflag:s8] =	dma.local @!p0 [hbm:s6], $0xF7A  }
0x23: {  	s9 =	sor.u32 $0xD0000000, s2;
	s6 =	simm.s32 $0x108;
	_ =	swait.ge @!p0 [sflag:s8], $0x0  }
0x24: {  	s3 =	sadd.s32 $0x88, s3;
	s6 =	simm.s32 @!p1 $0x1082;
	[sflag:s4] =	ssyncset.s32 $0xFFFFF086  }
0x25: {  	[simem:s6], [sflag:s4] =	dma.local [hbm:s3], $0xF7A  }
0x26: {  	[smem:$0x3F6F] =	sst s1;
	(tag) =	ssettag s2;
	_ =	strace s9  }
0x27: {  	s1 =	sld [smem:$0x3F7F]  }
0x28: {  	s2 =	sld [smem:$0x3F80]  }
0x29: {  	s4 =	sld [smem:$0x3F82]  }
0x2a: {  	p0 =	seq.s32 s5, $0x0;
	s5 =	sld [smem:$0x3F83]  }
0x2b: {  	s6 =	sld [smem:$0x3F84]  }
0x2c: {  	s7 =	sld [smem:$0x3F85]  }
0x2d: {  	s3 =	simm.s32 $0x108;
	s8 =	sld [smem:$0x3F86]  }
0x2e: {  	s3 =	simm.s32 @!p0 $0x1082;
	s9 =	sld [smem:$0x3F87]  }
0x2f: {  	lr =	sadd.s32 s0, s3;
	s0 =	sld [smem:$0x3F7E]  }
0x30: {  	s3 =	sld [smem:$0x3F81]  }
0x31: {  	[smem:$0x3F8A] =	sst s10  }
0x32: {  	s10 =	sld [smem:$0x3F88];
	_ =	sdelay $0x3  }
0x33: {  	p0 =	seq.s32 s10, $0x1;
	s10 =	sld [smem:$0x3F8A];
	_ =	sdelay $0x3  }
0x34: {  	[smem:$0x3F8A] =	sst s10  }
0x35: {  	s10 =	sld [smem:$0x3F89];
	_ =	sdelay $0x3  }
0x36: {  	p1 =	seq.s32 s10, $0x1;
	s10 =	sld [smem:$0x3F8A];
	_ =	sdelay $0x3  }
0x37: {  	[smem:$0x3F8A] =	sst s10  }
0x38: {  	s10 =	sld [smem:$0x3F8B]  }
0x39: {  	_ = 	snop;
	(pc) =	sbr.ind lr, $3  }
0x3a: {  	_ = 	snop  }
0x3b: {  	_ = 	snop  }
0x3c: {  	p2 =	seq.s32 s10, $0x1;
	s10 =	sld [smem:$0x3F8A]  }
0x3d: {  	_ =	shalt  }
0x3e: {  	_ =	shalt  }
0x3f: {  	_ =	shalt  }
0x40: {  	_ =	shalt  }
0x41: {  	_ =	shalt  }
0x42: {  	_ =	shalt  }
0x43: {  	_ =	shalt  }
0x44: {  	_ =	shalt  }
0x45: {  	_ =	shalt  }
0x46: {  	_ =	shalt  }
0x47: {  	_ =	shalt  }
0x48: {  	_ =	shalt  }
0x49: {  	_ =	shalt  }
0x4a: {  	_ =	shalt  }
0x4b: {  	_ =	shalt  }
0x4c: {  	_ =	shalt  }
0x4d: {  	_ =	shalt  }
0x4e: {  	_ =	shalt  }
0x4f: {  	_ =	shalt  }
0x50: {  	_ =	shalt  }
0x51: {  	_ =	shalt  }
0x52: {  	_ =	shalt  }
0x53: {  	_ =	shalt  }
0x54: {  	_ =	shalt  }
0x55: {  	_ =	shalt  }
0x56: {  	_ =	shalt  }
0x57: {  	_ =	shalt  }
0x58: {  	_ =	shalt  }
0x59: {  	_ =	shalt  }
0x5a: {  	_ =	shalt  }
0x5b: {  	_ =	shalt  }
0x5c: {  	_ =	shalt  }
0x5d: {  	_ =	shalt  }
0x5e: {  	_ =	shalt  }
0x5f: {  	_ =	shalt  }
0x60: {  	_ =	shalt  }
0x61: {  	_ =	shalt  }
0x62: {  	_ =	shalt  }
0x63: {  	_ =	shalt  }
0x64: {  	_ =	shalt  }
0x65: {  	_ =	shalt  }
0x66: {  	_ =	shalt  }
0x67: {  	_ =	shalt  }
0x68: {  	_ =	shalt  }
0x69: {  	_ =	shalt  }
0x6a: {  	_ =	shalt  }
0x6b: {  	_ =	shalt  }
0x6c: {  	_ =	shalt  }
0x6d: {  	_ =	shalt  }
0x6e: {  	_ =	shalt  }
0x6f: {  	_ =	shalt  }
0x70: {  	_ =	shalt  }
0x71: {  	_ =	shalt  }
0x72: {  	_ =	shalt  }
0x73: {  	_ =	shalt  }
0x74: {  	_ =	shalt  }
0x75: {  	_ =	shalt  }
0x76: {  	_ =	shalt  }
0x77: {  	_ =	shalt  }
0x78: {  	_ =	shalt  }
0x79: {  	_ =	shalt  }
0x7a: {  	_ =	shalt  }
0x7b: {  	_ =	shalt  }
0x7c: {  	_ =	shalt  }
0x7d: {  	_ =	shalt  }
0x7e: {  	_ =	shalt  }
0x7f: {  	_ =	shalt  }
0x80: {  	_ =	shalt  }
0x81: {  	_ =	shalt  }
0x82: {  	_ =	shalt  }
0x83: {  	_ =	shalt  }
0x84: {  	_ =	shalt  }
0x85: {  	_ =	shalt  }
0x86: {  	_ =	shalt  }
0x87: {  	_ =	shalt  }
.Lfunc_end0:
.L_simem_size_0:
called_computation.1_lowered:
.L_overlay_start_0:
0x88: {  	s2 =	sld [smem:$0x3FD9]  }
0x89: {  	s3 =	sld [smem:$0x3FFE];
	_ =	sdelay $0x1  }
0x8a: {  	s1 =	srdreg.scid  }
0x8b: {  	s0 =	sand.u32 $0x1, s1  }
0x8c: {  	s16 =	sshll.u32 s0, $0xA;
	s2 =	sadd.s32 s3, s2  }
0x8d: {  	s2 =	sadd.s32 s2, s16  }
0x8e: {  	[smem:$0x3F96] =	sst s2  }
0x8f: {  	_ = 	snop  }
0x90: {  	(tm) =	ssettm $0x1  }
0x91: {  	s17 =	sld [smem:$0x3FFB];
	_ =	sdelay $0x3  }
0x92: {  	_ =	strace s17  }
0x93: {  	s2 =	sld [smem:$0x3FFC];
	_ =	sdelay $0x3  }
0x94: {  	_ =	strace s2  }
0x95: {  	s2 =	sld [smem:$0x3FFD];
	_ =	sdelay $0x3  }
0x96: {  	_ =	strace s2  }
0x97: {  	_ =	strace $0x8FFFFFFF  }
0x98: {  	s18 =	sld [smem:$0x3FDB];
	_ =	sdelay $0x1  }
0x99: {  	s19 =	simm.s32 $_scs_section_size  }
0x9a: {  	s4 =	simm.s32 $_size__tile_overlayer_lowered;
	s5 =	simm.s32 $_tile_overlayer_lowered  }
0x9b: {  	s22 =	simm.s32 $0x1BFF;
	s21 =	sshll.u32 s5, $0x1;
	s2 =	sadd.s32 s19, s18  }
0x9c: {  	s6 =	simm.s32 $0x0;
	s20 =	sshll.u32 s4, $0x1;
	s4 =	sadd.s32 s21, s2  }
0x9d: {  	[timem:s6], [sflag:s22] =	dma.local [hbm:s4], s20  }
0x9e: {  	_ =	swait.ge [sflag:s22], s20  }
0x9f: {  	s3 =	ssub.s32 $0x0, s20;
	[sflag:s22] =	ssyncset.done $0x0  }
0xa0: {  	[sflag:s22] =	ssyncadd.s32 s3;
	_ =	sdelay $0x1  }
0xa1: {  	s23 =	simm.s32 $0x1B8B  }
0xa2: {  	_ =	swait.ge [sflag:s23], $0x1  }
0xa3: {  	[sflag:s23] =	ssyncset.done $0x0  }
0xa4: {  	s25 =	simm.s32 $0x1B8E;
	s24 =	sld [smem:$0x3FFE];
	[sflag:s23] =	ssyncadd.s32 $0xFFFFFFFF  }
0xa5: {  	s26 =	simm.s32 $execute0_lowered;
	[smem:$0x3FD2] =	sst s25  }
0xa6: {  	s4 =	sshll.u32 s26, $0x1;
	_ =	strace $0x80000049;
	[dreg:$0x1] =	wrdreg $0xFFFFFFFF  }
0xa7: {  	s28 =	simm.s32 $_size_execute0_lowered;
	s2 =	sadd.s32 s2, s4;
	[dreg:$0x0] =	wrdreg $0x0  }
0xa8: {  	s4 =	sshll.u32 s28, $0x1;
	[dreg:$0x2] =	wrdreg s2  }
0xa9: {  	[dreg:$0x3] =	wrdreg s4  }
0xaa: {  	[dreg:$0x4] =	wrdreg $0xC0  }
0xab: {  	_ =	task [dreg:s6], $0x5FFFF  }
0xac: {  	[dreg:$0x1] =	wrdreg $0xFFFFFFFF  }
0xad: {  	[dreg:$0x0] =	wrdreg $0x60  }
0xae: {  	[dreg:$0x2] =	wrdreg s24  }
0xaf: {  	[dreg:$0x3] =	wrdreg $0x14500  }
0xb0: {  	[dreg:$0x4] =	wrdreg $0x9  }
0xb1: {  	_ =	task.clear_ibuf [dreg:s6], $0x5FFFF;
	_ =	strace $0x90000049  }
0xb2: {  	s29 =	simm.s32 $0x9;
	_ =	strace $0x8000004B  }
0xb3: {  	_ =	swait.ge [sflag:s29], $0x1  }
0xb4: {  	[sflag:s29] =	ssyncadd.s32 $0xFFFFFFFF  }
0xb5: {  	_ =	strace $0x9000004B  }
0xb6: {  	_ =	sfence  }
0xb7: {  	s30 =	sld [smem:$0x0];
	_ =	sdelay $0x2  }
0xb8: {  	s31 =	sshll.u32 s1, $0xD;
	s1 =	sshrl.u32 s1, $0x2  }
0xb9: {  	s3 =	sand.u32 $0x4000, s31;
	s1 =	sadd.s32 s1, s30  }
0xba: {  	s0 =	sor.u32 s3, s0;
	s1 =	sshll.u32 s1, $0x11  }
0xbb: {  	s0 =	sor.u32 s1, s0  }
0xbc: {  	s0 =	sadd.s32 $0x8F2B, s0  }
0xbd: {  	[sflag:s0] =	ssyncadd.remote.s32 $0x1  }
0xbe: {  	_ =	sfence.sel $0xFFFF  }
0xbf: {  	[dreg:$0x0] =	wrdreg $0xFFFFFFFF;
	(pc) =	sbr.abs _section_cstart, $3  }
0xc0: {  	[dreg:$0x1] =	wrdreg $0xFFFFFFFF  }
0xc1: {  	_ =	task.clear_ibuf [dreg:s6], $0x2FFFF;
	_ =	strace $0x9FFFFFFF  }
0xc2: {  	(tm) =	ssettm $0x7FFFFFFF  }
0xc3: {  	_ =	shalt  }
tec
execute0_lowered:
.L_overlay_start_1:
0x0: {  	(tag) =	ssettag $0x1  }
0x1: {  	s0 =	srdreg.scid;
	s11 =	stileid.u32  }
0x2: {  	s4 =	rddreg [dreg:$0x0];
	s6 =	smul.u32 $0x4E20, s11  }
0x3: {  	s1 =	rddreg [dreg:$0x1];
	s7 =	smul.u32 $0x27100, s11  }
0x4: {  	s2 =	simm.s32 $0x0;
	s10 =	simm.s32 $0x50;
	s8 =	smul.u32 $0xA00, s11  }
0x5: {  	s3 =	sand.u32 $0x1, s0;
	s0 =	rddreg [dreg:$0x2];
	s29 =	smul.u32 $0x14000, s11  }
0x6: {  	s13 =	simm.s32 $0x0;
	[smem:$0x7FF] =	sst s2;
	s5 =	smul.u32 $0x4E200, s3  }
0x7: {  	p0 =	sne.s32 s11, $0x0;
	s11 =	sshll.u32 s11, $0x6;
	s25 =	smul.u32 $0xA000, s3  }
0x8: {  	_ =	strace $0x8000004A;
	s28 =	ssub.s32 $0x2, s3;
	s3 =	sadd.s32 $0x32600, s4  }
0x9: {  	s11 =	sor.u32 $0x1C01, s11;
	s7 =	sadd.s32 s7, s4;
	s30 =	sshrl.u32 s28, $0x1  }
0xa: {  	s31 =	sshrl.u32 s29, $0x2;
	s5 =	sadd.s32 s5, s6;
	s26 =	sadd.s32 s8, s25  }
0xb: {  	s12 =	sadd.s32 s31, s1;
	s7 =	sadd.s32 $0x54F600, s7;
	s5 =	sshrl.u32 s5, $0x3  }
0xc: {  	s8 =	sshrl.u32 @!p0 s1, $0x3;
	s9 =	sadd.s32 s5, s4;
	s4 =	sadd.s32 s26, s4  }
0xd: {  	s12 =	sshrl.u32 s12, $0x3;
	s5 =	ssub.s32 s28, s30;
	s4 =	sadd.s32 $0x3CA00, s4  }
0xe: {  	s5 =	smax.u32 s5, $0x1;
	s6 =	sadd.s32 $0xA32200, s9;
	s9 =	simm.s32 $0x1  }
.LBB2_1:
0xf: {  	s14 =	simm.s32 @!p0 $0x1C01  }
0x10: {  	[spmem:s8], [sflag:s14] =	dma.local @!p0 [hbm:s3], $0xA400  }
0x11: {  	s14 =	simm.s32 @!p0 $0x1  }
0x12: {  	_ =	swait.ge @!p0 [sflag:s14], $0xA400  }
0x13: {  	[sflag:s14] =	ssyncset.done @!p0 $0x0  }
0x14: {  	[sflag:s14] =	ssyncadd.s32 @!p0 $0xFFFF5C00  }
0x15: {  	s31 =	sadd.s32 $0x0, s6;
	[bflag:$0x0] =	sbarrier.arrive $0xFFFF  }
0x16: {  	[tilespmem:s2], [sflag:$0x1] =	stream.linear.gather [hbm4b:s31+s2], $0x50, $0x38;
	[tilespmem:$0x6650] =	vst v63  }
0x17: {  	_ =	swait.ge [sflag:s9], $0x50  }
0x18: {  	[sflag:s9] =	ssyncset.done $0x0  }
0x19: {  	[sflag:s9] =	ssyncadd.s32 $0xFFFFFFB0  }
0x1a: {  	[tilespmem:s10], [sflag:$0x1] =	stream.linear.gather [hbm4b:s7+s2], $0x1400, $0x38;
	[tilespmem:$0x6650] =	vst v63  }
0x1b: {  	_ =	swait.ge [sflag:s9], $0x1400  }
0x1c: {  	[sflag:s9] =	ssyncset.done $0x0  }
0x1d: {  	[sflag:s9] =	ssyncadd.s32 $0xFFFFEC00  }
0x1e: {  	[spmem:s1] =	stream.indirect.scatter.add.f32 [tilespmem:s10], [sflag:$0x1], $0x40, s2, s10, $0xb8;
	[tilespmem:$0x6650] =	vst v63  }
0x1f: {  	s15 =	simm.s32 $0xA;
	_ =	swait.ge [sflag:s9], $0x1400  }
0x20: {  	s16 =	simm.s32 $0x14;
	s14 =	sadd.s32 $0x280, s7;
	[sflag:s9] =	ssyncset.done $0x0  }
.LBB2_2:
0x21: {  	s17 =	sadd.s32 s15, s6  }
0x22: {  	[sflag:s9] =	ssyncadd.s32 $0xFFFFEC00;
	s15 =	smov.u32 s16;
	s18 =	sadd.s32 $0xA, s16  }
0x23: {  	[tilespmem:s2], [sflag:$0x1] =	stream.linear.gather [hbm4b:s17+s2], $0x50, $0x38;
	[tilespmem:$0x6650] =	vst v63  }
0x24: {  	p1 =	sne.s32 s16, $0x9BA;
	_ =	swait.ge [sflag:s9], $0x50  }
0x25: {  	[sflag:s9] =	ssyncset.done $0x0  }
0x26: {  	[sflag:s9] =	ssyncadd.s32 $0xFFFFFFB0  }
0x27: {  	[tilespmem:s10], [sflag:$0x1] =	stream.linear.gather [hbm4b:s14+s2], $0x1400, $0x38;
	[tilespmem:$0x6650] =	vst v63  }
0x28: {  	_ =	swait.ge [sflag:s9], $0x1400  }
.Ltmp0:
0x29: {  	[sflag:s9] =	ssyncset.done $0x0;
	(pc) =	sbr.rel @p1 .LBB2_2-.Ltmp0, $4  }
0x2a: {  	[sflag:s9] =	ssyncadd.s32 $0xFFFFEC00  }
0x2b: {  	[spmem:s1] =	stream.indirect.scatter.add.f32 [tilespmem:s10], [sflag:$0x1], $0x40, s2, s10, $0xb8;
	[tilespmem:$0x6650] =	vst v63  }
0x2c: {  	_ =	swait.ge [sflag:s9], $0x1400  }
0x2d: {  	s16 =	smov.u32 s18;
	s14 =	sadd.s32 $0x280, s14;
	[sflag:s9] =	ssyncset.done $0x0  }
0x2e: {  	s15 =	sadd.s32 s15, s6;
	[sflag:s9] =	ssyncadd.s32 $0xFFFFEC00  }
0x2f: {  	[tilespmem:s2], [sflag:$0x1] =	stream.linear.gather [hbm4b:s15+s2], $0x50, $0x38;
	[tilespmem:$0x6650] =	vst v63  }
0x30: {  	_ =	swait.ge [sflag:s9], $0x50  }
0x31: {  	[sflag:s9] =	ssyncset.done $0x0  }
0x32: {  	[sflag:s9] =	ssyncadd.s32 $0xFFFFFFB0  }
0x33: {  	[tilespmem:s10], [sflag:$0x1] =	stream.linear.gather [hbm4b:s14+s2], $0x1400, $0x38;
	[tilespmem:$0x6650] =	vst v63  }
0x34: {  	_ =	swait.ge [sflag:s9], $0x1400  }
0x35: {  	[sflag:s9] =	ssyncset.done $0x0  }
0x36: {  	[sflag:s9] =	ssyncadd.s32 $0xFFFFEC00  }
0x37: {  	[spmem:s1] =	stream.indirect.scatter.add.f32 [tilespmem:s10], [sflag:$0x1], $0x40, s2, s10, $0xb8;
	[tilespmem:$0x6650] =	vst v63  }
0x38: {  	_ =	swait.ge [sflag:s9], $0x1400  }
0x39: {  	s13 =	sadd.s32 $0x1, s13;
	[sflag:s9] =	ssyncset.done $0x0  }
0x3a: {  	p1 =	sne.s32 s13, s5;
	[sflag:s9] =	ssyncadd.s32 $0xFFFFEC00  }
.Ltmp1:
0x3b: {  	[bflag:$0x0] =	sbarrier.arrive $0xFFFF;
	(pc) =	sbr.rel @p1 .LBB2_1-.Ltmp1, $4  }
0x3c: {  	[hbm:s4], [sflag:s11] =	dma.local [spmem:s12], $0xA00  }
0x3d: {  	_ =	swait.ge [sflag:s9], $0xA00  }
0x3e: {  	[sflag:s9] =	ssyncset.done $0x0  }
0x3f: {  	[sflag:s9] =	ssyncadd.s32 $0xFFFFF600  }
0x40: {  	_ =	sfence.sel $0x180000  }
0x41: {  	[bflag:$0x0] =	sbarrier.arrive $0xFFFF  }
0x42: {  	_ =	strace $0x9000004A  }
0x43: {  	s0 =	sadd.s32 @!p0 $0x100000, s0;
	[bflag:$0x2] =	sbarrier.arrive $0xFFFF  }
0x44: {  	[sflag:s0] =	ssyncadd.tile.s32 @!p0 $0x1;
	_ =	shalt  }
.Lfunc_end2:
_tile_overlayer_lowered:
.L_overlay_start_2:
0x45: {  	(tag) =	ssettag $0x2  }
0x46: {  	s0 =	rddreg [dreg:$0x0];
	s2 =	stileid.u32  }
0x47: {  	s1 =	rddreg [dreg:$0x1];
	p0 =	sne.s32 s2, $0x0  }
0x48: {  	s3 =	rddreg [dreg:$0x2];
	[bflag:$0x3] =	sbarrier.arrive $0xFFFF;
	s2 =	simm.s32 @!p0 $0x1C01  }
0x49: {  	[timem:s3], [sflag:s2] =	dma.local @!p0 [hbm:s0], s1  }
0x4a: {  	s0 =	simm.s32 @!p0 $0x1  }
0x4b: {  	_ =	swait.ge @!p0 [sflag:s0], s1  }
0x4c: {  	s1 =	ssub.s32 @!p0 $0x0, s1;
	[sflag:s0] =	ssyncset.done @!p0 $0x0  }
0x4d: {  	[sflag:s0] =	ssyncadd.s32 @!p0 s1  }
0x4e: {  	[bflag:$0x3] =	sbarrier.arrive $0xFFFF  }
0x4f: {  	_ =	shalt  }

// kernel: kernel.30.cloned.1.call-start
scs
__scs_entry_jumppad:
0x0: {  	(pc) =	sbr.rel $0x88, $3  }
0x1: {  	(tag) =	ssettag $0x0;
	lr =	simm.s32 $0x1  }
0x2: {  	[smem:$0x3F6F] =	sst lr;
	_ =	strace $0xD0000000  }
0x3: {  	_ = 	snop  }
0x4: {  	_ = 	snop  }
0x5: {  	_ = 	snop  }
0x6: {  	_ = 	snop  }
0x7: {  	_ = 	snop  }
__scs_overlays_trampoline_lowered:
0x8: {  	[smem:$0x3F7E] =	sst s0  }
0x9: {  	[smem:$0x3F7F] =	sst s1  }
0xa: {  	[smem:$0x3F80] =	sst s2  }
0xb: {  	[smem:$0x3F81] =	sst s3  }
0xc: {  	[smem:$0x3F82] =	sst s4  }
0xd: {  	[smem:$0x3F83] =	sst s5  }
0xe: {  	[smem:$0x3F84] =	sst s6  }
0xf: {  	[smem:$0x3F85] =	sst s7  }
0x10: {  	[smem:$0x3F86] =	sst s8  }
0x11: {  	[smem:$0x3F87] =	sst s9;
	s0 =	simm.s32 @!p0 $0x0  }
0x12: {  	s1 =	sld [smem:$0x3F6D];
	s0 =	simm.s32 @p0 $0x1  }
0x13: {  	[smem:$0x3F88] =	sst s0;
	s0 =	simm.s32 @!p1 $0x0  }
0x14: {  	s2 =	sld [smem:$0x3F6C];
	s0 =	simm.s32 @p1 $0x1  }
0x15: {  	[smem:$0x3F89] =	sst s0;
	s0 =	simm.s32 @!p2 $0x0  }
0x16: {  	s3 =	sld [smem:$0x3FDB];
	s0 =	simm.s32 @p2 $0x1  }
0x17: {  	s4 =	simm.s32 $0x1BF5;
	[smem:$0x3F8B] =	sst s0  }
0x18: {  	s0 =	sld [smem:$0x3F6E];
	_ =	swait.ge [sflag:s4], $0x0  }
0x19: {  	s7 =	sld [smem:$0x3F6F]  }
0x1a: {  	s8 =	sadd.s32 $0xFFFFE003, lr  }
0x1b: {  	s9 =	sadd.s32 $0xFFFFFEF7, lr;
	s5 =	simm.s32 $0xFFFFFFFF;
	p2 =	slt.u32 s8, $0xFFFFF086  }
0x1c: {  	p1 =	slt.u32 s9, $0xF7A;
	s5 =	simm.s32 @!p2 $0x0  }
0x1d: {  	s5 =	simm.s32 @p1 $0x1;
	p0 =	seq.s32 s7, s2  }
0x1e: {  	s7 =	smul.u32 @!p0 $0xF7A, s2;
	p2 =	seq.s32 @!p0 s5, $0x0  }
0x1f: {  	s9 =	smul.u32 $0xF7A, s1;
	s8 =	simm.s32 @!p0 $0x1BF5;
	p2 =	por !p2, p0  }
0x20: {  	[sflag:s8] =	ssyncset.s32 @!p0 $0xFFFFF086;
	s6 =	sadd.s32 @!p0 s3, s7;
	s7 =	simm.s32 @!p0 $0x108  }
0x21: {  	s3 =	sadd.s32 s3, s9;
	s6 =	sadd.s32 @!p0 $0x88, s6;
	s7 =	simm.s32 @p2 $0x1082  }
0x22: {  	[simem:s7], [sflag:s8] =	dma.local @!p0 [hbm:s6], $0xF7A  }
0x23: {  	s9 =	sor.u32 $0xD0000000, s2;
	s6 =	simm.s32 $0x108;
	_ =	swait.ge @!p0 [sflag:s8], $0x0  }
0x24: {  	s3 =	sadd.s32 $0x88, s3;
	s6 =	simm.s32 @!p1 $0x1082;
	[sflag:s4] =	ssyncset.s32 $0xFFFFF086  }
0x25: {  	[simem:s6], [sflag:s4] =	dma.local [hbm:s3], $0xF7A  }
0x26: {  	[smem:$0x3F6F] =	sst s1;
	(tag) =	ssettag s2;
	_ =	strace s9  }
0x27: {  	s1 =	sld [smem:$0x3F7F]  }
0x28: {  	s2 =	sld [smem:$0x3F80]  }
0x29: {  	s4 =	sld [smem:$0x3F82]  }
0x2a: {  	p0 =	seq.s32 s5, $0x0;
	s5 =	sld [smem:$0x3F83]  }
0x2b: {  	s6 =	sld [smem:$0x3F84]  }
0x2c: {  	s7 =	sld [smem:$0x3F85]  }
0x2d: {  	s3 =	simm.s32 $0x108;
	s8 =	sld [smem:$0x3F86]  }
0x2e: {  	s3 =	simm.s32 @!p0 $0x1082;
	s9 =	sld [smem:$0x3F87]  }
0x2f: {  	lr =	sadd.s32 s0, s3;
	s0 =	sld [smem:$0x3F7E]  }
0x30: {  	s3 =	sld [smem:$0x3F81]  }
0x31: {  	[smem:$0x3F8A] =	sst s10  }
0x32: {  	s10 =	sld [smem:$0x3F88];
	_ =	sdelay $0x3  }
0x33: {  	p0 =	seq.s32 s10, $0x1;
	s10 =	sld [smem:$0x3F8A];
	_ =	sdelay $0x3  }
0x34: {  	[smem:$0x3F8A] =	sst s10  }
0x35: {  	s10 =	sld [smem:$0x3F89];
	_ =	sdelay $0x3  }
0x36: {  	p1 =	seq.s32 s10, $0x1;
	s10 =	sld [smem:$0x3F8A];
	_ =	sdelay $0x3  }
0x37: {  	[smem:$0x3F8A] =	sst s10  }
0x38: {  	s10 =	sld [smem:$0x3F8B]  }
0x39: {  	_ = 	snop;
	(pc) =	sbr.ind lr, $3  }
0x3a: {  	_ = 	snop  }
0x3b: {  	_ = 	snop  }
0x3c: {  	p2 =	seq.s32 s10, $0x1;
	s10 =	sld [smem:$0x3F8A]  }
0x3d: {  	_ =	shalt  }
0x3e: {  	_ =	shalt  }
0x3f: {  	_ =	shalt  }
0x40: {  	_ =	shalt  }
0x41: {  	_ =	shalt  }
0x42: {  	_ =	shalt  }
0x43: {  	_ =	shalt  }
0x44: {  	_ =	shalt  }
0x45: {  	_ =	shalt  }
0x46: {  	_ =	shalt  }
0x47: {  	_ =	shalt  }
0x48: {  	_ =	shalt  }
0x49: {  	_ =	shalt  }
0x4a: {  	_ =	shalt  }
0x4b: {  	_ =	shalt  }
0x4c: {  	_ =	shalt  }
0x4d: {  	_ =	shalt  }
0x4e: {  	_ =	shalt  }
0x4f: {  	_ =	shalt  }
0x50: {  	_ =	shalt  }
0x51: {  	_ =	shalt  }
0x52: {  	_ =	shalt  }
0x53: {  	_ =	shalt  }
0x54: {  	_ =	shalt  }
0x55: {  	_ =	shalt  }
0x56: {  	_ =	shalt  }
0x57: {  	_ =	shalt  }
0x58: {  	_ =	shalt  }
0x59: {  	_ =	shalt  }
0x5a: {  	_ =	shalt  }
0x5b: {  	_ =	shalt  }
0x5c: {  	_ =	shalt  }
0x5d: {  	_ =	shalt  }
0x5e: {  	_ =	shalt  }
0x5f: {  	_ =	shalt  }
0x60: {  	_ =	shalt  }
0x61: {  	_ =	shalt  }
0x62: {  	_ =	shalt  }
0x63: {  	_ =	shalt  }
0x64: {  	_ =	shalt  }
0x65: {  	_ =	shalt  }
0x66: {  	_ =	shalt  }
0x67: {  	_ =	shalt  }
0x68: {  	_ =	shalt  }
0x69: {  	_ =	shalt  }
0x6a: {  	_ =	shalt  }
0x6b: {  	_ =	shalt  }
0x6c: {  	_ =	shalt  }
0x6d: {  	_ =	shalt  }
0x6e: {  	_ =	shalt  }
0x6f: {  	_ =	shalt  }
0x70: {  	_ =	shalt  }
0x71: {  	_ =	shalt  }
0x72: {  	_ =	shalt  }
0x73: {  	_ =	shalt  }
0x74: {  	_ =	shalt  }
0x75: {  	_ =	shalt  }
0x76: {  	_ =	shalt  }
0x77: {  	_ =	shalt  }
0x78: {  	_ =	shalt  }
0x79: {  	_ =	shalt  }
0x7a: {  	_ =	shalt  }
0x7b: {  	_ =	shalt  }
0x7c: {  	_ =	shalt  }
0x7d: {  	_ =	shalt  }
0x7e: {  	_ =	shalt  }
0x7f: {  	_ =	shalt  }
0x80: {  	_ =	shalt  }
0x81: {  	_ =	shalt  }
0x82: {  	_ =	shalt  }
0x83: {  	_ =	shalt  }
0x84: {  	_ =	shalt  }
0x85: {  	_ =	shalt  }
0x86: {  	_ =	shalt  }
0x87: {  	_ =	shalt  }
.Lfunc_end0:
.L_simem_size_0:
called_computation.2_lowered:
.L_overlay_start_0:
0x88: {  	s2 =	sld [smem:$0x3FD9]  }
0x89: {  	s3 =	sld [smem:$0x3FFE];
	_ =	sdelay $0x1  }
0x8a: {  	s1 =	srdreg.scid  }
0x8b: {  	s0 =	sand.u32 $0x1, s1  }
0x8c: {  	s16 =	sshll.u32 s0, $0xA;
	s2 =	sadd.s32 s3, s2  }
0x8d: {  	s2 =	sadd.s32 s2, s16  }
0x8e: {  	[smem:$0x3F96] =	sst s2  }
0x8f: {  	_ = 	snop  }
0x90: {  	(tm) =	ssettm $0x1  }
0x91: {  	s17 =	sld [smem:$0x3FFB];
	_ =	sdelay $0x3  }
0x92: {  	_ =	strace s17  }
0x93: {  	s2 =	sld [smem:$0x3FFC];
	_ =	sdelay $0x3  }
0x94: {  	_ =	strace s2  }
0x95: {  	s2 =	sld [smem:$0x3FFD];
	_ =	sdelay $0x3  }
0x96: {  	_ =	strace s2  }
0x97: {  	_ =	strace $0x8FFFFFFF  }
0x98: {  	s18 =	sld [smem:$0x3FDB];
	_ =	sdelay $0x1  }
0x99: {  	s19 =	simm.s32 $_scs_section_size  }
0x9a: {  	s4 =	simm.s32 $_size__tile_overlayer_lowered;
	s5 =	simm.s32 $_tile_overlayer_lowered  }
0x9b: {  	s22 =	simm.s32 $0x1BFF;
	s21 =	sshll.u32 s5, $0x1;
	s2 =	sadd.s32 s19, s18  }
0x9c: {  	s6 =	simm.s32 $0x0;
	s20 =	sshll.u32 s4, $0x1;
	s4 =	sadd.s32 s21, s2  }
0x9d: {  	[timem:s6], [sflag:s22] =	dma.local [hbm:s4], s20  }
0x9e: {  	_ =	swait.ge [sflag:s22], s20  }
0x9f: {  	s3 =	ssub.s32 $0x0, s20;
	[sflag:s22] =	ssyncset.done $0x0  }
0xa0: {  	[sflag:s22] =	ssyncadd.s32 s3;
	_ =	sdelay $0x1  }
0xa1: {  	s23 =	simm.s32 $0x1B8B  }
0xa2: {  	_ =	swait.ge [sflag:s23], $0x1  }
0xa3: {  	[sflag:s23] =	ssyncset.done $0x0  }
0xa4: {  	s25 =	simm.s32 $0x1B8E;
	s24 =	sld [smem:$0x3FFE];
	[sflag:s23] =	ssyncadd.s32 $0xFFFFFFFF  }
0xa5: {  	s26 =	simm.s32 $execute0_lowered;
	[smem:$0x3FD2] =	sst s25  }
0xa6: {  	s4 =	sshll.u32 s26, $0x1;
	_ =	strace $0x8000004C;
	[dreg:$0x1] =	wrdreg $0xFFFFFFFF  }
0xa7: {  	s28 =	simm.s32 $_size_execute0_lowered;
	s2 =	sadd.s32 s2, s4;
	[dreg:$0x0] =	wrdreg $0x0  }
0xa8: {  	s4 =	sshll.u32 s28, $0x1;
	[dreg:$0x2] =	wrdreg s2  }
0xa9: {  	[dreg:$0x3] =	wrdreg s4  }
0xaa: {  	[dreg:$0x4] =	wrdreg $0xC0  }
0xab: {  	_ =	task [dreg:s6], $0x5FFFF  }
0xac: {  	[dreg:$0x1] =	wrdreg $0xFFFFFFFF  }
0xad: {  	[dreg:$0x0] =	wrdreg $0x60  }
0xae: {  	[dreg:$0x2] =	wrdreg s24  }
0xaf: {  	[dreg:$0x3] =	wrdreg $0x9  }
0xb0: {  	_ =	task.clear_ibuf [dreg:s6], $0x4FFFF;
	_ =	strace $0x9000004C  }
0xb1: {  	s29 =	simm.s32 $0x9;
	_ =	strace $0x8000004E  }
0xb2: {  	_ =	swait.ge [sflag:s29], $0x1  }
0xb3: {  	[sflag:s29] =	ssyncadd.s32 $0xFFFFFFFF  }
0xb4: {  	_ =	strace $0x9000004E  }
0xb5: {  	_ =	sfence  }
0xb6: {  	s30 =	sld [smem:$0x0];
	_ =	sdelay $0x2  }
0xb7: {  	s31 =	sshll.u32 s1, $0xD;
	s1 =	sshrl.u32 s1, $0x2  }
0xb8: {  	s3 =	sand.u32 $0x4000, s31;
	s1 =	sadd.s32 s1, s30  }
0xb9: {  	s0 =	sor.u32 s3, s0;
	s1 =	sshll.u32 s1, $0x11  }
0xba: {  	s0 =	sor.u32 s1, s0  }
0xbb: {  	s0 =	sadd.s32 $0x8F2B, s0  }
0xbc: {  	[sflag:s0] =	ssyncadd.remote.s32 $0x1  }
0xbd: {  	_ =	sfence.sel $0xFFFF  }
0xbe: {  	[dreg:$0x0] =	wrdreg $0xFFFFFFFF;
	(pc) =	sbr.abs _section_cstart, $3  }
0xbf: {  	[dreg:$0x1] =	wrdreg $0xFFFFFFFF  }
0xc0: {  	_ =	task.clear_ibuf [dreg:s6], $0x2FFFF;
	_ =	strace $0x9FFFFFFF  }
0xc1: {  	(tm) =	ssettm $0x7FFFFFFF  }
tec
execute0_lowered:
.L_overlay_start_1:
0x0: {  	(tag) =	ssettag $0x1  }
0x1: {  	s5 =	rddreg [dreg:$0x0]  }
0x2: {  	s0 =	rddreg [dreg:$0x1];
	s2 =	simm.s32 $0x0  }
0x3: {  	s3 =	srdreg.scid;
	s1 =	stileid.u32;
	s11 =	simm.s32 $0x50  }
0x4: {  	s12 =	simm.s32 $0xA0;
	s13 =	simm.s32 $0x14A0;
	s14 =	simm.s32 $0x1  }
0x5: {  	s15 =	simm.s32 $0x0;
	[smem:$0x7FF] =	sst s2;
	s7 =	smul.u32 $0x4E20, s1  }
0x6: {  	s6 =	sand.u32 $0x1, s3;
	s3 =	sadd.s32 $0x54F600, s5;
	s9 =	smul.u32 $0x27100, s1  }
0x7: {  	s4 =	sadd.s32 $0x3CA00, s5;
	s8 =	smul.u32 $0x2710, s6;
	s10 =	ssub.s32 $0x2, s6  }
0x8: {  	_ =	strace $0x8000004D;
	s6 =	smul.u32 $0x13880, s6;
	s30 =	sshrl.u32 s10, $0x1  }
0x9: {  	s29 =	sadd.s32 s9, s5;
	s7 =	sadd.s32 s8, s7;
	s9 =	ssub.s32 s10, s30  }
0xa: {  	s8 =	sadd.s32 s6, s29;
	s10 =	simm.s32 $0x2;
	s7 =	sshrl.u32 s7, $0x3  }
0xb: {  	s6 =	sadd.s32 $0x563000, s8;
	s31 =	sadd.s32 s7, s5;
	s5 =	smax.u32 s9, $0x1  }
0xc: {  	s7 =	sadd.s32 $0xA45C00, s8;
	s8 =	sadd.s32 $0x59A00, s31;
	s9 =	sadd.s32 $0x63800, s31  }
.LBB2_1:
0xd: {  	s16 =	sadd.s32 $0x0, s9  }
0xe: {  	[tilespmem:s2], [sflag:$0x2] =	stream.linear.gather [hbm4b:s16+s2], $0x50, $0x38;
	[tilespmem:$0x28A0] =	vst v63  }
0xf: {  	_ =	swait.ge [sflag:s10], $0x50  }
0x10: {  	[sflag:s10] =	ssyncset.done $0x0  }
0x11: {  	s31 =	sadd.s32 $0x0, s8;
	[sflag:s10] =	ssyncadd.s32 $0xFFFFFFB0  }
0x12: {  	[tilespmem:s11], [sflag:$0x2] =	stream.linear.gather [hbm4b:s31+s2], $0x50, $0x38;
	[tilespmem:$0x28A0] =	vst v63  }
0x13: {  	_ =	swait.ge [sflag:s10], $0x50  }
0x14: {  	[sflag:s10] =	ssyncset.done $0x0  }
0x15: {  	[sflag:s10] =	ssyncadd.s32 $0xFFFFFFB0  }
0x16: {  	[tilespmem:s12], [sflag:$0x1] =	stream.indirect.gather [hbm4b:s3+s11], $0x40, s2, s11, $0xb8;
	[tilespmem:$0x28A0] =	vst v63  }
0x17: {  	_ = 	snop  }
0x18: {  	[tilespmem:s13], [sflag:$0x1] =	stream.indirect.gather [hbm4b:s4+s11], $0x40, s11, s11, $0xb8;
	[tilespmem:$0x28A0] =	vst v63  }
0x19: {  	_ =	swait.ge [sflag:s14], $0x1400  }
0x1a: {  	[sflag:s14] =	ssyncset.done $0x0  }
0x1b: {  	[sflag:s14] =	ssyncadd.s32 $0xFFFFEC00  }
0x1c: {  	_ =	swait.ge [sflag:s14], $0x1400  }
0x1d: {  	[sflag:s14] =	ssyncset.done $0x0  }
0x1e: {  	[sflag:s14] =	ssyncadd.s32 $0xFFFFEC00  }
0x1f: {  	[hbm4b:s7+s2] =	stream.linear.scatter [tilespmem:s12], [sflag:$0x2], $0x1400, $0x38;
	[tilespmem:$0x28A0] =	vst v63  }
0x20: {  	_ =	swait.ge [sflag:s10], $0x1400  }
0x21: {  	[sflag:s10] =	ssyncset.done $0x0  }
0x22: {  	[sflag:s10] =	ssyncadd.s32 $0xFFFFEC00  }
0x23: {  	[hbm4b:s6+s2] =	stream.linear.scatter [tilespmem:s13], [sflag:$0x2], $0x1400, $0x38;
	[tilespmem:$0x28A0] =	vst v63  }
0x24: {  	s18 =	simm.s32 $0xA;
	s19 =	simm.s32 $0x14;
	_ =	swait.ge [sflag:s10], $0x1400  }
0x25: {  	s17 =	sadd.s32 $0x280, s7;
	s16 =	sadd.s32 $0x280, s6;
	[sflag:s10] =	ssyncset.done $0x0  }
.LBB2_2:
0x26: {  	s20 =	sadd.s32 s18, s9  }
0x27: {  	[sflag:s10] =	ssyncadd.s32 $0xFFFFEC00;
	s21 =	smov.u32 s19;
	s22 =	sadd.s32 $0xA, s19  }
0x28: {  	[tilespmem:s2], [sflag:$0x2] =	stream.linear.gather [hbm4b:s20+s2], $0x50, $0x38;
	[tilespmem:$0x28A0] =	vst v63  }
0x29: {  	p0 =	sne.s32 s19, $0x4D8;
	_ =	swait.ge [sflag:s10], $0x50  }
0x2a: {  	[sflag:s10] =	ssyncset.done $0x0  }
0x2b: {  	s19 =	sadd.s32 s18, s8;
	s18 =	smov.u32 s21;
	[sflag:s10] =	ssyncadd.s32 $0xFFFFFFB0  }
0x2c: {  	[tilespmem:s11], [sflag:$0x2] =	stream.linear.gather [hbm4b:s19+s2], $0x50, $0x38;
	[tilespmem:$0x28A0] =	vst v63  }
0x2d: {  	_ =	swait.ge [sflag:s10], $0x50  }
0x2e: {  	[sflag:s10] =	ssyncset.done $0x0  }
0x2f: {  	[sflag:s10] =	ssyncadd.s32 $0xFFFFFFB0  }
0x30: {  	[tilespmem:s12], [sflag:$0x1] =	stream.indirect.gather [hbm4b:s3+s11], $0x40, s2, s11, $0xb8;
	[tilespmem:$0x28A0] =	vst v63  }
0x31: {  	_ = 	snop  }
0x32: {  	[tilespmem:s13], [sflag:$0x1] =	stream.indirect.gather [hbm4b:s4+s11], $0x40, s11, s11, $0xb8;
	[tilespmem:$0x28A0] =	vst v63  }
0x33: {  	_ =	swait.ge [sflag:s14], $0x1400  }
0x34: {  	[sflag:s14] =	ssyncset.done $0x0  }
0x35: {  	[sflag:s14] =	ssyncadd.s32 $0xFFFFEC00  }
0x36: {  	_ =	swait.ge [sflag:s14], $0x1400  }
0x37: {  	[sflag:s14] =	ssyncset.done $0x0  }
0x38: {  	[sflag:s14] =	ssyncadd.s32 $0xFFFFEC00  }
0x39: {  	[hbm4b:s17+s2] =	stream.linear.scatter [tilespmem:s12], [sflag:$0x2], $0x1400, $0x38;
	[tilespmem:$0x28A0] =	vst v63  }
0x3a: {  	_ =	swait.ge [sflag:s10], $0x1400  }
.Ltmp0:
0x3b: {  	[sflag:s10] =	ssyncset.done $0x0;
	(pc) =	sbr.rel @p0 .LBB2_2-.Ltmp0, $4  }
0x3c: {  	[sflag:s10] =	ssyncadd.s32 $0xFFFFEC00  }
0x3d: {  	[hbm4b:s16+s2] =	stream.linear.scatter [tilespmem:s13], [sflag:$0x2], $0x1400, $0x38;
	[tilespmem:$0x28A0] =	vst v63  }
0x3e: {  	s19 =	smov.u32 s22;
	_ =	swait.ge [sflag:s10], $0x1400  }
0x3f: {  	s17 =	sadd.s32 $0x280, s17;
	s16 =	sadd.s32 $0x280, s16;
	[sflag:s10] =	ssyncset.done $0x0  }
0x40: {  	s19 =	sadd.s32 s18, s9;
	[sflag:s10] =	ssyncadd.s32 $0xFFFFEC00  }
0x41: {  	[tilespmem:s2], [sflag:$0x2] =	stream.linear.gather [hbm4b:s19+s2], $0x50, $0x38;
	[tilespmem:$0x28A0] =	vst v63  }
0x42: {  	_ =	swait.ge [sflag:s10], $0x50  }
0x43: {  	[sflag:s10] =	ssyncset.done $0x0  }
0x44: {  	s31 =	sadd.s32 s18, s8;
	[sflag:s10] =	ssyncadd.s32 $0xFFFFFFB0  }
0x45: {  	[tilespmem:s11], [sflag:$0x2] =	stream.linear.gather [hbm4b:s31+s2], $0x50, $0x38;
	[tilespmem:$0x28A0] =	vst v63  }
0x46: {  	_ =	swait.ge [sflag:s10], $0x50  }
0x47: {  	[sflag:s10] =	ssyncset.done $0x0  }
0x48: {  	[sflag:s10] =	ssyncadd.s32 $0xFFFFFFB0  }
0x49: {  	[tilespmem:s12], [sflag:$0x1] =	stream.indirect.gather [hbm4b:s3+s11], $0x40, s2, s11, $0xb8;
	[tilespmem:$0x28A0] =	vst v63  }
0x4a: {  	_ = 	snop  }
0x4b: {  	[tilespmem:s13], [sflag:$0x1] =	stream.indirect.gather [hbm4b:s4+s11], $0x40, s11, s11, $0xb8;
	[tilespmem:$0x28A0] =	vst v63  }
0x4c: {  	_ =	swait.ge [sflag:s14], $0x1400  }
0x4d: {  	[sflag:s14] =	ssyncset.done $0x0  }
0x4e: {  	[sflag:s14] =	ssyncadd.s32 $0xFFFFEC00  }
0x4f: {  	_ =	swait.ge [sflag:s14], $0x1400  }
0x50: {  	[sflag:s14] =	ssyncset.done $0x0  }
0x51: {  	[sflag:s14] =	ssyncadd.s32 $0xFFFFEC00  }
0x52: {  	[hbm4b:s17+s2] =	stream.linear.scatter [tilespmem:s12], [sflag:$0x2], $0x1400, $0x38;
	[tilespmem:$0x28A0] =	vst v63  }
0x53: {  	s15 =	sadd.s32 $0x1, s15;
	_ =	swait.ge [sflag:s10], $0x1400  }
0x54: {  	p0 =	sne.s32 s15, s5;
	[sflag:s10] =	ssyncset.done $0x0  }
.Ltmp1:
0x55: {  	[sflag:s10] =	ssyncadd.s32 $0xFFFFEC00;
	(pc) =	sbr.rel @p0 .LBB2_1-.Ltmp1, $4  }
0x56: {  	[hbm4b:s16+s2] =	stream.linear.scatter [tilespmem:s13], [sflag:$0x2], $0x1400, $0x38;
	[tilespmem:$0x28A0] =	vst v63  }
0x57: {  	_ =	swait.ge [sflag:s10], $0x1400  }
0x58: {  	[sflag:s10] =	ssyncset.done $0x0  }
0x59: {  	[sflag:s10] =	ssyncadd.s32 $0xFFFFEC00  }
0x5a: {  	_ =	sfence.sel $0x180000  }
0x5b: {  	[bflag:$0x0] =	sbarrier.arrive $0xFFFF  }
0x5c: {  	p0 =	sne.s32 s1, $0x0;
	_ =	strace $0x9000004D  }
0x5d: {  	s0 =	sadd.s32 @!p0 $0x100000, s0;
	[bflag:$0x2] =	sbarrier.arrive $0xFFFF  }
0x5e: {  	[sflag:s0] =	ssyncadd.tile.s32 @!p0 $0x1;
	_ =	shalt  }
.Lfunc_end2:
_tile_overlayer_lowered:
.L_overlay_start_2:
0x5f: {  	(tag) =	ssettag $0x2  }
0x60: {  	s0 =	rddreg [dreg:$0x0];
	s2 =	stileid.u32  }
0x61: {  	s1 =	rddreg [dreg:$0x1];
	p0 =	sne.s32 s2, $0x0  }
0x62: {  	s3 =	rddreg [dreg:$0x2];
	[bflag:$0x3] =	sbarrier.arrive $0xFFFF;
	s2 =	simm.s32 @!p0 $0x1C02  }
0x63: {  	[timem:s3], [sflag:s2] =	dma.local @!p0 [hbm:s0], s1  }
0x64: {  	s0 =	simm.s32 @!p0 $0x2  }
0x65: {  	_ =	swait.ge @!p0 [sflag:s0], s1  }
0x66: {  	s1 =	ssub.s32 @!p0 $0x0, s1;
	[sflag:s0] =	ssyncset.done @!p0 $0x0  }
0x67: {  	[sflag:s0] =	ssyncadd.s32 @!p0 s1  }
0x68: {  	[bflag:$0x3] =	sbarrier.arrive $0xFFFF  }
0x69: {  	_ =	shalt  }

// kernel: kernel.33.cloned.1.call-start
scs
__scs_entry_jumppad:
0x0: {  	(pc) =	sbr.rel $0x88, $3  }
0x1: {  	(tag) =	ssettag $0x0;
	lr =	simm.s32 $0x1  }
0x2: {  	[smem:$0x3F6F] =	sst lr;
	_ =	strace $0xD0000000  }
0x3: {  	_ = 	snop  }
0x4: {  	_ = 	snop  }
0x5: {  	_ = 	snop  }
0x6: {  	_ = 	snop  }
0x7: {  	_ = 	snop  }
__scs_overlays_trampoline_lowered:
0x8: {  	[smem:$0x3F7E] =	sst s0  }
0x9: {  	[smem:$0x3F7F] =	sst s1  }
0xa: {  	[smem:$0x3F80] =	sst s2  }
0xb: {  	[smem:$0x3F81] =	sst s3  }
0xc: {  	[smem:$0x3F82] =	sst s4  }
0xd: {  	[smem:$0x3F83] =	sst s5  }
0xe: {  	[smem:$0x3F84] =	sst s6  }
0xf: {  	[smem:$0x3F85] =	sst s7  }
0x10: {  	[smem:$0x3F86] =	sst s8  }
0x11: {  	[smem:$0x3F87] =	sst s9;
	s0 =	simm.s32 @!p0 $0x0  }
0x12: {  	s1 =	sld [smem:$0x3F6D];
	s0 =	simm.s32 @p0 $0x1  }
0x13: {  	[smem:$0x3F88] =	sst s0;
	s0 =	simm.s32 @!p1 $0x0  }
0x14: {  	s2 =	sld [smem:$0x3F6C];
	s0 =	simm.s32 @p1 $0x1  }
0x15: {  	[smem:$0x3F89] =	sst s0;
	s0 =	simm.s32 @!p2 $0x0  }
0x16: {  	s3 =	sld [smem:$0x3FDB];
	s0 =	simm.s32 @p2 $0x1  }
0x17: {  	s4 =	simm.s32 $0x1BF5;
	[smem:$0x3F8B] =	sst s0  }
0x18: {  	s0 =	sld [smem:$0x3F6E];
	_ =	swait.ge [sflag:s4], $0x0  }
0x19: {  	s7 =	sld [smem:$0x3F6F]  }
0x1a: {  	s8 =	sadd.s32 $0xFFFFE003, lr  }
0x1b: {  	s9 =	sadd.s32 $0xFFFFFEF7, lr;
	s5 =	simm.s32 $0xFFFFFFFF;
	p2 =	slt.u32 s8, $0xFFFFF086  }
0x1c: {  	p1 =	slt.u32 s9, $0xF7A;
	s5 =	simm.s32 @!p2 $0x0  }
0x1d: {  	s5 =	simm.s32 @p1 $0x1;
	p0 =	seq.s32 s7, s2  }
0x1e: {  	s7 =	smul.u32 @!p0 $0xF7A, s2;
	p2 =	seq.s32 @!p0 s5, $0x0  }
0x1f: {  	s9 =	smul.u32 $0xF7A, s1;
	s8 =	simm.s32 @!p0 $0x1BF5;
	p2 =	por !p2, p0  }
0x20: {  	[sflag:s8] =	ssyncset.s32 @!p0 $0xFFFFF086;
	s6 =	sadd.s32 @!p0 s3, s7;
	s7 =	simm.s32 @!p0 $0x108  }
0x21: {  	s3 =	sadd.s32 s3, s9;
	s6 =	sadd.s32 @!p0 $0x88, s6;
	s7 =	simm.s32 @p2 $0x1082  }
0x22: {  	[simem:s7], [sflag:s8] =	dma.local @!p0 [hbm:s6], $0xF7A  }
0x23: {  	s9 =	sor.u32 $0xD0000000, s2;
	s6 =	simm.s32 $0x108;
	_ =	swait.ge @!p0 [sflag:s8], $0x0  }
0x24: {  	s3 =	sadd.s32 $0x88, s3;
	s6 =	simm.s32 @!p1 $0x1082;
	[sflag:s4] =	ssyncset.s32 $0xFFFFF086  }
0x25: {  	[simem:s6], [sflag:s4] =	dma.local [hbm:s3], $0xF7A  }
0x26: {  	[smem:$0x3F6F] =	sst s1;
	(tag) =	ssettag s2;
	_ =	strace s9  }
0x27: {  	s1 =	sld [smem:$0x3F7F]  }
0x28: {  	s2 =	sld [smem:$0x3F80]  }
0x29: {  	s4 =	sld [smem:$0x3F82]  }
0x2a: {  	p0 =	seq.s32 s5, $0x0;
	s5 =	sld [smem:$0x3F83]  }
0x2b: {  	s6 =	sld [smem:$0x3F84]  }
0x2c: {  	s7 =	sld [smem:$0x3F85]  }
0x2d: {  	s3 =	simm.s32 $0x108;
	s8 =	sld [smem:$0x3F86]  }
0x2e: {  	s3 =	simm.s32 @!p0 $0x1082;
	s9 =	sld [smem:$0x3F87]  }
0x2f: {  	lr =	sadd.s32 s0, s3;
	s0 =	sld [smem:$0x3F7E]  }
0x30: {  	s3 =	sld [smem:$0x3F81]  }
0x31: {  	[smem:$0x3F8A] =	sst s10  }
0x32: {  	s10 =	sld [smem:$0x3F88];
	_ =	sdelay $0x3  }
0x33: {  	p0 =	seq.s32 s10, $0x1;
	s10 =	sld [smem:$0x3F8A];
	_ =	sdelay $0x3  }
0x34: {  	[smem:$0x3F8A] =	sst s10  }
0x35: {  	s10 =	sld [smem:$0x3F89];
	_ =	sdelay $0x3  }
0x36: {  	p1 =	seq.s32 s10, $0x1;
	s10 =	sld [smem:$0x3F8A];
	_ =	sdelay $0x3  }
0x37: {  	[smem:$0x3F8A] =	sst s10  }
0x38: {  	s10 =	sld [smem:$0x3F8B]  }
0x39: {  	_ = 	snop;
	(pc) =	sbr.ind lr, $3  }
0x3a: {  	_ = 	snop  }
0x3b: {  	_ = 	snop  }
0x3c: {  	p2 =	seq.s32 s10, $0x1;
	s10 =	sld [smem:$0x3F8A]  }
0x3d: {  	_ =	shalt  }
0x3e: {  	_ =	shalt  }
0x3f: {  	_ =	shalt  }
0x40: {  	_ =	shalt  }
0x41: {  	_ =	shalt  }
0x42: {  	_ =	shalt  }
0x43: {  	_ =	shalt  }
0x44: {  	_ =	shalt  }
0x45: {  	_ =	shalt  }
0x46: {  	_ =	shalt  }
0x47: {  	_ =	shalt  }
0x48: {  	_ =	shalt  }
0x49: {  	_ =	shalt  }
0x4a: {  	_ =	shalt  }
0x4b: {  	_ =	shalt  }
0x4c: {  	_ =	shalt  }
0x4d: {  	_ =	shalt  }
0x4e: {  	_ =	shalt  }
0x4f: {  	_ =	shalt  }
0x50: {  	_ =	shalt  }
0x51: {  	_ =	shalt  }
0x52: {  	_ =	shalt  }
0x53: {  	_ =	shalt  }
0x54: {  	_ =	shalt  }
0x55: {  	_ =	shalt  }
0x56: {  	_ =	shalt  }
0x57: {  	_ =	shalt  }
0x58: {  	_ =	shalt  }
0x59: {  	_ =	shalt  }
0x5a: {  	_ =	shalt  }
0x5b: {  	_ =	shalt  }
0x5c: {  	_ =	shalt  }
0x5d: {  	_ =	shalt  }
0x5e: {  	_ =	shalt  }
0x5f: {  	_ =	shalt  }
0x60: {  	_ =	shalt  }
0x61: {  	_ =	shalt  }
0x62: {  	_ =	shalt  }
0x63: {  	_ =	shalt  }
0x64: {  	_ =	shalt  }
0x65: {  	_ =	shalt  }
0x66: {  	_ =	shalt  }
0x67: {  	_ =	shalt  }
0x68: {  	_ =	shalt  }
0x69: {  	_ =	shalt  }
0x6a: {  	_ =	shalt  }
0x6b: {  	_ =	shalt  }
0x6c: {  	_ =	shalt  }
0x6d: {  	_ =	shalt  }
0x6e: {  	_ =	shalt  }
0x6f: {  	_ =	shalt  }
0x70: {  	_ =	shalt  }
0x71: {  	_ =	shalt  }
0x72: {  	_ =	shalt  }
0x73: {  	_ =	shalt  }
0x74: {  	_ =	shalt  }
0x75: {  	_ =	shalt  }
0x76: {  	_ =	shalt  }
0x77: {  	_ =	shalt  }
0x78: {  	_ =	shalt  }
0x79: {  	_ =	shalt  }
0x7a: {  	_ =	shalt  }
0x7b: {  	_ =	shalt  }
0x7c: {  	_ =	shalt  }
0x7d: {  	_ =	shalt  }
0x7e: {  	_ =	shalt  }
0x7f: {  	_ =	shalt  }
0x80: {  	_ =	shalt  }
0x81: {  	_ =	shalt  }
0x82: {  	_ =	shalt  }
0x83: {  	_ =	shalt  }
0x84: {  	_ =	shalt  }
0x85: {  	_ =	shalt  }
0x86: {  	_ =	shalt  }
0x87: {  	_ =	shalt  }
.Lfunc_end0:
.L_simem_size_0:
called_computation.3_lowered:
.L_overlay_start_0:
0x88: {  	s2 =	sld [smem:$0x3FD9]  }
0x89: {  	s3 =	sld [smem:$0x3FFE];
	_ =	sdelay $0x1  }
0x8a: {  	s1 =	srdreg.scid  }
0x8b: {  	s0 =	sand.u32 $0x1, s1  }
0x8c: {  	s16 =	sshll.u32 s0, $0xA;
	s2 =	sadd.s32 s3, s2  }
0x8d: {  	s2 =	sadd.s32 s2, s16  }
0x8e: {  	[smem:$0x3F96] =	sst s2  }
0x8f: {  	_ = 	snop  }
0x90: {  	(tm) =	ssettm $0x1  }
0x91: {  	s17 =	sld [smem:$0x3FFB];
	_ =	sdelay $0x3  }
0x92: {  	_ =	strace s17  }
0x93: {  	s2 =	sld [smem:$0x3FFC];
	_ =	sdelay $0x3  }
0x94: {  	_ =	strace s2  }
0x95: {  	s2 =	sld [smem:$0x3FFD];
	_ =	sdelay $0x3  }
0x96: {  	_ =	strace s2  }
0x97: {  	_ =	strace $0x8FFFFFFF  }
0x98: {  	s18 =	sld [smem:$0x3FDB];
	_ =	sdelay $0x1  }
0x99: {  	s19 =	simm.s32 $_scs_section_size  }
0x9a: {  	s4 =	simm.s32 $_size__tile_overlayer_lowered;
	s5 =	simm.s32 $_tile_overlayer_lowered  }
0x9b: {  	s22 =	simm.s32 $0x1BFF;
	s21 =	sshll.u32 s5, $0x1;
	s2 =	sadd.s32 s19, s18  }
0x9c: {  	s6 =	simm.s32 $0x0;
	s20 =	sshll.u32 s4, $0x1;
	s4 =	sadd.s32 s21, s2  }
0x9d: {  	[timem:s6], [sflag:s22] =	dma.local [hbm:s4], s20  }
0x9e: {  	_ =	swait.ge [sflag:s22], s20  }
0x9f: {  	s3 =	ssub.s32 $0x0, s20;
	[sflag:s22] =	ssyncset.done $0x0  }
0xa0: {  	[sflag:s22] =	ssyncadd.s32 s3;
	_ =	sdelay $0x1  }
0xa1: {  	s23 =	simm.s32 $0x1B8B  }
0xa2: {  	_ =	swait.ge [sflag:s23], $0x1  }
0xa3: {  	[sflag:s23] =	ssyncset.done $0x0  }
0xa4: {  	s25 =	simm.s32 $0x1B8E;
	s24 =	sld [smem:$0x3FFE];
	[sflag:s23] =	ssyncadd.s32 $0xFFFFFFFF  }
0xa5: {  	s26 =	simm.s32 $execute0_lowered;
	[smem:$0x3FD2] =	sst s25  }
0xa6: {  	s4 =	sshll.u32 s26, $0x1;
	_ =	strace $0x8000004F;
	[dreg:$0x1] =	wrdreg $0xFFFFFFFF  }
0xa7: {  	s28 =	simm.s32 $_size_execute0_lowered;
	s2 =	sadd.s32 s2, s4;
	[dreg:$0x0] =	wrdreg $0x0  }
0xa8: {  	s4 =	sshll.u32 s28, $0x1;
	[dreg:$0x2] =	wrdreg s2  }
0xa9: {  	[dreg:$0x3] =	wrdreg s4  }
0xaa: {  	[dreg:$0x4] =	wrdreg $0xC0  }
0xab: {  	_ =	task [dreg:s6], $0x5FFFF  }
0xac: {  	[dreg:$0x1] =	wrdreg $0xFFFFFFFF  }
0xad: {  	[dreg:$0x0] =	wrdreg $0x60  }
0xae: {  	[dreg:$0x2] =	wrdreg s24  }
0xaf: {  	[dreg:$0x3] =	wrdreg $0x14500  }
0xb0: {  	[dreg:$0x4] =	wrdreg $0x9  }
0xb1: {  	_ =	task.clear_ibuf [dreg:s6], $0x5FFFF;
	_ =	strace $0x9000004F  }
0xb2: {  	s29 =	simm.s32 $0x9;
	_ =	strace $0x80000051  }
0xb3: {  	_ =	swait.ge [sflag:s29], $0x1  }
0xb4: {  	[sflag:s29] =	ssyncadd.s32 $0xFFFFFFFF  }
0xb5: {  	_ =	strace $0x90000051  }
0xb6: {  	_ =	sfence  }
0xb7: {  	s30 =	sld [smem:$0x0];
	_ =	sdelay $0x2  }
0xb8: {  	s31 =	sshll.u32 s1, $0xD;
	s1 =	sshrl.u32 s1, $0x2  }
0xb9: {  	s3 =	sand.u32 $0x4000, s31;
	s1 =	sadd.s32 s1, s30  }
0xba: {  	s0 =	sor.u32 s3, s0;
	s1 =	sshll.u32 s1, $0x11  }
0xbb: {  	s0 =	sor.u32 s1, s0  }
0xbc: {  	s0 =	sadd.s32 $0x8F2B, s0  }
0xbd: {  	[sflag:s0] =	ssyncadd.remote.s32 $0x1  }
0xbe: {  	_ =	sfence.sel $0xFFFF  }
0xbf: {  	[dreg:$0x0] =	wrdreg $0xFFFFFFFF;
	(pc) =	sbr.abs _section_cstart, $3  }
0xc0: {  	[dreg:$0x1] =	wrdreg $0xFFFFFFFF  }
0xc1: {  	_ =	task.clear_ibuf [dreg:s6], $0x2FFFF;
	_ =	strace $0x9FFFFFFF  }
0xc2: {  	(tm) =	ssettm $0x7FFFFFFF  }
0xc3: {  	_ =	shalt  }
tec
execute0_lowered:
.L_overlay_start_1:
0x0: {  	(tag) =	ssettag $0x1  }
0x1: {  	s0 =	srdreg.scid;
	s11 =	stileid.u32  }
0x2: {  	s4 =	rddreg [dreg:$0x0];
	s6 =	smul.u32 $0x4E20, s11  }
0x3: {  	s1 =	rddreg [dreg:$0x1];
	s7 =	smul.u32 $0x27100, s11  }
0x4: {  	s2 =	simm.s32 $0x0;
	s10 =	simm.s32 $0x50;
	s8 =	smul.u32 $0xA00, s11  }
0x5: {  	s3 =	sand.u32 $0x1, s0;
	s0 =	rddreg [dreg:$0x2];
	s29 =	smul.u32 $0x14000, s11  }
0x6: {  	s13 =	simm.s32 $0x0;
	[smem:$0x7FF] =	sst s2;
	s5 =	smul.u32 $0x4E200, s3  }
0x7: {  	p0 =	sne.s32 s11, $0x0;
	s11 =	sshll.u32 s11, $0x6;
	s25 =	smul.u32 $0xA000, s3  }
0x8: {  	_ =	strace $0x80000050;
	s28 =	ssub.s32 $0x2, s3;
	s3 =	sadd.s32 $0x32600, s4  }
0x9: {  	s11 =	sor.u32 $0x1C01, s11;
	s7 =	sadd.s32 s7, s4;
	s30 =	sshrl.u32 s28, $0x1  }
0xa: {  	s31 =	sshrl.u32 s29, $0x2;
	s5 =	sadd.s32 s5, s6;
	s26 =	sadd.s32 s8, s25  }
0xb: {  	s12 =	sadd.s32 s31, s1;
	s7 =	sadd.s32 $0xA45C00, s7;
	s5 =	sshrl.u32 s5, $0x3  }
0xc: {  	s8 =	sshrl.u32 @!p0 s1, $0x3;
	s9 =	sadd.s32 s5, s4;
	s4 =	sadd.s32 s26, s4  }
0xd: {  	s12 =	sshrl.u32 s12, $0x3;
	s5 =	ssub.s32 s28, s30;
	s4 =	sadd.s32 $0x3CA00, s4  }
0xe: {  	s5 =	smax.u32 s5, $0x1;
	s6 =	sadd.s32 $0xA32200, s9;
	s9 =	simm.s32 $0x1  }
.LBB2_1:
0xf: {  	s14 =	simm.s32 @!p0 $0x1C01  }
0x10: {  	[spmem:s8], [sflag:s14] =	dma.local @!p0 [hbm:s3], $0xA400  }
0x11: {  	s14 =	simm.s32 @!p0 $0x1  }
0x12: {  	_ =	swait.ge @!p0 [sflag:s14], $0xA400  }
0x13: {  	[sflag:s14] =	ssyncset.done @!p0 $0x0  }
0x14: {  	[sflag:s14] =	ssyncadd.s32 @!p0 $0xFFFF5C00  }
0x15: {  	s31 =	sadd.s32 $0x0, s6;
	[bflag:$0x0] =	sbarrier.arrive $0xFFFF  }
0x16: {  	[tilespmem:s2], [sflag:$0x1] =	stream.linear.gather [hbm4b:s31+s2], $0x50, $0x38;
	[tilespmem:$0x6650] =	vst v63  }
0x17: {  	_ =	swait.ge [sflag:s9], $0x50  }
0x18: {  	[sflag:s9] =	ssyncset.done $0x0  }
0x19: {  	[sflag:s9] =	ssyncadd.s32 $0xFFFFFFB0  }
0x1a: {  	[tilespmem:s10], [sflag:$0x1] =	stream.linear.gather [hbm4b:s7+s2], $0x1400, $0x38;
	[tilespmem:$0x6650] =	vst v63  }
0x1b: {  	_ =	swait.ge [sflag:s9], $0x1400  }
0x1c: {  	[sflag:s9] =	ssyncset.done $0x0  }
0x1d: {  	[sflag:s9] =	ssyncadd.s32 $0xFFFFEC00  }
0x1e: {  	[spmem:s1] =	stream.indirect.scatter.add.f32 [tilespmem:s10], [sflag:$0x1], $0x40, s2, s10, $0xb8;
	[tilespmem:$0x6650] =	vst v63  }
0x1f: {  	s15 =	simm.s32 $0xA;
	_ =	swait.ge [sflag:s9], $0x1400  }
0x20: {  	s16 =	simm.s32 $0x14;
	s14 =	sadd.s32 $0x280, s7;
	[sflag:s9] =	ssyncset.done $0x0  }
.LBB2_2:
0x21: {  	s17 =	sadd.s32 s15, s6  }
0x22: {  	[sflag:s9] =	ssyncadd.s32 $0xFFFFEC00;
	s15 =	smov.u32 s16;
	s18 =	sadd.s32 $0xA, s16  }
0x23: {  	[tilespmem:s2], [sflag:$0x1] =	stream.linear.gather [hbm4b:s17+s2], $0x50, $0x38;
	[tilespmem:$0x6650] =	vst v63  }
0x24: {  	p1 =	sne.s32 s16, $0x9BA;
	_ =	swait.ge [sflag:s9], $0x50  }
0x25: {  	[sflag:s9] =	ssyncset.done $0x0  }
0x26: {  	[sflag:s9] =	ssyncadd.s32 $0xFFFFFFB0  }
0x27: {  	[tilespmem:s10], [sflag:$0x1] =	stream.linear.gather [hbm4b:s14+s2], $0x1400, $0x38;
	[tilespmem:$0x6650] =	vst v63  }
0x28: {  	_ =	swait.ge [sflag:s9], $0x1400  }
.Ltmp0:
0x29: {  	[sflag:s9] =	ssyncset.done $0x0;
	(pc) =	sbr.rel @p1 .LBB2_2-.Ltmp0, $4  }
0x2a: {  	[sflag:s9] =	ssyncadd.s32 $0xFFFFEC00  }
0x2b: {  	[spmem:s1] =	stream.indirect.scatter.add.f32 [tilespmem:s10], [sflag:$0x1], $0x40, s2, s10, $0xb8;
	[tilespmem:$0x6650] =	vst v63  }
0x2c: {  	_ =	swait.ge [sflag:s9], $0x1400  }
0x2d: {  	s16 =	smov.u32 s18;
	s14 =	sadd.s32 $0x280, s14;
	[sflag:s9] =	ssyncset.done $0x0  }
0x2e: {  	s15 =	sadd.s32 s15, s6;
	[sflag:s9] =	ssyncadd.s32 $0xFFFFEC00  }
0x2f: {  	[tilespmem:s2], [sflag:$0x1] =	stream.linear.gather [hbm4b:s15+s2], $0x50, $0x38;
	[tilespmem:$0x6650] =	vst v63  }
0x30: {  	_ =	swait.ge [sflag:s9], $0x50  }
0x31: {  	[sflag:s9] =	ssyncset.done $0x0  }
0x32: {  	[sflag:s9] =	ssyncadd.s32 $0xFFFFFFB0  }
0x33: {  	[tilespmem:s10], [sflag:$0x1] =	stream.linear.gather [hbm4b:s14+s2], $0x1400, $0x38;
	[tilespmem:$0x6650] =	vst v63  }
0x34: {  	_ =	swait.ge [sflag:s9], $0x1400  }
0x35: {  	[sflag:s9] =	ssyncset.done $0x0  }
0x36: {  	[sflag:s9] =	ssyncadd.s32 $0xFFFFEC00  }
0x37: {  	[spmem:s1] =	stream.indirect.scatter.add.f32 [tilespmem:s10], [sflag:$0x1], $0x40, s2, s10, $0xb8;
	[tilespmem:$0x6650] =	vst v63  }
0x38: {  	_ =	swait.ge [sflag:s9], $0x1400  }
0x39: {  	s13 =	sadd.s32 $0x1, s13;
	[sflag:s9] =	ssyncset.done $0x0  }
0x3a: {  	p1 =	sne.s32 s13, s5;
	[sflag:s9] =	ssyncadd.s32 $0xFFFFEC00  }
.Ltmp1:
0x3b: {  	[bflag:$0x0] =	sbarrier.arrive $0xFFFF;
	(pc) =	sbr.rel @p1 .LBB2_1-.Ltmp1, $4  }
0x3c: {  	[hbm:s4], [sflag:s11] =	dma.local [spmem:s12], $0xA00  }
0x3d: {  	_ =	swait.ge [sflag:s9], $0xA00  }
0x3e: {  	[sflag:s9] =	ssyncset.done $0x0  }
0x3f: {  	[sflag:s9] =	ssyncadd.s32 $0xFFFFF600  }
0x40: {  	_ =	sfence.sel $0x180000  }
0x41: {  	[bflag:$0x0] =	sbarrier.arrive $0xFFFF  }
0x42: {  	_ =	strace $0x90000050  }
0x43: {  	s0 =	sadd.s32 @!p0 $0x100000, s0;
	[bflag:$0x2] =	sbarrier.arrive $0xFFFF  }
0x44: {  	[sflag:s0] =	ssyncadd.tile.s32 @!p0 $0x1;
	_ =	shalt  }
.Lfunc_end2:
_tile_overlayer_lowered:
.L_overlay_start_2:
0x45: {  	(tag) =	ssettag $0x2  }
0x46: {  	s0 =	rddreg [dreg:$0x0];
	s2 =	stileid.u32  }
0x47: {  	s1 =	rddreg [dreg:$0x1];
	p0 =	sne.s32 s2, $0x0  }
0x48: {  	s3 =	rddreg [dreg:$0x2];
	[bflag:$0x3] =	sbarrier.arrive $0xFFFF;
	s2 =	simm.s32 @!p0 $0x1C01  }
0x49: {  	[timem:s3], [sflag:s2] =	dma.local @!p0 [hbm:s0], s1  }
0x4a: {  	s0 =	simm.s32 @!p0 $0x1  }
0x4b: {  	_ =	swait.ge @!p0 [sflag:s0], s1  }
0x4c: {  	s1 =	ssub.s32 @!p0 $0x0, s1;
	[sflag:s0] =	ssyncset.done @!p0 $0x0  }
0x4d: {  	[sflag:s0] =	ssyncadd.s32 @!p0 s1  }
0x4e: {  	[bflag:$0x3] =	sbarrier.arrive $0xFFFF  }
0x4f: {  	_ =	shalt  }

// kernel: kernel.36.cloned.1.call-start
scs
__scs_entry_jumppad:
0x0: {  	(pc) =	sbr.rel $0x88, $3  }
0x1: {  	(tag) =	ssettag $0x0;
	lr =	simm.s32 $0x1  }
0x2: {  	[smem:$0x3F6F] =	sst lr;
	_ =	strace $0xD0000000  }
0x3: {  	_ = 	snop  }
0x4: {  	_ = 	snop  }
0x5: {  	_ = 	snop  }
0x6: {  	_ = 	snop  }
0x7: {  	_ = 	snop  }
__scs_overlays_trampoline_lowered:
0x8: {  	[smem:$0x3F7E] =	sst s0  }
0x9: {  	[smem:$0x3F7F] =	sst s1  }
0xa: {  	[smem:$0x3F80] =	sst s2  }
0xb: {  	[smem:$0x3F81] =	sst s3  }
0xc: {  	[smem:$0x3F82] =	sst s4  }
0xd: {  	[smem:$0x3F83] =	sst s5  }
0xe: {  	[smem:$0x3F84] =	sst s6  }
0xf: {  	[smem:$0x3F85] =	sst s7  }
0x10: {  	[smem:$0x3F86] =	sst s8  }
0x11: {  	[smem:$0x3F87] =	sst s9;
	s0 =	simm.s32 @!p0 $0x0  }
0x12: {  	s1 =	sld [smem:$0x3F6D];
	s0 =	simm.s32 @p0 $0x1  }
0x13: {  	[smem:$0x3F88] =	sst s0;
	s0 =	simm.s32 @!p1 $0x0  }
0x14: {  	s2 =	sld [smem:$0x3F6C];
	s0 =	simm.s32 @p1 $0x1  }
0x15: {  	[smem:$0x3F89] =	sst s0;
	s0 =	simm.s32 @!p2 $0x0  }
0x16: {  	s3 =	sld [smem:$0x3FDB];
	s0 =	simm.s32 @p2 $0x1  }
0x17: {  	s4 =	simm.s32 $0x1BF5;
	[smem:$0x3F8B] =	sst s0  }
0x18: {  	s0 =	sld [smem:$0x3F6E];
	_ =	swait.ge [sflag:s4], $0x0  }
0x19: {  	s7 =	sld [smem:$0x3F6F]  }
0x1a: {  	s8 =	sadd.s32 $0xFFFFE003, lr  }
0x1b: {  	s9 =	sadd.s32 $0xFFFFFEF7, lr;
	s5 =	simm.s32 $0xFFFFFFFF;
	p2 =	slt.u32 s8, $0xFFFFF086  }
0x1c: {  	p1 =	slt.u32 s9, $0xF7A;
	s5 =	simm.s32 @!p2 $0x0  }
0x1d: {  	s5 =	simm.s32 @p1 $0x1;
	p0 =	seq.s32 s7, s2  }
0x1e: {  	s7 =	smul.u32 @!p0 $0xF7A, s2;
	p2 =	seq.s32 @!p0 s5, $0x0  }
0x1f: {  	s9 =	smul.u32 $0xF7A, s1;
	s8 =	simm.s32 @!p0 $0x1BF5;
	p2 =	por !p2, p0  }
0x20: {  	[sflag:s8] =	ssyncset.s32 @!p0 $0xFFFFF086;
	s6 =	sadd.s32 @!p0 s3, s7;
	s7 =	simm.s32 @!p0 $0x108  }
0x21: {  	s3 =	sadd.s32 s3, s9;
	s6 =	sadd.s32 @!p0 $0x88, s6;
	s7 =	simm.s32 @p2 $0x1082  }
0x22: {  	[simem:s7], [sflag:s8] =	dma.local @!p0 [hbm:s6], $0xF7A  }
0x23: {  	s9 =	sor.u32 $0xD0000000, s2;
	s6 =	simm.s32 $0x108;
	_ =	swait.ge @!p0 [sflag:s8], $0x0  }
0x24: {  	s3 =	sadd.s32 $0x88, s3;
	s6 =	simm.s32 @!p1 $0x1082;
	[sflag:s4] =	ssyncset.s32 $0xFFFFF086  }
0x25: {  	[simem:s6], [sflag:s4] =	dma.local [hbm:s3], $0xF7A  }
0x26: {  	[smem:$0x3F6F] =	sst s1;
	(tag) =	ssettag s2;
	_ =	strace s9  }
0x27: {  	s1 =	sld [smem:$0x3F7F]  }
0x28: {  	s2 =	sld [smem:$0x3F80]  }
0x29: {  	s4 =	sld [smem:$0x3F82]  }
0x2a: {  	p0 =	seq.s32 s5, $0x0;
	s5 =	sld [smem:$0x3F83]  }
0x2b: {  	s6 =	sld [smem:$0x3F84]  }
0x2c: {  	s7 =	sld [smem:$0x3F85]  }
0x2d: {  	s3 =	simm.s32 $0x108;
	s8 =	sld [smem:$0x3F86]  }
0x2e: {  	s3 =	simm.s32 @!p0 $0x1082;
	s9 =	sld [smem:$0x3F87]  }
0x2f: {  	lr =	sadd.s32 s0, s3;
	s0 =	sld [smem:$0x3F7E]  }
0x30: {  	s3 =	sld [smem:$0x3F81]  }
0x31: {  	[smem:$0x3F8A] =	sst s10  }
0x32: {  	s10 =	sld [smem:$0x3F88];
	_ =	sdelay $0x3  }
0x33: {  	p0 =	seq.s32 s10, $0x1;
	s10 =	sld [smem:$0x3F8A];
	_ =	sdelay $0x3  }
0x34: {  	[smem:$0x3F8A] =	sst s10  }
0x35: {  	s10 =	sld [smem:$0x3F89];
	_ =	sdelay $0x3  }
0x36: {  	p1 =	seq.s32 s10, $0x1;
	s10 =	sld [smem:$0x3F8A];
	_ =	sdelay $0x3  }
0x37: {  	[smem:$0x3F8A] =	sst s10  }
0x38: {  	s10 =	sld [smem:$0x3F8B]  }
0x39: {  	_ = 	snop;
	(pc) =	sbr.ind lr, $3  }
0x3a: {  	_ = 	snop  }
0x3b: {  	_ = 	snop  }
0x3c: {  	p2 =	seq.s32 s10, $0x1;
	s10 =	sld [smem:$0x3F8A]  }
0x3d: {  	_ =	shalt  }
0x3e: {  	_ =	shalt  }
0x3f: {  	_ =	shalt  }
0x40: {  	_ =	shalt  }
0x41: {  	_ =	shalt  }
0x42: {  	_ =	shalt  }
0x43: {  	_ =	shalt  }
0x44: {  	_ =	shalt  }
0x45: {  	_ =	shalt  }
0x46: {  	_ =	shalt  }
0x47: {  	_ =	shalt  }
0x48: {  	_ =	shalt  }
0x49: {  	_ =	shalt  }
0x4a: {  	_ =	shalt  }
0x4b: {  	_ =	shalt  }
0x4c: {  	_ =	shalt  }
0x4d: {  	_ =	shalt  }
0x4e: {  	_ =	shalt  }
0x4f: {  	_ =	shalt  }
0x50: {  	_ =	shalt  }
0x51: {  	_ =	shalt  }
0x52: {  	_ =	shalt  }
0x53: {  	_ =	shalt  }
0x54: {  	_ =	shalt  }
0x55: {  	_ =	shalt  }
0x56: {  	_ =	shalt  }
0x57: {  	_ =	shalt  }
0x58: {  	_ =	shalt  }
0x59: {  	_ =	shalt  }
0x5a: {  	_ =	shalt  }
0x5b: {  	_ =	shalt  }
0x5c: {  	_ =	shalt  }
0x5d: {  	_ =	shalt  }
0x5e: {  	_ =	shalt  }
0x5f: {  	_ =	shalt  }
0x60: {  	_ =	shalt  }
0x61: {  	_ =	shalt  }
0x62: {  	_ =	shalt  }
0x63: {  	_ =	shalt  }
0x64: {  	_ =	shalt  }
0x65: {  	_ =	shalt  }
0x66: {  	_ =	shalt  }
0x67: {  	_ =	shalt  }
0x68: {  	_ =	shalt  }
0x69: {  	_ =	shalt  }
0x6a: {  	_ =	shalt  }
0x6b: {  	_ =	shalt  }
0x6c: {  	_ =	shalt  }
0x6d: {  	_ =	shalt  }
0x6e: {  	_ =	shalt  }
0x6f: {  	_ =	shalt  }
0x70: {  	_ =	shalt  }
0x71: {  	_ =	shalt  }
0x72: {  	_ =	shalt  }
0x73: {  	_ =	shalt  }
0x74: {  	_ =	shalt  }
0x75: {  	_ =	shalt  }
0x76: {  	_ =	shalt  }
0x77: {  	_ =	shalt  }
0x78: {  	_ =	shalt  }
0x79: {  	_ =	shalt  }
0x7a: {  	_ =	shalt  }
0x7b: {  	_ =	shalt  }
0x7c: {  	_ =	shalt  }
0x7d: {  	_ =	shalt  }
0x7e: {  	_ =	shalt  }
0x7f: {  	_ =	shalt  }
0x80: {  	_ =	shalt  }
0x81: {  	_ =	shalt  }
0x82: {  	_ =	shalt  }
0x83: {  	_ =	shalt  }
0x84: {  	_ =	shalt  }
0x85: {  	_ =	shalt  }
0x86: {  	_ =	shalt  }
0x87: {  	_ =	shalt  }
.Lfunc_end0:
.L_simem_size_0:
called_computation.4_lowered:
.L_overlay_start_0:
0x88: {  	s2 =	sld [smem:$0x3FD9]  }
0x89: {  	s3 =	sld [smem:$0x3FFE];
	_ =	sdelay $0x1  }
0x8a: {  	s1 =	srdreg.scid  }
0x8b: {  	s0 =	sand.u32 $0x1, s1  }
0x8c: {  	s16 =	sshll.u32 s0, $0xA;
	s2 =	sadd.s32 s3, s2  }
0x8d: {  	s2 =	sadd.s32 s2, s16  }
0x8e: {  	[smem:$0x3F96] =	sst s2  }
0x8f: {  	_ = 	snop  }
0x90: {  	(tm) =	ssettm $0x1  }
0x91: {  	s17 =	sld [smem:$0x3FFB];
	_ =	sdelay $0x3  }
0x92: {  	_ =	strace s17  }
0x93: {  	s2 =	sld [smem:$0x3FFC];
	_ =	sdelay $0x3  }
0x94: {  	_ =	strace s2  }
0x95: {  	s2 =	sld [smem:$0x3FFD];
	_ =	sdelay $0x3  }
0x96: {  	_ =	strace s2  }
0x97: {  	_ =	strace $0x8FFFFFFF  }
0x98: {  	s18 =	sld [smem:$0x3FDB];
	_ =	sdelay $0x1  }
0x99: {  	s19 =	simm.s32 $_scs_section_size  }
0x9a: {  	s4 =	simm.s32 $_size__tile_overlayer_lowered;
	s5 =	simm.s32 $_tile_overlayer_lowered  }
0x9b: {  	s22 =	simm.s32 $0x1BFF;
	s21 =	sshll.u32 s5, $0x1;
	s2 =	sadd.s32 s19, s18  }
0x9c: {  	s6 =	simm.s32 $0x0;
	s20 =	sshll.u32 s4, $0x1;
	s4 =	sadd.s32 s21, s2  }
0x9d: {  	[timem:s6], [sflag:s22] =	dma.local [hbm:s4], s20  }
0x9e: {  	_ =	swait.ge [sflag:s22], s20  }
0x9f: {  	s3 =	ssub.s32 $0x0, s20;
	[sflag:s22] =	ssyncset.done $0x0  }
0xa0: {  	[sflag:s22] =	ssyncadd.s32 s3;
	_ =	sdelay $0x1  }
0xa1: {  	s23 =	simm.s32 $0x1B8B  }
0xa2: {  	_ =	swait.ge [sflag:s23], $0x1  }
0xa3: {  	[sflag:s23] =	ssyncset.done $0x0  }
0xa4: {  	s25 =	simm.s32 $0x1B8E;
	s24 =	sld [smem:$0x3FFE];
	[sflag:s23] =	ssyncadd.s32 $0xFFFFFFFF  }
0xa5: {  	s26 =	simm.s32 $execute0_lowered;
	[smem:$0x3FD2] =	sst s25  }
0xa6: {  	s4 =	sshll.u32 s26, $0x1;
	_ =	strace $0x80000052;
	[dreg:$0x1] =	wrdreg $0xFFFFFFFF  }
0xa7: {  	s28 =	simm.s32 $_size_execute0_lowered;
	s2 =	sadd.s32 s2, s4;
	[dreg:$0x0] =	wrdreg $0x0  }
0xa8: {  	s4 =	sshll.u32 s28, $0x1;
	[dreg:$0x2] =	wrdreg s2  }
0xa9: {  	[dreg:$0x3] =	wrdreg s4  }
0xaa: {  	[dreg:$0x4] =	wrdreg $0xC0  }
0xab: {  	_ =	task [dreg:s6], $0x5FFFF  }
0xac: {  	[dreg:$0x1] =	wrdreg $0xFFFFFFFF  }
0xad: {  	[dreg:$0x0] =	wrdreg $0x60  }
0xae: {  	[dreg:$0x2] =	wrdreg s24  }
0xaf: {  	[dreg:$0x3] =	wrdreg $0x9  }
0xb0: {  	_ =	task.clear_ibuf [dreg:s6], $0x4FFFF;
	_ =	strace $0x90000052  }
0xb1: {  	s29 =	simm.s32 $0x9;
	_ =	strace $0x80000054  }
0xb2: {  	_ =	swait.ge [sflag:s29], $0x1  }
0xb3: {  	[sflag:s29] =	ssyncadd.s32 $0xFFFFFFFF  }
0xb4: {  	_ =	strace $0x90000054  }
0xb5: {  	_ =	sfence  }
0xb6: {  	s30 =	sld [smem:$0x0];
	_ =	sdelay $0x2  }
0xb7: {  	s31 =	sshll.u32 s1, $0xD;
	s1 =	sshrl.u32 s1, $0x2  }
0xb8: {  	s3 =	sand.u32 $0x4000, s31;
	s1 =	sadd.s32 s1, s30  }
0xb9: {  	s0 =	sor.u32 s3, s0;
	s1 =	sshll.u32 s1, $0x11  }
0xba: {  	s0 =	sor.u32 s1, s0  }
0xbb: {  	s0 =	sadd.s32 $0x8F2B, s0  }
0xbc: {  	[sflag:s0] =	ssyncadd.remote.s32 $0x1  }
0xbd: {  	_ =	sfence.sel $0xFFFF  }
0xbe: {  	[dreg:$0x0] =	wrdreg $0xFFFFFFFF;
	(pc) =	sbr.abs _section_cstart, $3  }
0xbf: {  	[dreg:$0x1] =	wrdreg $0xFFFFFFFF  }
0xc0: {  	_ =	task.clear_ibuf [dreg:s6], $0x2FFFF;
	_ =	strace $0x9FFFFFFF  }
0xc1: {  	(tm) =	ssettm $0x7FFFFFFF  }
tec
execute0_lowered:
.L_overlay_start_1:
0x0: {  	(tag) =	ssettag $0x1  }
0x1: {  	s5 =	rddreg [dreg:$0x0]  }
0x2: {  	s0 =	rddreg [dreg:$0x1];
	s2 =	simm.s32 $0x0  }
0x3: {  	s3 =	srdreg.scid;
	s1 =	stileid.u32;
	s11 =	simm.s32 $0x50  }
0x4: {  	s12 =	simm.s32 $0xA0;
	s13 =	simm.s32 $0x14A0;
	s14 =	simm.s32 $0x1  }
0x5: {  	s15 =	simm.s32 $0x0;
	[smem:$0x7FF] =	sst s2;
	s7 =	smul.u32 $0x4E20, s1  }
0x6: {  	s6 =	sand.u32 $0x1, s3;
	s3 =	sadd.s32 $0xA45C00, s5;
	s9 =	smul.u32 $0x27100, s1  }
0x7: {  	s4 =	sadd.s32 $0x3CA00, s5;
	s8 =	smul.u32 $0x2710, s6;
	s10 =	ssub.s32 $0x2, s6  }
0x8: {  	_ =	strace $0x80000053;
	s6 =	smul.u32 $0x13880, s6;
	s30 =	sshrl.u32 s10, $0x1  }
0x9: {  	s29 =	sadd.s32 s9, s5;
	s7 =	sadd.s32 s8, s7;
	s9 =	ssub.s32 s10, s30  }
0xa: {  	s8 =	sadd.s32 s6, s29;
	s10 =	simm.s32 $0x2;
	s7 =	sshrl.u32 s7, $0x3  }
0xb: {  	s6 =	sadd.s32 $0xA59600, s8;
	s31 =	sadd.s32 s7, s5;
	s5 =	smax.u32 s9, $0x1  }
0xc: {  	s7 =	sadd.s32 $0xCCA600, s8;
	s8 =	sadd.s32 $0x59A00, s31;
	s9 =	sadd.s32 $0x63800, s31  }
.LBB2_1:
0xd: {  	s16 =	sadd.s32 $0x0, s9  }
0xe: {  	[tilespmem:s2], [sflag:$0x2] =	stream.linear.gather [hbm4b:s16+s2], $0x50, $0x38;
	[tilespmem:$0x28A0] =	vst v63  }
0xf: {  	_ =	swait.ge [sflag:s10], $0x50  }
0x10: {  	[sflag:s10] =	ssyncset.done $0x0  }
0x11: {  	s31 =	sadd.s32 $0x0, s8;
	[sflag:s10] =	ssyncadd.s32 $0xFFFFFFB0  }
0x12: {  	[tilespmem:s11], [sflag:$0x2] =	stream.linear.gather [hbm4b:s31+s2], $0x50, $0x38;
	[tilespmem:$0x28A0] =	vst v63  }
0x13: {  	_ =	swait.ge [sflag:s10], $0x50  }
0x14: {  	[sflag:s10] =	ssyncset.done $0x0  }
0x15: {  	[sflag:s10] =	ssyncadd.s32 $0xFFFFFFB0  }
0x16: {  	[tilespmem:s12], [sflag:$0x1] =	stream.indirect.gather [hbm4b:s3+s11], $0x40, s2, s11, $0xb8;
	[tilespmem:$0x28A0] =	vst v63  }
0x17: {  	_ = 	snop  }
0x18: {  	[tilespmem:s13], [sflag:$0x1] =	stream.indirect.gather [hbm4b:s4+s11], $0x40, s11, s11, $0xb8;
	[tilespmem:$0x28A0] =	vst v63  }
0x19: {  	_ =	swait.ge [sflag:s14], $0x1400  }
0x1a: {  	[sflag:s14] =	ssyncset.done $0x0  }
0x1b: {  	[sflag:s14] =	ssyncadd.s32 $0xFFFFEC00  }
0x1c: {  	_ =	swait.ge [sflag:s14], $0x1400  }
0x1d: {  	[sflag:s14] =	ssyncset.done $0x0  }
0x1e: {  	[sflag:s14] =	ssyncadd.s32 $0xFFFFEC00  }
0x1f: {  	[hbm4b:s7+s2] =	stream.linear.scatter [tilespmem:s12], [sflag:$0x2], $0x1400, $0x38;
	[tilespmem:$0x28A0] =	vst v63  }
0x20: {  	_ =	swait.ge [sflag:s10], $0x1400  }
0x21: {  	[sflag:s10] =	ssyncset.done $0x0  }
0x22: {  	[sflag:s10] =	ssyncadd.s32 $0xFFFFEC00  }
0x23: {  	[hbm4b:s6+s2] =	stream.linear.scatter [tilespmem:s13], [sflag:$0x2], $0x1400, $0x38;
	[tilespmem:$0x28A0] =	vst v63  }
0x24: {  	s18 =	simm.s32 $0xA;
	s19 =	simm.s32 $0x14;
	_ =	swait.ge [sflag:s10], $0x1400  }
0x25: {  	s17 =	sadd.s32 $0x280, s7;
	s16 =	sadd.s32 $0x280, s6;
	[sflag:s10] =	ssyncset.done $0x0  }
.LBB2_2:
0x26: {  	s20 =	sadd.s32 s18, s9  }
0x27: {  	[sflag:s10] =	ssyncadd.s32 $0xFFFFEC00;
	s21 =	smov.u32 s19;
	s22 =	sadd.s32 $0xA, s19  }
0x28: {  	[tilespmem:s2], [sflag:$0x2] =	stream.linear.gather [hbm4b:s20+s2], $0x50, $0x38;
	[tilespmem:$0x28A0] =	vst v63  }
0x29: {  	p0 =	sne.s32 s19, $0x4D8;
	_ =	swait.ge [sflag:s10], $0x50  }
0x2a: {  	[sflag:s10] =	ssyncset.done $0x0  }
0x2b: {  	s19 =	sadd.s32 s18, s8;
	s18 =	smov.u32 s21;
	[sflag:s10] =	ssyncadd.s32 $0xFFFFFFB0  }
0x2c: {  	[tilespmem:s11], [sflag:$0x2] =	stream.linear.gather [hbm4b:s19+s2], $0x50, $0x38;
	[tilespmem:$0x28A0] =	vst v63  }
0x2d: {  	_ =	swait.ge [sflag:s10], $0x50  }
0x2e: {  	[sflag:s10] =	ssyncset.done $0x0  }
0x2f: {  	[sflag:s10] =	ssyncadd.s32 $0xFFFFFFB0  }
0x30: {  	[tilespmem:s12], [sflag:$0x1] =	stream.indirect.gather [hbm4b:s3+s11], $0x40, s2, s11, $0xb8;
	[tilespmem:$0x28A0] =	vst v63  }
0x31: {  	_ = 	snop  }
0x32: {  	[tilespmem:s13], [sflag:$0x1] =	stream.indirect.gather [hbm4b:s4+s11], $0x40, s11, s11, $0xb8;
	[tilespmem:$0x28A0] =	vst v63  }
0x33: {  	_ =	swait.ge [sflag:s14], $0x1400  }
0x34: {  	[sflag:s14] =	ssyncset.done $0x0  }
0x35: {  	[sflag:s14] =	ssyncadd.s32 $0xFFFFEC00  }
0x36: {  	_ =	swait.ge [sflag:s14], $0x1400  }
0x37: {  	[sflag:s14] =	ssyncset.done $0x0  }
0x38: {  	[sflag:s14] =	ssyncadd.s32 $0xFFFFEC00  }
0x39: {  	[hbm4b:s17+s2] =	stream.linear.scatter [tilespmem:s12], [sflag:$0x2], $0x1400, $0x38;
	[tilespmem:$0x28A0] =	vst v63  }
0x3a: {  	_ =	swait.ge [sflag:s10], $0x1400  }
.Ltmp0:
0x3b: {  	[sflag:s10] =	ssyncset.done $0x0;
	(pc) =	sbr.rel @p0 .LBB2_2-.Ltmp0, $4  }
0x3c: {  	[sflag:s10] =	ssyncadd.s32 $0xFFFFEC00  }
0x3d: {  	[hbm4b:s16+s2] =	stream.linear.scatter [tilespmem:s13], [sflag:$0x2], $0x1400, $0x38;
	[tilespmem:$0x28A0] =	vst v63  }
0x3e: {  	s19 =	smov.u32 s22;
	_ =	swait.ge [sflag:s10], $0x1400  }
0x3f: {  	s17 =	sadd.s32 $0x280, s17;
	s16 =	sadd.s32 $0x280, s16;
	[sflag:s10] =	ssyncset.done $0x0  }
0x40: {  	s19 =	sadd.s32 s18, s9;
	[sflag:s10] =	ssyncadd.s32 $0xFFFFEC00  }
0x41: {  	[tilespmem:s2], [sflag:$0x2] =	stream.linear.gather [hbm4b:s19+s2], $0x50, $0x38;
	[tilespmem:$0x28A0] =	vst v63  }
0x42: {  	_ =	swait.ge [sflag:s10], $0x50  }
0x43: {  	[sflag:s10] =	ssyncset.done $0x0  }
0x44: {  	s31 =	sadd.s32 s18, s8;
	[sflag:s10] =	ssyncadd.s32 $0xFFFFFFB0  }
0x45: {  	[tilespmem:s11], [sflag:$0x2] =	stream.linear.gather [hbm4b:s31+s2], $0x50, $0x38;
	[tilespmem:$0x28A0] =	vst v63  }
0x46: {  	_ =	swait.ge [sflag:s10], $0x50  }
0x47: {  	[sflag:s10] =	ssyncset.done $0x0  }
0x48: {  	[sflag:s10] =	ssyncadd.s32 $0xFFFFFFB0  }
0x49: {  	[tilespmem:s12], [sflag:$0x1] =	stream.indirect.gather [hbm4b:s3+s11], $0x40, s2, s11, $0xb8;
	[tilespmem:$0x28A0] =	vst v63  }
0x4a: {  	_ = 	snop  }
0x4b: {  	[tilespmem:s13], [sflag:$0x1] =	stream.indirect.gather [hbm4b:s4+s11], $0x40, s11, s11, $0xb8;
	[tilespmem:$0x28A0] =	vst v63  }
0x4c: {  	_ =	swait.ge [sflag:s14], $0x1400  }
0x4d: {  	[sflag:s14] =	ssyncset.done $0x0  }
0x4e: {  	[sflag:s14] =	ssyncadd.s32 $0xFFFFEC00  }
0x4f: {  	_ =	swait.ge [sflag:s14], $0x1400  }
0x50: {  	[sflag:s14] =	ssyncset.done $0x0  }
0x51: {  	[sflag:s14] =	ssyncadd.s32 $0xFFFFEC00  }
0x52: {  	[hbm4b:s17+s2] =	stream.linear.scatter [tilespmem:s12], [sflag:$0x2], $0x1400, $0x38;
	[tilespmem:$0x28A0] =	vst v63  }
0x53: {  	s15 =	sadd.s32 $0x1, s15;
	_ =	swait.ge [sflag:s10], $0x1400  }
0x54: {  	p0 =	sne.s32 s15, s5;
	[sflag:s10] =	ssyncset.done $0x0  }
.Ltmp1:
0x55: {  	[sflag:s10] =	ssyncadd.s32 $0xFFFFEC00;
	(pc) =	sbr.rel @p0 .LBB2_1-.Ltmp1, $4  }
0x56: {  	[hbm4b:s16+s2] =	stream.linear.scatter [tilespmem:s13], [sflag:$0x2], $0x1400, $0x38;
	[tilespmem:$0x28A0] =	vst v63  }
0x57: {  	_ =	swait.ge [sflag:s10], $0x1400  }
0x58: {  	[sflag:s10] =	ssyncset.done $0x0  }
0x59: {  	[sflag:s10] =	ssyncadd.s32 $0xFFFFEC00  }
0x5a: {  	_ =	sfence.sel $0x180000  }
0x5b: {  	[bflag:$0x0] =	sbarrier.arrive $0xFFFF  }
0x5c: {  	p0 =	sne.s32 s1, $0x0;
	_ =	strace $0x90000053  }
0x5d: {  	s0 =	sadd.s32 @!p0 $0x100000, s0;
	[bflag:$0x2] =	sbarrier.arrive $0xFFFF  }
0x5e: {  	[sflag:s0] =	ssyncadd.tile.s32 @!p0 $0x1;
	_ =	shalt  }
.Lfunc_end2:
_tile_overlayer_lowered:
.L_overlay_start_2:
0x5f: {  	(tag) =	ssettag $0x2  }
0x60: {  	s0 =	rddreg [dreg:$0x0];
	s2 =	stileid.u32  }
0x61: {  	s1 =	rddreg [dreg:$0x1];
	p0 =	sne.s32 s2, $0x0  }
0x62: {  	s3 =	rddreg [dreg:$0x2];
	[bflag:$0x3] =	sbarrier.arrive $0xFFFF;
	s2 =	simm.s32 @!p0 $0x1C02  }
0x63: {  	[timem:s3], [sflag:s2] =	dma.local @!p0 [hbm:s0], s1  }
0x64: {  	s0 =	simm.s32 @!p0 $0x2  }
0x65: {  	_ =	swait.ge @!p0 [sflag:s0], s1  }
0x66: {  	s1 =	ssub.s32 @!p0 $0x0, s1;
	[sflag:s0] =	ssyncset.done @!p0 $0x0  }
0x67: {  	[sflag:s0] =	ssyncadd.s32 @!p0 s1  }
0x68: {  	[bflag:$0x3] =	sbarrier.arrive $0xFFFF  }
0x69: {  	_ =	shalt  }

// kernel: kernel.39.cloned.1.call-start
scs
__scs_entry_jumppad:
0x0: {  	(pc) =	sbr.rel $0x88, $3  }
0x1: {  	(tag) =	ssettag $0x0;
	lr =	simm.s32 $0x1  }
0x2: {  	[smem:$0x3F6F] =	sst lr;
	_ =	strace $0xD0000000  }
0x3: {  	_ = 	snop  }
0x4: {  	_ = 	snop  }
0x5: {  	_ = 	snop  }
0x6: {  	_ = 	snop  }
0x7: {  	_ = 	snop  }
__scs_overlays_trampoline_lowered:
0x8: {  	[smem:$0x3F7E] =	sst s0  }
0x9: {  	[smem:$0x3F7F] =	sst s1  }
0xa: {  	[smem:$0x3F80] =	sst s2  }
0xb: {  	[smem:$0x3F81] =	sst s3  }
0xc: {  	[smem:$0x3F82] =	sst s4  }
0xd: {  	[smem:$0x3F83] =	sst s5  }
0xe: {  	[smem:$0x3F84] =	sst s6  }
0xf: {  	[smem:$0x3F85] =	sst s7  }
0x10: {  	[smem:$0x3F86] =	sst s8  }
0x11: {  	[smem:$0x3F87] =	sst s9;
	s0 =	simm.s32 @!p0 $0x0  }
0x12: {  	s1 =	sld [smem:$0x3F6D];
	s0 =	simm.s32 @p0 $0x1  }
0x13: {  	[smem:$0x3F88] =	sst s0;
	s0 =	simm.s32 @!p1 $0x0  }
0x14: {  	s2 =	sld [smem:$0x3F6C];
	s0 =	simm.s32 @p1 $0x1  }
0x15: {  	[smem:$0x3F89] =	sst s0;
	s0 =	simm.s32 @!p2 $0x0  }
0x16: {  	s3 =	sld [smem:$0x3FDB];
	s0 =	simm.s32 @p2 $0x1  }
0x17: {  	s4 =	simm.s32 $0x1BF5;
	[smem:$0x3F8B] =	sst s0  }
0x18: {  	s0 =	sld [smem:$0x3F6E];
	_ =	swait.ge [sflag:s4], $0x0  }
0x19: {  	s7 =	sld [smem:$0x3F6F]  }
0x1a: {  	s8 =	sadd.s32 $0xFFFFE003, lr  }
0x1b: {  	s9 =	sadd.s32 $0xFFFFFEF7, lr;
	s5 =	simm.s32 $0xFFFFFFFF;
	p2 =	slt.u32 s8, $0xFFFFF086  }
0x1c: {  	p1 =	slt.u32 s9, $0xF7A;
	s5 =	simm.s32 @!p2 $0x0  }
0x1d: {  	s5 =	simm.s32 @p1 $0x1;
	p0 =	seq.s32 s7, s2  }
0x1e: {  	s7 =	smul.u32 @!p0 $0xF7A, s2;
	p2 =	seq.s32 @!p0 s5, $0x0  }
0x1f: {  	s9 =	smul.u32 $0xF7A, s1;
	s8 =	simm.s32 @!p0 $0x1BF5;
	p2 =	por !p2, p0  }
0x20: {  	[sflag:s8] =	ssyncset.s32 @!p0 $0xFFFFF086;
	s6 =	sadd.s32 @!p0 s3, s7;
	s7 =	simm.s32 @!p0 $0x108  }
0x21: {  	s3 =	sadd.s32 s3, s9;
	s6 =	sadd.s32 @!p0 $0x88, s6;
	s7 =	simm.s32 @p2 $0x1082  }
0x22: {  	[simem:s7], [sflag:s8] =	dma.local @!p0 [hbm:s6], $0xF7A  }
0x23: {  	s9 =	sor.u32 $0xD0000000, s2;
	s6 =	simm.s32 $0x108;
	_ =	swait.ge @!p0 [sflag:s8], $0x0  }
0x24: {  	s3 =	sadd.s32 $0x88, s3;
	s6 =	simm.s32 @!p1 $0x1082;
	[sflag:s4] =	ssyncset.s32 $0xFFFFF086  }
0x25: {  	[simem:s6], [sflag:s4] =	dma.local [hbm:s3], $0xF7A  }
0x26: {  	[smem:$0x3F6F] =	sst s1;
	(tag) =	ssettag s2;
	_ =	strace s9  }
0x27: {  	s1 =	sld [smem:$0x3F7F]  }
0x28: {  	s2 =	sld [smem:$0x3F80]  }
0x29: {  	s4 =	sld [smem:$0x3F82]  }
0x2a: {  	p0 =	seq.s32 s5, $0x0;
	s5 =	sld [smem:$0x3F83]  }
0x2b: {  	s6 =	sld [smem:$0x3F84]  }
0x2c: {  	s7 =	sld [smem:$0x3F85]  }
0x2d: {  	s3 =	simm.s32 $0x108;
	s8 =	sld [smem:$0x3F86]  }
0x2e: {  	s3 =	simm.s32 @!p0 $0x1082;
	s9 =	sld [smem:$0x3F87]  }
0x2f: {  	lr =	sadd.s32 s0, s3;
	s0 =	sld [smem:$0x3F7E]  }
0x30: {  	s3 =	sld [smem:$0x3F81]  }
0x31: {  	[smem:$0x3F8A] =	sst s10  }
0x32: {  	s10 =	sld [smem:$0x3F88];
	_ =	sdelay $0x3  }
0x33: {  	p0 =	seq.s32 s10, $0x1;
	s10 =	sld [smem:$0x3F8A];
	_ =	sdelay $0x3  }
0x34: {  	[smem:$0x3F8A] =	sst s10  }
0x35: {  	s10 =	sld [smem:$0x3F89];
	_ =	sdelay $0x3  }
0x36: {  	p1 =	seq.s32 s10, $0x1;
	s10 =	sld [smem:$0x3F8A];
	_ =	sdelay $0x3  }
0x37: {  	[smem:$0x3F8A] =	sst s10  }
0x38: {  	s10 =	sld [smem:$0x3F8B]  }
0x39: {  	_ = 	snop;
	(pc) =	sbr.ind lr, $3  }
0x3a: {  	_ = 	snop  }
0x3b: {  	_ = 	snop  }
0x3c: {  	p2 =	seq.s32 s10, $0x1;
	s10 =	sld [smem:$0x3F8A]  }
0x3d: {  	_ =	shalt  }
0x3e: {  	_ =	shalt  }
0x3f: {  	_ =	shalt  }
0x40: {  	_ =	shalt  }
0x41: {  	_ =	shalt  }
0x42: {  	_ =	shalt  }
0x43: {  	_ =	shalt  }
0x44: {  	_ =	shalt  }
0x45: {  	_ =	shalt  }
0x46: {  	_ =	shalt  }
0x47: {  	_ =	shalt  }
0x48: {  	_ =	shalt  }
0x49: {  	_ =	shalt  }
0x4a: {  	_ =	shalt  }
0x4b: {  	_ =	shalt  }
0x4c: {  	_ =	shalt  }
0x4d: {  	_ =	shalt  }
0x4e: {  	_ =	shalt  }
0x4f: {  	_ =	shalt  }
0x50: {  	_ =	shalt  }
0x51: {  	_ =	shalt  }
0x52: {  	_ =	shalt  }
0x53: {  	_ =	shalt  }
0x54: {  	_ =	shalt  }
0x55: {  	_ =	shalt  }
0x56: {  	_ =	shalt  }
0x57: {  	_ =	shalt  }
0x58: {  	_ =	shalt  }
0x59: {  	_ =	shalt  }
0x5a: {  	_ =	shalt  }
0x5b: {  	_ =	shalt  }
0x5c: {  	_ =	shalt  }
0x5d: {  	_ =	shalt  }
0x5e: {  	_ =	shalt  }
0x5f: {  	_ =	shalt  }
0x60: {  	_ =	shalt  }
0x61: {  	_ =	shalt  }
0x62: {  	_ =	shalt  }
0x63: {  	_ =	shalt  }
0x64: {  	_ =	shalt  }
0x65: {  	_ =	shalt  }
0x66: {  	_ =	shalt  }
0x67: {  	_ =	shalt  }
0x68: {  	_ =	shalt  }
0x69: {  	_ =	shalt  }
0x6a: {  	_ =	shalt  }
0x6b: {  	_ =	shalt  }
0x6c: {  	_ =	shalt  }
0x6d: {  	_ =	shalt  }
0x6e: {  	_ =	shalt  }
0x6f: {  	_ =	shalt  }
0x70: {  	_ =	shalt  }
0x71: {  	_ =	shalt  }
0x72: {  	_ =	shalt  }
0x73: {  	_ =	shalt  }
0x74: {  	_ =	shalt  }
0x75: {  	_ =	shalt  }
0x76: {  	_ =	shalt  }
0x77: {  	_ =	shalt  }
0x78: {  	_ =	shalt  }
0x79: {  	_ =	shalt  }
0x7a: {  	_ =	shalt  }
0x7b: {  	_ =	shalt  }
0x7c: {  	_ =	shalt  }
0x7d: {  	_ =	shalt  }
0x7e: {  	_ =	shalt  }
0x7f: {  	_ =	shalt  }
0x80: {  	_ =	shalt  }
0x81: {  	_ =	shalt  }
0x82: {  	_ =	shalt  }
0x83: {  	_ =	shalt  }
0x84: {  	_ =	shalt  }
0x85: {  	_ =	shalt  }
0x86: {  	_ =	shalt  }
0x87: {  	_ =	shalt  }
.Lfunc_end0:
.L_simem_size_0:
called_computation.5_lowered:
.L_overlay_start_0:
0x88: {  	s2 =	sld [smem:$0x3FD9]  }
0x89: {  	s3 =	sld [smem:$0x3FFE];
	_ =	sdelay $0x1  }
0x8a: {  	s1 =	srdreg.scid  }
0x8b: {  	s0 =	sand.u32 $0x1, s1  }
0x8c: {  	s16 =	sshll.u32 s0, $0xA;
	s2 =	sadd.s32 s3, s2  }
0x8d: {  	s2 =	sadd.s32 s2, s16  }
0x8e: {  	[smem:$0x3F96] =	sst s2  }
0x8f: {  	_ = 	snop  }
0x90: {  	(tm) =	ssettm $0x1  }
0x91: {  	s17 =	sld [smem:$0x3FFB];
	_ =	sdelay $0x3  }
0x92: {  	_ =	strace s17  }
0x93: {  	s2 =	sld [smem:$0x3FFC];
	_ =	sdelay $0x3  }
0x94: {  	_ =	strace s2  }
0x95: {  	s2 =	sld [smem:$0x3FFD];
	_ =	sdelay $0x3  }
0x96: {  	_ =	strace s2  }
0x97: {  	_ =	strace $0x8FFFFFFF  }
0x98: {  	s18 =	sld [smem:$0x3FDB];
	_ =	sdelay $0x1  }
0x99: {  	s19 =	simm.s32 $_scs_section_size  }
0x9a: {  	s4 =	simm.s32 $_size__tile_overlayer_lowered;
	s5 =	simm.s32 $_tile_overlayer_lowered  }
0x9b: {  	s22 =	simm.s32 $0x1BFF;
	s21 =	sshll.u32 s5, $0x1;
	s2 =	sadd.s32 s19, s18  }
0x9c: {  	s6 =	simm.s32 $0x0;
	s20 =	sshll.u32 s4, $0x1;
	s4 =	sadd.s32 s21, s2  }
0x9d: {  	[timem:s6], [sflag:s22] =	dma.local [hbm:s4], s20  }
0x9e: {  	_ =	swait.ge [sflag:s22], s20  }
0x9f: {  	s3 =	ssub.s32 $0x0, s20;
	[sflag:s22] =	ssyncset.done $0x0  }
0xa0: {  	[sflag:s22] =	ssyncadd.s32 s3;
	_ =	sdelay $0x1  }
0xa1: {  	s23 =	simm.s32 $0x1B8B  }
0xa2: {  	_ =	swait.ge [sflag:s23], $0x1  }
0xa3: {  	[sflag:s23] =	ssyncset.done $0x0  }
0xa4: {  	s25 =	simm.s32 $0x1B8E;
	s24 =	sld [smem:$0x3FFE];
	[sflag:s23] =	ssyncadd.s32 $0xFFFFFFFF  }
0xa5: {  	s26 =	simm.s32 $execute0_lowered;
	[smem:$0x3FD2] =	sst s25  }
0xa6: {  	s4 =	sshll.u32 s26, $0x1;
	_ =	strace $0x80000055;
	[dreg:$0x1] =	wrdreg $0xFFFFFFFF  }
0xa7: {  	s28 =	simm.s32 $_size_execute0_lowered;
	s2 =	sadd.s32 s2, s4;
	[dreg:$0x0] =	wrdreg $0x0  }
0xa8: {  	s4 =	sshll.u32 s28, $0x1;
	[dreg:$0x2] =	wrdreg s2  }
0xa9: {  	[dreg:$0x3] =	wrdreg s4  }
0xaa: {  	[dreg:$0x4] =	wrdreg $0xC0  }
0xab: {  	_ =	task [dreg:s6], $0x5FFFF  }
0xac: {  	[dreg:$0x1] =	wrdreg $0xFFFFFFFF  }
0xad: {  	[dreg:$0x0] =	wrdreg $0x60  }
0xae: {  	[dreg:$0x2] =	wrdreg s24  }
0xaf: {  	[dreg:$0x3] =	wrdreg $0x14500  }
0xb0: {  	[dreg:$0x4] =	wrdreg $0x9  }
0xb1: {  	_ =	task.clear_ibuf [dreg:s6], $0x5FFFF;
	_ =	strace $0x90000055  }
0xb2: {  	s29 =	simm.s32 $0x9;
	_ =	strace $0x80000057  }
0xb3: {  	_ =	swait.ge [sflag:s29], $0x1  }
0xb4: {  	[sflag:s29] =	ssyncadd.s32 $0xFFFFFFFF  }
0xb5: {  	_ =	strace $0x90000057  }
0xb6: {  	_ =	sfence  }
0xb7: {  	s30 =	sld [smem:$0x0];
	_ =	sdelay $0x2  }
0xb8: {  	s31 =	sshll.u32 s1, $0xD;
	s1 =	sshrl.u32 s1, $0x2  }
0xb9: {  	s3 =	sand.u32 $0x4000, s31;
	s1 =	sadd.s32 s1, s30  }
0xba: {  	s0 =	sor.u32 s3, s0;
	s1 =	sshll.u32 s1, $0x11  }
0xbb: {  	s0 =	sor.u32 s1, s0  }
0xbc: {  	s0 =	sadd.s32 $0x8F2B, s0  }
0xbd: {  	[sflag:s0] =	ssyncadd.remote.s32 $0x1  }
0xbe: {  	_ =	sfence.sel $0xFFFF  }
0xbf: {  	[dreg:$0x0] =	wrdreg $0xFFFFFFFF;
	(pc) =	sbr.abs _section_cstart, $3  }
0xc0: {  	[dreg:$0x1] =	wrdreg $0xFFFFFFFF  }
0xc1: {  	_ =	task.clear_ibuf [dreg:s6], $0x2FFFF;
	_ =	strace $0x9FFFFFFF  }
0xc2: {  	(tm) =	ssettm $0x7FFFFFFF  }
0xc3: {  	_ =	shalt  }
tec
execute0_lowered:
.L_overlay_start_1:
0x0: {  	(tag) =	ssettag $0x1  }
0x1: {  	s0 =	srdreg.scid;
	s11 =	stileid.u32  }
0x2: {  	s4 =	rddreg [dreg:$0x0];
	s6 =	smul.u32 $0x4E20, s11  }
0x3: {  	s1 =	rddreg [dreg:$0x1];
	s7 =	smul.u32 $0x27100, s11  }
0x4: {  	s2 =	simm.s32 $0x0;
	s10 =	simm.s32 $0x50;
	s8 =	smul.u32 $0xA00, s11  }
0x5: {  	s3 =	sand.u32 $0x1, s0;
	s0 =	rddreg [dreg:$0x2];
	s29 =	smul.u32 $0x14000, s11  }
0x6: {  	s13 =	simm.s32 $0x0;
	[smem:$0x7FF] =	sst s2;
	s5 =	smul.u32 $0x4E200, s3  }
0x7: {  	p0 =	sne.s32 s11, $0x0;
	s11 =	sshll.u32 s11, $0x6;
	s25 =	smul.u32 $0xA000, s3  }
0x8: {  	_ =	strace $0x80000056;
	s28 =	ssub.s32 $0x2, s3;
	s3 =	sadd.s32 $0x32600, s4  }
0x9: {  	s11 =	sor.u32 $0x1C01, s11;
	s7 =	sadd.s32 s7, s4;
	s30 =	sshrl.u32 s28, $0x1  }
0xa: {  	s31 =	sshrl.u32 s29, $0x2;
	s5 =	sadd.s32 s5, s6;
	s26 =	sadd.s32 s8, s25  }
0xb: {  	s12 =	sadd.s32 s31, s1;
	s7 =	sadd.s32 $0x3CA00, s7;
	s5 =	sshrl.u32 s5, $0x3  }
0xc: {  	s8 =	sshrl.u32 @!p0 s1, $0x3;
	s9 =	sadd.s32 s5, s4;
	s4 =	sadd.s32 s26, s4  }
0xd: {  	s12 =	sshrl.u32 s12, $0x3;
	s5 =	ssub.s32 s28, s30;
	s4 =	sadd.s32 $0x2ADA00, s4  }
0xe: {  	s5 =	smax.u32 s5, $0x1;
	s6 =	sadd.s32 $0xA32200, s9;
	s9 =	simm.s32 $0x1  }
.LBB2_1:
0xf: {  	s14 =	simm.s32 @!p0 $0x1C01  }
0x10: {  	[spmem:s8], [sflag:s14] =	dma.local @!p0 [hbm:s3], $0xA400  }
0x11: {  	s14 =	simm.s32 @!p0 $0x1  }
0x12: {  	_ =	swait.ge @!p0 [sflag:s14], $0xA400  }
0x13: {  	[sflag:s14] =	ssyncset.done @!p0 $0x0  }
0x14: {  	[sflag:s14] =	ssyncadd.s32 @!p0 $0xFFFF5C00  }
0x15: {  	s31 =	sadd.s32 $0x0, s6;
	[bflag:$0x0] =	sbarrier.arrive $0xFFFF  }
0x16: {  	[tilespmem:s2], [sflag:$0x1] =	stream.linear.gather [hbm4b:s31+s2], $0x50, $0x38;
	[tilespmem:$0x6650] =	vst v63  }
0x17: {  	_ =	swait.ge [sflag:s9], $0x50  }
0x18: {  	[sflag:s9] =	ssyncset.done $0x0  }
0x19: {  	[sflag:s9] =	ssyncadd.s32 $0xFFFFFFB0  }
0x1a: {  	[tilespmem:s10], [sflag:$0x1] =	stream.linear.gather [hbm4b:s7+s2], $0x1400, $0x38;
	[tilespmem:$0x6650] =	vst v63  }
0x1b: {  	_ =	swait.ge [sflag:s9], $0x1400  }
0x1c: {  	[sflag:s9] =	ssyncset.done $0x0  }
0x1d: {  	[sflag:s9] =	ssyncadd.s32 $0xFFFFEC00  }
0x1e: {  	[spmem:s1] =	stream.indirect.scatter.add.f32 [tilespmem:s10], [sflag:$0x1], $0x40, s2, s10, $0xb8;
	[tilespmem:$0x6650] =	vst v63  }
0x1f: {  	s15 =	simm.s32 $0xA;
	_ =	swait.ge [sflag:s9], $0x1400  }
0x20: {  	s16 =	simm.s32 $0x14;
	s14 =	sadd.s32 $0x280, s7;
	[sflag:s9] =	ssyncset.done $0x0  }
.LBB2_2:
0x21: {  	s17 =	sadd.s32 s15, s6  }
0x22: {  	[sflag:s9] =	ssyncadd.s32 $0xFFFFEC00;
	s15 =	smov.u32 s16;
	s18 =	sadd.s32 $0xA, s16  }
0x23: {  	[tilespmem:s2], [sflag:$0x1] =	stream.linear.gather [hbm4b:s17+s2], $0x50, $0x38;
	[tilespmem:$0x6650] =	vst v63  }
0x24: {  	p1 =	sne.s32 s16, $0x9BA;
	_ =	swait.ge [sflag:s9], $0x50  }
0x25: {  	[sflag:s9] =	ssyncset.done $0x0  }
0x26: {  	[sflag:s9] =	ssyncadd.s32 $0xFFFFFFB0  }
0x27: {  	[tilespmem:s10], [sflag:$0x1] =	stream.linear.gather [hbm4b:s14+s2], $0x1400, $0x38;
	[tilespmem:$0x6650] =	vst v63  }
0x28: {  	_ =	swait.ge [sflag:s9], $0x1400  }
.Ltmp0:
0x29: {  	[sflag:s9] =	ssyncset.done $0x0;
	(pc) =	sbr.rel @p1 .LBB2_2-.Ltmp0, $4  }
0x2a: {  	[sflag:s9] =	ssyncadd.s32 $0xFFFFEC00  }
0x2b: {  	[spmem:s1] =	stream.indirect.scatter.add.f32 [tilespmem:s10], [sflag:$0x1], $0x40, s2, s10, $0xb8;
	[tilespmem:$0x6650] =	vst v63  }
0x2c: {  	_ =	swait.ge [sflag:s9], $0x1400  }
0x2d: {  	s16 =	smov.u32 s18;
	s14 =	sadd.s32 $0x280, s14;
	[sflag:s9] =	ssyncset.done $0x0  }
0x2e: {  	s15 =	sadd.s32 s15, s6;
	[sflag:s9] =	ssyncadd.s32 $0xFFFFEC00  }
0x2f: {  	[tilespmem:s2], [sflag:$0x1] =	stream.linear.gather [hbm4b:s15+s2], $0x50, $0x38;
	[tilespmem:$0x6650] =	vst v63  }
0x30: {  	_ =	swait.ge [sflag:s9], $0x50  }
0x31: {  	[sflag:s9] =	ssyncset.done $0x0  }
0x32: {  	[sflag:s9] =	ssyncadd.s32 $0xFFFFFFB0  }
0x33: {  	[tilespmem:s10], [sflag:$0x1] =	stream.linear.gather [hbm4b:s14+s2], $0x1400, $0x38;
	[tilespmem:$0x6650] =	vst v63  }
0x34: {  	_ =	swait.ge [sflag:s9], $0x1400  }
0x35: {  	[sflag:s9] =	ssyncset.done $0x0  }
0x36: {  	[sflag:s9] =	ssyncadd.s32 $0xFFFFEC00  }
0x37: {  	[spmem:s1] =	stream.indirect.scatter.add.f32 [tilespmem:s10], [sflag:$0x1], $0x40, s2, s10, $0xb8;
	[tilespmem:$0x6650] =	vst v63  }
0x38: {  	_ =	swait.ge [sflag:s9], $0x1400  }
0x39: {  	s13 =	sadd.s32 $0x1, s13;
	[sflag:s9] =	ssyncset.done $0x0  }
0x3a: {  	p1 =	sne.s32 s13, s5;
	[sflag:s9] =	ssyncadd.s32 $0xFFFFEC00  }
.Ltmp1:
0x3b: {  	[bflag:$0x0] =	sbarrier.arrive $0xFFFF;
	(pc) =	sbr.rel @p1 .LBB2_1-.Ltmp1, $4  }
0x3c: {  	[hbm:s4], [sflag:s11] =	dma.local [spmem:s12], $0xA00  }
0x3d: {  	_ =	swait.ge [sflag:s9], $0xA00  }
0x3e: {  	[sflag:s9] =	ssyncset.done $0x0  }
0x3f: {  	[sflag:s9] =	ssyncadd.s32 $0xFFFFF600  }
0x40: {  	_ =	sfence.sel $0x180000  }
0x41: {  	[bflag:$0x0] =	sbarrier.arrive $0xFFFF  }
0x42: {  	_ =	strace $0x90000056  }
0x43: {  	s0 =	sadd.s32 @!p0 $0x100000, s0;
	[bflag:$0x2] =	sbarrier.arrive $0xFFFF  }
0x44: {  	[sflag:s0] =	ssyncadd.tile.s32 @!p0 $0x1;
	_ =	shalt  }
.Lfunc_end2:
_tile_overlayer_lowered:
.L_overlay_start_2:
0x45: {  	(tag) =	ssettag $0x2  }
0x46: {  	s0 =	rddreg [dreg:$0x0];
	s2 =	stileid.u32  }
0x47: {  	s1 =	rddreg [dreg:$0x1];
	p0 =	sne.s32 s2, $0x0  }
0x48: {  	s3 =	rddreg [dreg:$0x2];
	[bflag:$0x3] =	sbarrier.arrive $0xFFFF;
	s2 =	simm.s32 @!p0 $0x1C01  }
0x49: {  	[timem:s3], [sflag:s2] =	dma.local @!p0 [hbm:s0], s1  }
0x4a: {  	s0 =	simm.s32 @!p0 $0x1  }
0x4b: {  	_ =	swait.ge @!p0 [sflag:s0], s1  }
0x4c: {  	s1 =	ssub.s32 @!p0 $0x0, s1;
	[sflag:s0] =	ssyncset.done @!p0 $0x0  }
0x4d: {  	[sflag:s0] =	ssyncadd.s32 @!p0 s1  }
0x4e: {  	[bflag:$0x3] =	sbarrier.arrive $0xFFFF  }
0x4f: {  	_ =	shalt  }

</sc_bundles>
